<compile_context>
chip_gen: v7x
topology: tpu7x:2x2x1
jax: 0.10.2.dev20260603
libtpu: 0.0.44.dev20260713+nightly
codegen_flags: <defaults>
</compile_context>

<pallas_src>
import functools
import jax
import jax.numpy as jnp
from jax import lax
from jax.experimental import pallas as pl
from jax.experimental.pallas import tpu as pltpu
from jax.experimental.pallas import tpu_sc as plsc

T = 2048
D = 1024
F = 512
E = 64
K = 2
C = 128
EC = E * C

NW = 32
TPW = T // NW
PPW = TPW * K
SPW = EC // NW

NEG = -1e30


def _wid():
    return lax.axis_index("s") * 2 + lax.axis_index("c")


def _mesh():
    return plsc.VectorSubcoreMesh(core_axis_name="c", subcore_axis_name="s")



def _router_body(x_ref, g_ref, out_ref):
    xb = x_ref[...]
    gw = g_ref[...]
    logits = lax.dot_general(gw, xb, (((1,), (1,)), ((), ())),
                             preferred_element_type=jnp.float32)
    out_ref[...] = logits[None]


def _router(x, gate_weight):
    return pl.pallas_call(
        _router_body,
        grid=(NW,),
        in_specs=[
            pl.BlockSpec((TPW, D), lambda i: (i, 0)),
            pl.BlockSpec((E, D), lambda i: (0, 0)),
        ],
        out_specs=pl.BlockSpec((1, E, TPW), lambda i: (i, 0, 0)),
        out_shape=jax.ShapeDtypeStruct((NW, E, TPW), jnp.float32),
    )(x, gate_weight)



def _meta1_body(lg_hbm, pe_hbm, pw_hbm, lp_hbm, hist_hbm,
                lg_v, iv_v, wv_v, hist_v, pe_s, pw_s, lp_s, pec_v):
    w = _wid()
    pltpu.sync_copy(lg_hbm.at[w], lg_v)

    lanes = lax.iota(jnp.int32, 16)
    zero_i = jnp.zeros((16,), jnp.int32)
    zero_f = jnp.zeros((16,), jnp.float32)

    for c in range(TPW // 16):
        def esteep(e, carry):
            m1, i1, m2, i2 = carry
            v = lg_v[e, pl.ds(c * 16, 16)]
            ev = zero_i + e
            gt1 = v > m1
            gt2 = v > m2
            m2n = jnp.where(gt1, m1, jnp.where(gt2, v, m2))
            i2n = jnp.where(gt1, i1, jnp.where(gt2, ev, i2))
            m1n = jnp.where(gt1, v, m1)
            i1n = jnp.where(gt1, ev, i1)
            return m1n, i1n, m2n, i2n
        m1, i1, m2, i2 = lax.fori_loop(
            0, E, esteep,
            (zero_f + NEG, zero_i, zero_f + NEG, zero_i))
        t = jnp.exp(m2 - m1)
        w1 = 1.0 / (1.0 + t)
        w2 = 1.0 - w1
        iv_v[pl.ds(c * 16, 16)] = i1
        iv_v[pl.ds(TPW + c * 16, 16)] = i2
        wv_v[pl.ds(c * 16, 16)] = w1
        wv_v[pl.ds(TPW + c * 16, 16)] = w2

    for q in range(E // 16):
        hist_v[pl.ds(q * 16, 16)] = zero_i

    def pstep(c2, _):
        p_loc = c2 * 16 + lanes
        tok_l = lax.shift_right_logical(p_loc, 1)
        kk = lax.bitwise_and(p_loc, 1)
        flat = kk * TPW + tok_l
        pe_c = plsc.load_gather(iv_v, [flat])
        pw_c = plsc.load_gather(wv_v, [flat])
        base = plsc.load_gather(hist_v, [pe_c])
        pec_v[pl.ds(16, 16)] = pe_c
        dup = zero_i
        tot = zero_i
        for j in range(16):
            b = plsc.load_gather(pec_v, [zero_i + (16 + j)])
            eq = pe_c == b
            dup = dup + jnp.where(eq & (lanes > j), 1, 0)
            tot = tot + jnp.where(eq, 1, 0)
        plsc.store_scatter(hist_v, [pe_c], base + tot)
        pe_s[pl.ds(c2 * 16, 16)] = pe_c
        pw_s[pl.ds(c2 * 16, 16)] = pw_c
        lp_s[pl.ds(c2 * 16, 16)] = base + dup
        return 0

    lax.fori_loop(0, PPW // 16, pstep, 0)

    pltpu.sync_copy(pe_s, pe_hbm.at[pl.ds(w * PPW, PPW)])
    pltpu.sync_copy(pw_s, pw_hbm.at[pl.ds(w * PPW, PPW)])
    pltpu.sync_copy(lp_s, lp_hbm.at[pl.ds(w * PPW, PPW)])
    pltpu.sync_copy(hist_v, hist_hbm.at[w])


def _meta1(logits3d):
    return pl.kernel(
        _meta1_body,
        out_type=[
            jax.ShapeDtypeStruct((T * K,), jnp.int32),
            jax.ShapeDtypeStruct((T * K,), jnp.float32),
            jax.ShapeDtypeStruct((T * K,), jnp.int32),
            jax.ShapeDtypeStruct((NW, E), jnp.int32),
        ],
        mesh=_mesh(),
        compiler_params=pltpu.CompilerParams(needs_layout_passes=False),
        scratch_types=[
            pltpu.VMEM((E, TPW), jnp.float32),
            pltpu.VMEM((K * TPW,), jnp.int32),
            pltpu.VMEM((K * TPW,), jnp.float32),
            pltpu.VMEM((E,), jnp.int32),
            pltpu.VMEM((PPW,), jnp.int32),
            pltpu.VMEM((PPW,), jnp.float32),
            pltpu.VMEM((PPW,), jnp.int32),
            pltpu.VMEM((32,), jnp.int32),
        ],
    )(logits3d)



def _meta2_body(pe_hbm, pw_hbm, lp_hbm, hist_hbm,
                slot_hbm, wv_hbm, sk0_hbm, sk1_hbm,
                hall_v, offs_v, pe_v, pw_v, lp_v,
                slot_s, wv_s, sidx_v, sk_s):
    w = _wid()
    pltpu.sync_copy(hist_hbm, hall_v)
    pltpu.sync_copy(pe_hbm.at[pl.ds(w * PPW, PPW)], pe_v)
    pltpu.sync_copy(pw_hbm.at[pl.ds(w * PPW, PPW)], pw_v)
    pltpu.sync_copy(lp_hbm.at[pl.ds(w * PPW, PPW)], lp_v)

    lanes = lax.iota(jnp.int32, 16)
    zero_i = jnp.zeros((16,), jnp.int32)

    for q in range(E // 16):
        def hsum(v, acc):
            return acc + hall_v[v, pl.ds(q * 16, 16)]
        offs_v[pl.ds(q * 16, 16)] = lax.fori_loop(0, w, hsum, zero_i)

    def cstep(c, _):
        pe_c = pe_v[pl.ds(c * 16, 16)]
        pw_c = pw_v[pl.ds(c * 16, 16)]
        pos = plsc.load_gather(offs_v, [pe_c]) + lp_v[pl.ds(c * 16, 16)]
        valid = pos < C
        slot = pe_c * C + pos
        slot_s[pl.ds(c * 16, 16)] = jnp.where(valid, slot, pe_c * C)
        wv_s[pl.ds(c * 16, 16)] = pw_c * valid.astype(jnp.float32)
        sidx_v[pl.ds(c * 16, 16)] = jnp.where(valid, slot, EC)
        return 0

    lax.fori_loop(0, PPW // 16, cstep, 0)

    for q in range(TPW // 16):
        ev = (lanes + q * 16) * 2
        sk_s[pl.ds(q * 16, 16)] = plsc.load_gather(sidx_v, [ev])
        sk_s[pl.ds(TPW + q * 16, 16)] = plsc.load_gather(sidx_v, [ev + 1])

    pltpu.sync_copy(slot_s, slot_hbm.at[pl.ds(w * PPW, PPW)])
    pltpu.sync_copy(wv_s, wv_hbm.at[pl.ds(w * PPW, PPW)])
    pltpu.sync_copy(sk_s.at[pl.ds(0, TPW)], sk0_hbm.at[pl.ds(w * TPW, TPW)])
    pltpu.sync_copy(sk_s.at[pl.ds(TPW, TPW)], sk1_hbm.at[pl.ds(w * TPW, TPW)])


def _meta2(pe, pw, lp, hist):
    return pl.kernel(
        _meta2_body,
        out_type=[
            jax.ShapeDtypeStruct((T * K,), jnp.int32),
            jax.ShapeDtypeStruct((T * K,), jnp.float32),
            jax.ShapeDtypeStruct((T,), jnp.int32),
            jax.ShapeDtypeStruct((T,), jnp.int32),
        ],
        mesh=_mesh(),
        compiler_params=pltpu.CompilerParams(needs_layout_passes=False),
        scratch_types=[
            pltpu.VMEM((NW, E), jnp.int32),
            pltpu.VMEM((E,), jnp.int32),
            pltpu.VMEM((PPW,), jnp.int32),
            pltpu.VMEM((PPW,), jnp.float32),
            pltpu.VMEM((PPW,), jnp.int32),
            pltpu.VMEM((PPW,), jnp.int32),
            pltpu.VMEM((PPW,), jnp.float32),
            pltpu.VMEM((PPW,), jnp.int32),
            pltpu.VMEM((PPW,), jnp.int32),
        ],
    )(pe, pw, lp, hist)



def _dispatch_body(sk0_hbm, sk1_hbm, x_hbm, buf_hbm,
                   i0_v, i1_v, rows_v, sem0, sem1):
    w = _wid()
    pltpu.sync_copy(sk0_hbm.at[pl.ds(w * TPW, TPW)], i0_v)
    pltpu.sync_copy(sk1_hbm.at[pl.ds(w * TPW, TPW)], i1_v)
    pltpu.sync_copy(x_hbm.at[pl.ds(w * TPW, TPW)], rows_v)
    d0 = pltpu.async_copy(rows_v, buf_hbm.at[i0_v], sem0)
    d1 = pltpu.async_copy(rows_v, buf_hbm.at[i1_v], sem1)
    d0.wait()
    d1.wait()


def _dispatch(sk0, sk1, x):
    return pl.kernel(
        _dispatch_body,
        out_type=jax.ShapeDtypeStruct((EC + C, D), jnp.float32),
        mesh=_mesh(),
        compiler_params=pltpu.CompilerParams(needs_layout_passes=False),
        scratch_types=[
            pltpu.VMEM((TPW,), jnp.int32),
            pltpu.VMEM((TPW,), jnp.int32),
            pltpu.VMEM((TPW, D), jnp.float32),
            pltpu.SemaphoreType.DMA,
            pltpu.SemaphoreType.DMA,
        ],
    )(sk0, sk1, x)



def _moe_body(buf_ref, w1_ref, w3_ref, w2_ref, out_ref):
    xb = buf_ref[...]
    g = lax.dot_general(xb, w1_ref[0], (((1,), (1,)), ((), ())),
                        preferred_element_type=jnp.float32)
    u = lax.dot_general(xb, w3_ref[0], (((1,), (1,)), ((), ())),
                        preferred_element_type=jnp.float32)
    h = g * jax.nn.sigmoid(g) * u
    out_ref[...] = lax.dot_general(h, w2_ref[0], (((1,), (1,)), ((), ())),
                                   preferred_element_type=jnp.float32)


def _moe_mlp(buf, w1, w3, w2):
    return pl.pallas_call(
        _moe_body,
        grid=(E,),
        in_specs=[
            pl.BlockSpec((C, D), lambda e: (e, 0)),
            pl.BlockSpec((1, F, D), lambda e: (e, 0, 0)),
            pl.BlockSpec((1, F, D), lambda e: (e, 0, 0)),
            pl.BlockSpec((1, D, F), lambda e: (e, 0, 0)),
        ],
        out_specs=pl.BlockSpec((C, D), lambda e: (e, 0)),
        out_shape=jax.ShapeDtypeStruct((EC, D), jnp.float32),
    )(buf, w1, w3, w2)



_SB = 256


def _shared_body(x_ref, w1_ref, w3_ref, w2_ref, out_ref):
    xb = x_ref[...]
    g = lax.dot_general(xb, w1_ref[...], (((1,), (1,)), ((), ())),
                        preferred_element_type=jnp.float32)
    u = lax.dot_general(xb, w3_ref[...], (((1,), (1,)), ((), ())),
                        preferred_element_type=jnp.float32)
    h = g * jax.nn.sigmoid(g) * u
    out_ref[...] = lax.dot_general(h, w2_ref[...], (((1,), (1,)), ((), ())),
                                   preferred_element_type=jnp.float32)


def _shared_mlp(x, sw1, sw3, sw2):
    return pl.pallas_call(
        _shared_body,
        grid=(T // _SB,),
        in_specs=[
            pl.BlockSpec((_SB, D), lambda i: (i, 0)),
            pl.BlockSpec((F, D), lambda i: (0, 0)),
            pl.BlockSpec((F, D), lambda i: (0, 0)),
            pl.BlockSpec((D, F), lambda i: (0, 0)),
        ],
        out_specs=pl.BlockSpec((_SB, D), lambda i: (i, 0)),
        out_shape=jax.ShapeDtypeStruct((T, D), jnp.float32),
    )(x, sw1, sw3, sw2)



_CCH = 16
_CNC = TPW // _CCH


def _combine_body(slot_hbm, wv_hbm, ebuf_hbm, sh_hbm, out_hbm,
                  slot_v, wvv_v, grows0, grows1, out_v, sem0, sem1):
    w = _wid()
    grows = (grows0, grows1)
    sems = (sem0, sem1)
    pltpu.sync_copy(slot_hbm.at[pl.ds(w * PPW, PPW)], slot_v)
    pltpu.sync_copy(wv_hbm.at[pl.ds(w * PPW, PPW)], wvv_v)

    def stage(h, b):
        return pltpu.async_copy(
            ebuf_hbm.at[slot_v.at[pl.ds(h * _CCH * K, _CCH * K)]],
            grows[b], sems[b])

    g = stage(0, 0)
    for h in range(_CNC):
        b = h % 2
        tbase = w * TPW + h * _CCH
        pltpu.sync_copy(sh_hbm.at[pl.ds(tbase, _CCH)], out_v)
        g.wait()
        if h + 1 < _CNC:
            g = stage(h + 1, 1 - b)

        def tstep(r, _):
            pbase = h * _CCH * K + 2 * r
            wb1 = plsc.load_gather(wvv_v, [jnp.zeros((16,), jnp.int32) + pbase])
            wb2 = plsc.load_gather(
                wvv_v, [jnp.zeros((16,), jnp.int32) + (pbase + 1)])

            def vstep(v, _):
                g1 = grows[b][2 * r, pl.ds(v * 16, 16)]
                g2 = grows[b][2 * r + 1, pl.ds(v * 16, 16)]
                acc = out_v[r, pl.ds(v * 16, 16)]
                out_v[r, pl.ds(v * 16, 16)] = acc + wb1 * g1 + wb2 * g2
                return 0

            lax.fori_loop(0, D // 16, vstep, 0)
            return 0

        lax.fori_loop(0, _CCH, tstep, 0)
        pltpu.sync_copy(out_v, out_hbm.at[pl.ds(tbase, _CCH)])


def _combine(slot, wv, ebuf, shared):
    return pl.kernel(
        _combine_body,
        out_type=jax.ShapeDtypeStruct((T, D), jnp.float32),
        mesh=_mesh(),
        compiler_params=pltpu.CompilerParams(needs_layout_passes=False),
        scratch_types=[
            pltpu.VMEM((PPW,), jnp.int32),
            pltpu.VMEM((PPW,), jnp.float32),
            pltpu.VMEM((_CCH * K, D), jnp.float32),
            pltpu.VMEM((_CCH * K, D), jnp.float32),
            pltpu.VMEM((_CCH, D), jnp.float32),
            pltpu.SemaphoreType.DMA,
            pltpu.SemaphoreType.DMA,
        ],
    )(slot, wv, ebuf, shared)



def kernel(hidden_states, gate_weight, w1, w3, w2, shared_w1, shared_w3,
           shared_w2):
    x = hidden_states
    logits3d = _router(x, gate_weight)
    pe, pw, lp, hist = _meta1(logits3d)
    slot, wv, sk0, sk1 = _meta2(pe, pw, lp, hist)
    buf = _dispatch(sk0, sk1, x)
    ebuf = _moe_mlp(buf, w1, w3, w2)
    shared = _shared_mlp(x, shared_w1, shared_w3, shared_w2)
    return _combine(slot, wv, ebuf, shared)

# --- scband reference (transcript-rebuilt; emitter-appended) ---
"""Pipeline reference for scband-axk1-for-causal-lm-35442070126890 (READ-ONLY COPY).

The authoritative reference and input builder live on the scoring server;
editing this copy changes nothing except your own understanding.
"""

import jax, jax.numpy as jnp
import numpy as np

T = 2048      # tokens = batch(1) * seq_len(2048)
D = 1024      # hidden_size
F = 512       # moe_intermediate_size
E = 64        # n_routed_experts
K = 2         # num_experts_per_tok
CF = 2.0      # capacity factor (generous -> near-dropless for random routing)
C = int(np.ceil(T * K / E * CF))  # per-expert capacity
ROUTED_SCALING = 1.0


def setup_inputs(seed: int = 0) -> dict:
    key = jax.random.key(seed)
    ks = jax.random.split(key, 8)
    x = jax.random.normal(ks[0], (T, D), dtype=jnp.float32)
    gate_weight = jax.random.normal(ks[1], (E, D), dtype=jnp.float32) * 0.02
    w1 = jax.random.normal(ks[2], (E, F, D), dtype=jnp.float32) * 0.02   # gate_proj per expert
    w3 = jax.random.normal(ks[3], (E, F, D), dtype=jnp.float32) * 0.02   # up_proj per expert
    w2 = jax.random.normal(ks[4], (E, D, F), dtype=jnp.float32) * 0.02   # down_proj per expert
    shared_w1 = jax.random.normal(ks[5], (F, D), dtype=jnp.float32) * 0.02  # shared expert (n_shared=1)
    shared_w3 = jax.random.normal(ks[6], (F, D), dtype=jnp.float32) * 0.02
    shared_w2 = jax.random.normal(ks[7], (D, F), dtype=jnp.float32) * 0.02
    return {"hidden_states": x, "gate_weight": gate_weight, "w1": w1, "w3": w3, "w2": w2,
            "shared_w1": shared_w1, "shared_w3": shared_w3, "shared_w2": shared_w2}


def reference(hidden_states, gate_weight, w1, w3, w2, shared_w1, shared_w3, shared_w2):
    x = hidden_states
    n_tok = x.shape[0]
    # --- router (DeepseekV2 softmax gate, top-k, renormalize) ---
    logits = x @ gate_weight.T                     # [T, E]
    scores = jax.nn.softmax(logits, axis=-1)
    topk_w, topk_idx = jax.lax.top_k(scores, K)    # [T, K]
    topk_w = topk_w / jnp.sum(topk_w, axis=-1, keepdims=True)   # norm_topk_prob
    topk_w = topk_w * ROUTED_SCALING
    # --- flatten (token, k) pairs and compute per-expert slot positions ---
    pe = topk_idx.reshape(-1)                      # [T*K] expert id per pair
    pw = topk_w.reshape(-1)                        # [T*K] combine weight per pair
    pt = jnp.repeat(jnp.arange(n_tok), K)          # [T*K] source token id
    oh = jax.nn.one_hot(pe, E, dtype=jnp.int32)    # [T*K, E]
    excl_cumsum = jnp.cumsum(oh, axis=0) - oh
    pos = jnp.take_along_axis(excl_cumsum, pe[:, None], axis=1)[:, 0]   # position within expert
    valid = (pos < C)
    slot = jnp.clip(pe * C + pos, 0, E * C - 1)
    # --- dispatch: scatter-add tokens into [E*C, D] expert buffers ---
    disp = x[pt] * valid[:, None].astype(x.dtype)
    buf = jnp.zeros((E * C, x.shape[1]), x.dtype).at[slot].add(disp)
    buf = buf.reshape(E, C, x.shape[1])
    # --- per-expert gated SiLU MLP ---
    h = jax.nn.silu(jnp.einsum('ecd,efd->ecf', buf, w1)) * jnp.einsum('ecd,efd->ecf', buf, w3)
    ebuf = jnp.einsum('ecf,edf->ecd', h, w2).reshape(E * C, x.shape[1])
    # --- combine: gather expert outputs and scatter-add back to tokens ---
    ypairs = ebuf[slot] * (pw * valid.astype(pw.dtype))[:, None]
    routed = jnp.zeros_like(x).at[pt].add(ypairs)
    # --- shared expert path (always-on dense gated MLP) ---
    shared = (jax.nn.silu(x @ shared_w1.T) * (x @ shared_w3.T)) @ shared_w2.T
    return routed + shared


if False:  # reference __main__ guard neutralized (emitter)
    out = reference(**setup_inputs())
    print(out.shape, out.dtype)

if __name__ == "__main__":
    import jax
    _d = setup_inputs()
    print(jax.jit(kernel)(*tuple(_d.values())))

</pallas_src>

<mosaic_0001>
#map = affine_map<(d0, d1) -> (0, 0, 0)>
#map1 = affine_map<(d0, d1) -> (0)>
#map2 = affine_map<(d0, d1) -> (0, 0)>
module attributes {stable_mosaic.version = 14 : i64} {
  func.func @_meta1_body(%arg0: i32, %arg1: i32, %arg2: memref<32x64x64xf32, #tpu.memory_space<hbm>>, %arg3: memref<4096xi32, #tpu.memory_space<hbm>>, %arg4: memref<4096xf32, #tpu.memory_space<hbm>>, %arg5: memref<4096xi32, #tpu.memory_space<hbm>>, %arg6: memref<32x64xi32, #tpu.memory_space<hbm>>, %arg7: memref<64x64xf32, #tpu.memory_space<vmem>>, %arg8: memref<128xi32, #tpu.memory_space<vmem>>, %arg9: memref<128xf32, #tpu.memory_space<vmem>>, %arg10: memref<64xi32, #tpu.memory_space<vmem>>, %arg11: memref<128xi32, #tpu.memory_space<vmem>>, %arg12: memref<128xf32, #tpu.memory_space<vmem>>, %arg13: memref<128xi32, #tpu.memory_space<vmem>>, %arg14: memref<32xi32, #tpu.memory_space<vmem>>) attributes {dimension_semantics = [#tpu.dimension_semantics<core_parallel>, #tpu.dimension_semantics<subcore_parallel>], iteration_bounds = array<i64: 2, 16>, scalar_prefetch = 0 : i64, scratch_operands = 8 : i64, tpu.core_type = #tpu.core_type<sc_vector_subcore>, window_params = [{transform_indices = #map}, {transform_indices = #map1}, {transform_indices = #map1}, {transform_indices = #map1}, {transform_indices = #map2}]} {
    %mul3A = arith.constant 2 : i32
    %mul3A_0 = arith.muli %arg1, %mul3A : i32
    %add3A = arith.addi %mul3A_0, %arg0 : i32
    "tpu.region"() ({
      %run_scoped3A = tpu.sem_alloc : memref<!tpu.dma_semaphore, #tpu.memory_space<semaphore_mem>>
      %dma_start3A = arith.constant 0 : i32
      %dma_start3A_144 = arith.constant 0 : i32
      %dma_start3A_145 = tpu.memref_slice %arg2[%add3A, %dma_start3A, %dma_start3A_144] : memref<32x64x64xf32, #tpu.memory_space<hbm>> -> memref<1x64x64xf32, #tpu.memory_space<hbm>>
      %dma_start3A_146 = tpu.memref_squeeze %dma_start3A_145 : memref<1x64x64xf32, #tpu.memory_space<hbm>> -> memref<64x64xf32, #tpu.memory_space<hbm>>
      %dma_start3A_147 = arith.constant 0 : i32
      %dma_start3A_148 = arith.constant 0 : i32
      %dma_start3A_149 = tpu.memref_slice %arg2[%add3A, %dma_start3A_147, %dma_start3A_148] : memref<32x64x64xf32, #tpu.memory_space<hbm>> -> memref<1x64x64xf32, #tpu.memory_space<hbm>>
      %dma_start3A_150 = tpu.memref_squeeze %dma_start3A_149 : memref<1x64x64xf32, #tpu.memory_space<hbm>> -> memref<64x64xf32, #tpu.memory_space<hbm>>
      tpu.enqueue_dma source(%dma_start3A_150 : memref<64x64xf32, #tpu.memory_space<hbm>>) target(%arg7 : memref<64x64xf32, #tpu.memory_space<vmem>>) target_semaphore(%run_scoped3A : memref<!tpu.dma_semaphore, #tpu.memory_space<semaphore_mem>>)
      %dma_wait3A = arith.constant 0 : i32
      %dma_wait3A_151 = arith.constant 0 : i32
      %dma_wait3A_152 = tpu.memref_slice %arg2[%add3A, %dma_wait3A, %dma_wait3A_151] : memref<32x64x64xf32, #tpu.memory_space<hbm>> -> memref<1x64x64xf32, #tpu.memory_space<hbm>>
      %dma_wait3A_153 = tpu.memref_squeeze %dma_wait3A_152 : memref<1x64x64xf32, #tpu.memory_space<hbm>> -> memref<64x64xf32, #tpu.memory_space<hbm>>
      %dma_wait3A_154 = arith.constant 0 : i32
      %dma_wait3A_155 = arith.constant 0 : i32
      %dma_wait3A_156 = tpu.memref_slice %arg2[%add3A, %dma_wait3A_154, %dma_wait3A_155] : memref<32x64x64xf32, #tpu.memory_space<hbm>> -> memref<1x64x64xf32, #tpu.memory_space<hbm>>
      %dma_wait3A_157 = tpu.memref_squeeze %dma_wait3A_156 : memref<1x64x64xf32, #tpu.memory_space<hbm>> -> memref<64x64xf32, #tpu.memory_space<hbm>>
      tpu.wait_dma2 semaphore(%run_scoped3A : memref<!tpu.dma_semaphore, #tpu.memory_space<semaphore_mem>>) src(%dma_wait3A_157 : memref<64x64xf32, #tpu.memory_space<hbm>>) dst(%arg7 : memref<64x64xf32, #tpu.memory_space<vmem>>)
      tpu.yield
    }) : () -> ()
    %iota3A = tpu.iota {dimensions = array<i32: 0>} : vector<16xi32>
    %broadcast_in_dim3A = arith.constant 0 : i32
    %broadcast_in_dim3A_1 = vector.broadcast %broadcast_in_dim3A : i32 to vector<16xi32>
    %broadcast_in_dim3A_2 = arith.constant 0.000000e+00 : f32
    %broadcast_in_dim3A_3 = vector.broadcast %broadcast_in_dim3A_2 : f32 to vector<16xf32>
    %add3A_4 = arith.constant -1.000000e+30 : f32
    %add3A_5 = vector.broadcast %add3A_4 : f32 to vector<16xf32>
    %add3A_6 = arith.addf %broadcast_in_dim3A_3, %add3A_5 : vector<16xf32>
    %add3A_7 = arith.constant -1.000000e+30 : f32
    %add3A_8 = vector.broadcast %add3A_7 : f32 to vector<16xf32>
    %add3A_9 = arith.addf %broadcast_in_dim3A_3, %add3A_8 : vector<16xf32>
    %scan3A = arith.constant 0 : i32
    %scan3A_10 = arith.constant 64 : i32
    %scan3A_11 = arith.addi %scan3A, %scan3A_10 : i32
    %scan3A_12 = arith.constant 1 : i32
    %scan3A_13:4 = scf.for %scan3A_144 = %scan3A to %scan3A_11 step %scan3A_12 iter_args(%scan3A_145 = %add3A_6, %scan3A_146 = %broadcast_in_dim3A_1, %scan3A_147 = %add3A_9, %scan3A_148 = %broadcast_in_dim3A_1) -> (vector<16xf32>, vector<16xi32>, vector<16xf32>, vector<16xi32>)  : i32 {
      %get3A = arith.index_cast %scan3A_144 : i32 to index
      %get3A_149 = arith.constant 0 : index
      %get3A_150 = tpu.vector_load %arg7[%get3A, %get3A_149] {strides = array<i32>} : memref<64x64xf32, #tpu.memory_space<vmem>>, vector<16xf32>,
      %add3A_151 = vector.broadcast %scan3A_144 : i32 to vector<16xi32>
      %add3A_152 = arith.addi %broadcast_in_dim3A_1, %add3A_151 : vector<16xi32>
      %gt3A = arith.cmpf ogt, %get3A_150, %scan3A_145 : vector<16xf32>
      %gt3A_153 = arith.cmpf ogt, %get3A_150, %scan3A_147 : vector<16xf32>
      %select_n3A = arith.select %gt3A_153, %get3A_150, %scan3A_147 : vector<16xi1>, vector<16xf32>
      %select_n3A_154 = arith.select %gt3A, %scan3A_145, %select_n3A : vector<16xi1>, vector<16xf32>
      %select_n3A_155 = arith.select %gt3A_153, %add3A_152, %scan3A_148 : vector<16xi1>, vector<16xi32>
      %select_n3A_156 = arith.select %gt3A, %scan3A_146, %select_n3A_155 : vector<16xi1>, vector<16xi32>
      %select_n3A_157 = arith.select %gt3A, %get3A_150, %scan3A_145 : vector<16xi1>, vector<16xf32>
      %select_n3A_158 = arith.select %gt3A, %add3A_152, %scan3A_146 : vector<16xi1>, vector<16xi32>
      scf.yield %select_n3A_157, %select_n3A_158, %select_n3A_154, %select_n3A_156 : vector<16xf32>, vector<16xi32>, vector<16xf32>, vector<16xi32>
    }
    %scan3A_14 = arith.constant 64 : i32
    %sub3A = arith.subf %scan3A_13#2, %scan3A_13#0 : vector<16xf32>
    %exp3A = math.exp %sub3A : vector<16xf32>
    %add3A_15 = arith.constant 1.000000e+00 : f32
    %add3A_16 = vector.broadcast %add3A_15 : f32 to vector<16xf32>
    %add3A_17 = arith.addf %add3A_16, %exp3A : vector<16xf32>
    %div3A = arith.constant 1.000000e+00 : f32
    %div3A_18 = vector.broadcast %div3A : f32 to vector<16xf32>
    %div3A_19 = arith.divf %div3A_18, %add3A_17 : vector<16xf32>
    %sub3A_20 = arith.constant 1.000000e+00 : f32
    %sub3A_21 = vector.broadcast %sub3A_20 : f32 to vector<16xf32>
    %sub3A_22 = arith.subf %sub3A_21, %div3A_19 : vector<16xf32>
    %swap3A = arith.constant 0 : index
    %swap3A_23 = tpu.vector_load %arg8[%swap3A] {strides = array<i32>} : memref<128xi32, #tpu.memory_space<vmem>>, vector<16xi32>,
    tpu.vector_store %arg8[%swap3A], %scan3A_13#1 {strides = array<i32>} : memref<128xi32, #tpu.memory_space<vmem>>, vector<16xi32>,
    %swap3A_24 = arith.constant 64 : index
    %swap3A_25 = tpu.vector_load %arg8[%swap3A_24] {strides = array<i32>} : memref<128xi32, #tpu.memory_space<vmem>>, vector<16xi32>,
    tpu.vector_store %arg8[%swap3A_24], %scan3A_13#3 {strides = array<i32>} : memref<128xi32, #tpu.memory_space<vmem>>, vector<16xi32>,
    %swap3A_26 = arith.constant 0 : index
    %swap3A_27 = tpu.vector_load %arg9[%swap3A_26] {strides = array<i32>} : memref<128xf32, #tpu.memory_space<vmem>>, vector<16xf32>,
    tpu.vector_store %arg9[%swap3A_26], %div3A_19 {strides = array<i32>} : memref<128xf32, #tpu.memory_space<vmem>>, vector<16xf32>,
    %swap3A_28 = arith.constant 64 : index
    %swap3A_29 = tpu.vector_load %arg9[%swap3A_28] {strides = array<i32>} : memref<128xf32, #tpu.memory_space<vmem>>, vector<16xf32>,
    tpu.vector_store %arg9[%swap3A_28], %sub3A_22 {strides = array<i32>} : memref<128xf32, #tpu.memory_space<vmem>>, vector<16xf32>,
    %add3A_30 = arith.constant -1.000000e+30 : f32
    %add3A_31 = vector.broadcast %add3A_30 : f32 to vector<16xf32>
    %add3A_32 = arith.addf %broadcast_in_dim3A_3, %add3A_31 : vector<16xf32>
    %add3A_33 = arith.constant -1.000000e+30 : f32
    %add3A_34 = vector.broadcast %add3A_33 : f32 to vector<16xf32>
    %add3A_35 = arith.addf %broadcast_in_dim3A_3, %add3A_34 : vector<16xf32>
    %scan3A_36 = arith.constant 0 : i32
    %scan3A_37 = arith.constant 64 : i32
    %scan3A_38 = arith.addi %scan3A_36, %scan3A_37 : i32
    %scan3A_39 = arith.constant 1 : i32
    %scan3A_40:4 = scf.for %scan3A_144 = %scan3A_36 to %scan3A_38 step %scan3A_39 iter_args(%scan3A_145 = %add3A_32, %scan3A_146 = %broadcast_in_dim3A_1, %scan3A_147 = %add3A_35, %scan3A_148 = %broadcast_in_dim3A_1) -> (vector<16xf32>, vector<16xi32>, vector<16xf32>, vector<16xi32>)  : i32 {
      %get3A = arith.index_cast %scan3A_144 : i32 to index
      %get3A_149 = arith.constant 16 : index
      %get3A_150 = tpu.vector_load %arg7[%get3A, %get3A_149] {strides = array<i32>} : memref<64x64xf32, #tpu.memory_space<vmem>>, vector<16xf32>,
      %add3A_151 = vector.broadcast %scan3A_144 : i32 to vector<16xi32>
      %add3A_152 = arith.addi %broadcast_in_dim3A_1, %add3A_151 : vector<16xi32>
      %gt3A = arith.cmpf ogt, %get3A_150, %scan3A_145 : vector<16xf32>
      %gt3A_153 = arith.cmpf ogt, %get3A_150, %scan3A_147 : vector<16xf32>
      %select_n3A = arith.select %gt3A_153, %get3A_150, %scan3A_147 : vector<16xi1>, vector<16xf32>
      %select_n3A_154 = arith.select %gt3A, %scan3A_145, %select_n3A : vector<16xi1>, vector<16xf32>
      %select_n3A_155 = arith.select %gt3A_153, %add3A_152, %scan3A_148 : vector<16xi1>, vector<16xi32>
      %select_n3A_156 = arith.select %gt3A, %scan3A_146, %select_n3A_155 : vector<16xi1>, vector<16xi32>
      %select_n3A_157 = arith.select %gt3A, %get3A_150, %scan3A_145 : vector<16xi1>, vector<16xf32>
      %select_n3A_158 = arith.select %gt3A, %add3A_152, %scan3A_146 : vector<16xi1>, vector<16xi32>
      scf.yield %select_n3A_157, %select_n3A_158, %select_n3A_154, %select_n3A_156 : vector<16xf32>, vector<16xi32>, vector<16xf32>, vector<16xi32>
    }
    %scan3A_41 = arith.constant 64 : i32
    %sub3A_42 = arith.subf %scan3A_40#2, %scan3A_40#0 : vector<16xf32>
    %exp3A_43 = math.exp %sub3A_42 : vector<16xf32>
    %add3A_44 = arith.constant 1.000000e+00 : f32
    %add3A_45 = vector.broadcast %add3A_44 : f32 to vector<16xf32>
    %add3A_46 = arith.addf %add3A_45, %exp3A_43 : vector<16xf32>
    %div3A_47 = arith.constant 1.000000e+00 : f32
    %div3A_48 = vector.broadcast %div3A_47 : f32 to vector<16xf32>
    %div3A_49 = arith.divf %div3A_48, %add3A_46 : vector<16xf32>
    %sub3A_50 = arith.constant 1.000000e+00 : f32
    %sub3A_51 = vector.broadcast %sub3A_50 : f32 to vector<16xf32>
    %sub3A_52 = arith.subf %sub3A_51, %div3A_49 : vector<16xf32>
    %swap3A_53 = arith.constant 16 : index
    %swap3A_54 = tpu.vector_load %arg8[%swap3A_53] {strides = array<i32>} : memref<128xi32, #tpu.memory_space<vmem>>, vector<16xi32>,
    tpu.vector_store %arg8[%swap3A_53], %scan3A_40#1 {strides = array<i32>} : memref<128xi32, #tpu.memory_space<vmem>>, vector<16xi32>,
    %swap3A_55 = arith.constant 80 : index
    %swap3A_56 = tpu.vector_load %arg8[%swap3A_55] {strides = array<i32>} : memref<128xi32, #tpu.memory_space<vmem>>, vector<16xi32>,
    tpu.vector_store %arg8[%swap3A_55], %scan3A_40#3 {strides = array<i32>} : memref<128xi32, #tpu.memory_space<vmem>>, vector<16xi32>,
    %swap3A_57 = arith.constant 16 : index
    %swap3A_58 = tpu.vector_load %arg9[%swap3A_57] {strides = array<i32>} : memref<128xf32, #tpu.memory_space<vmem>>, vector<16xf32>,
    tpu.vector_store %arg9[%swap3A_57], %div3A_49 {strides = array<i32>} : memref<128xf32, #tpu.memory_space<vmem>>, vector<16xf32>,
    %swap3A_59 = arith.constant 80 : index
    %swap3A_60 = tpu.vector_load %arg9[%swap3A_59] {strides = array<i32>} : memref<128xf32, #tpu.memory_space<vmem>>, vector<16xf32>,
    tpu.vector_store %arg9[%swap3A_59], %sub3A_52 {strides = array<i32>} : memref<128xf32, #tpu.memory_space<vmem>>, vector<16xf32>,
    %add3A_61 = arith.constant -1.000000e+30 : f32
    %add3A_62 = vector.broadcast %add3A_61 : f32 to vector<16xf32>
    %add3A_63 = arith.addf %broadcast_in_dim3A_3, %add3A_62 : vector<16xf32>
    %add3A_64 = arith.constant -1.000000e+30 : f32
    %add3A_65 = vector.broadcast %add3A_64 : f32 to vector<16xf32>
    %add3A_66 = arith.addf %broadcast_in_dim3A_3, %add3A_65 : vector<16xf32>
    %scan3A_67 = arith.constant 0 : i32
    %scan3A_68 = arith.constant 64 : i32
    %scan3A_69 = arith.addi %scan3A_67, %scan3A_68 : i32
    %scan3A_70 = arith.constant 1 : i32
    %scan3A_71:4 = scf.for %scan3A_144 = %scan3A_67 to %scan3A_69 step %scan3A_70 iter_args(%scan3A_145 = %add3A_63, %scan3A_146 = %broadcast_in_dim3A_1, %scan3A_147 = %add3A_66, %scan3A_148 = %broadcast_in_dim3A_1) -> (vector<16xf32>, vector<16xi32>, vector<16xf32>, vector<16xi32>)  : i32 {
      %get3A = arith.index_cast %scan3A_144 : i32 to index
      %get3A_149 = arith.constant 32 : index
      %get3A_150 = tpu.vector_load %arg7[%get3A, %get3A_149] {strides = array<i32>} : memref<64x64xf32, #tpu.memory_space<vmem>>, vector<16xf32>,
      %add3A_151 = vector.broadcast %scan3A_144 : i32 to vector<16xi32>
      %add3A_152 = arith.addi %broadcast_in_dim3A_1, %add3A_151 : vector<16xi32>
      %gt3A = arith.cmpf ogt, %get3A_150, %scan3A_145 : vector<16xf32>
      %gt3A_153 = arith.cmpf ogt, %get3A_150, %scan3A_147 : vector<16xf32>
      %select_n3A = arith.select %gt3A_153, %get3A_150, %scan3A_147 : vector<16xi1>, vector<16xf32>
      %select_n3A_154 = arith.select %gt3A, %scan3A_145, %select_n3A : vector<16xi1>, vector<16xf32>
      %select_n3A_155 = arith.select %gt3A_153, %add3A_152, %scan3A_148 : vector<16xi1>, vector<16xi32>
      %select_n3A_156 = arith.select %gt3A, %scan3A_146, %select_n3A_155 : vector<16xi1>, vector<16xi32>
      %select_n3A_157 = arith.select %gt3A, %get3A_150, %scan3A_145 : vector<16xi1>, vector<16xf32>
      %select_n3A_158 = arith.select %gt3A, %add3A_152, %scan3A_146 : vector<16xi1>, vector<16xi32>
      scf.yield %select_n3A_157, %select_n3A_158, %select_n3A_154, %select_n3A_156 : vector<16xf32>, vector<16xi32>, vector<16xf32>, vector<16xi32>
    }
    %scan3A_72 = arith.constant 64 : i32
    %sub3A_73 = arith.subf %scan3A_71#2, %scan3A_71#0 : vector<16xf32>
    %exp3A_74 = math.exp %sub3A_73 : vector<16xf32>
    %add3A_75 = arith.constant 1.000000e+00 : f32
    %add3A_76 = vector.broadcast %add3A_75 : f32 to vector<16xf32>
    %add3A_77 = arith.addf %add3A_76, %exp3A_74 : vector<16xf32>
    %div3A_78 = arith.constant 1.000000e+00 : f32
    %div3A_79 = vector.broadcast %div3A_78 : f32 to vector<16xf32>
    %div3A_80 = arith.divf %div3A_79, %add3A_77 : vector<16xf32>
    %sub3A_81 = arith.constant 1.000000e+00 : f32
    %sub3A_82 = vector.broadcast %sub3A_81 : f32 to vector<16xf32>
    %sub3A_83 = arith.subf %sub3A_82, %div3A_80 : vector<16xf32>
    %swap3A_84 = arith.constant 32 : index
    %swap3A_85 = tpu.vector_load %arg8[%swap3A_84] {strides = array<i32>} : memref<128xi32, #tpu.memory_space<vmem>>, vector<16xi32>,
    tpu.vector_store %arg8[%swap3A_84], %scan3A_71#1 {strides = array<i32>} : memref<128xi32, #tpu.memory_space<vmem>>, vector<16xi32>,
    %swap3A_86 = arith.constant 96 : index
    %swap3A_87 = tpu.vector_load %arg8[%swap3A_86] {strides = array<i32>} : memref<128xi32, #tpu.memory_space<vmem>>, vector<16xi32>,
    tpu.vector_store %arg8[%swap3A_86], %scan3A_71#3 {strides = array<i32>} : memref<128xi32, #tpu.memory_space<vmem>>, vector<16xi32>,
    %swap3A_88 = arith.constant 32 : index
    %swap3A_89 = tpu.vector_load %arg9[%swap3A_88] {strides = array<i32>} : memref<128xf32, #tpu.memory_space<vmem>>, vector<16xf32>,
    tpu.vector_store %arg9[%swap3A_88], %div3A_80 {strides = array<i32>} : memref<128xf32, #tpu.memory_space<vmem>>, vector<16xf32>,
    %swap3A_90 = arith.constant 96 : index
    %swap3A_91 = tpu.vector_load %arg9[%swap3A_90] {strides = array<i32>} : memref<128xf32, #tpu.memory_space<vmem>>, vector<16xf32>,
    tpu.vector_store %arg9[%swap3A_90], %sub3A_83 {strides = array<i32>} : memref<128xf32, #tpu.memory_space<vmem>>, vector<16xf32>,
    %add3A_92 = arith.constant -1.000000e+30 : f32
    %add3A_93 = vector.broadcast %add3A_92 : f32 to vector<16xf32>
    %add3A_94 = arith.addf %broadcast_in_dim3A_3, %add3A_93 : vector<16xf32>
    %add3A_95 = arith.constant -1.000000e+30 : f32
    %add3A_96 = vector.broadcast %add3A_95 : f32 to vector<16xf32>
    %add3A_97 = arith.addf %broadcast_in_dim3A_3, %add3A_96 : vector<16xf32>
    %scan3A_98 = arith.constant 0 : i32
    %scan3A_99 = arith.constant 64 : i32
    %scan3A_100 = arith.addi %scan3A_98, %scan3A_99 : i32
    %scan3A_101 = arith.constant 1 : i32
    %scan3A_102:4 = scf.for %scan3A_144 = %scan3A_98 to %scan3A_100 step %scan3A_101 iter_args(%scan3A_145 = %add3A_94, %scan3A_146 = %broadcast_in_dim3A_1, %scan3A_147 = %add3A_97, %scan3A_148 = %broadcast_in_dim3A_1) -> (vector<16xf32>, vector<16xi32>, vector<16xf32>, vector<16xi32>)  : i32 {
      %get3A = arith.index_cast %scan3A_144 : i32 to index
      %get3A_149 = arith.constant 48 : index
      %get3A_150 = tpu.vector_load %arg7[%get3A, %get3A_149] {strides = array<i32>} : memref<64x64xf32, #tpu.memory_space<vmem>>, vector<16xf32>,
      %add3A_151 = vector.broadcast %scan3A_144 : i32 to vector<16xi32>
      %add3A_152 = arith.addi %broadcast_in_dim3A_1, %add3A_151 : vector<16xi32>
      %gt3A = arith.cmpf ogt, %get3A_150, %scan3A_145 : vector<16xf32>
      %gt3A_153 = arith.cmpf ogt, %get3A_150, %scan3A_147 : vector<16xf32>
      %select_n3A = arith.select %gt3A_153, %get3A_150, %scan3A_147 : vector<16xi1>, vector<16xf32>
      %select_n3A_154 = arith.select %gt3A, %scan3A_145, %select_n3A : vector<16xi1>, vector<16xf32>
      %select_n3A_155 = arith.select %gt3A_153, %add3A_152, %scan3A_148 : vector<16xi1>, vector<16xi32>
      %select_n3A_156 = arith.select %gt3A, %scan3A_146, %select_n3A_155 : vector<16xi1>, vector<16xi32>
      %select_n3A_157 = arith.select %gt3A, %get3A_150, %scan3A_145 : vector<16xi1>, vector<16xf32>
      %select_n3A_158 = arith.select %gt3A, %add3A_152, %scan3A_146 : vector<16xi1>, vector<16xi32>
      scf.yield %select_n3A_157, %select_n3A_158, %select_n3A_154, %select_n3A_156 : vector<16xf32>, vector<16xi32>, vector<16xf32>, vector<16xi32>
    }
    %scan3A_103 = arith.constant 64 : i32
    %sub3A_104 = arith.subf %scan3A_102#2, %scan3A_102#0 : vector<16xf32>
    %exp3A_105 = math.exp %sub3A_104 : vector<16xf32>
    %add3A_106 = arith.constant 1.000000e+00 : f32
    %add3A_107 = vector.broadcast %add3A_106 : f32 to vector<16xf32>
    %add3A_108 = arith.addf %add3A_107, %exp3A_105 : vector<16xf32>
    %div3A_109 = arith.constant 1.000000e+00 : f32
    %div3A_110 = vector.broadcast %div3A_109 : f32 to vector<16xf32>
    %div3A_111 = arith.divf %div3A_110, %add3A_108 : vector<16xf32>
    %sub3A_112 = arith.constant 1.000000e+00 : f32
    %sub3A_113 = vector.broadcast %sub3A_112 : f32 to vector<16xf32>
    %sub3A_114 = arith.subf %sub3A_113, %div3A_111 : vector<16xf32>
    %swap3A_115 = arith.constant 48 : index
    %swap3A_116 = tpu.vector_load %arg8[%swap3A_115] {strides = array<i32>} : memref<128xi32, #tpu.memory_space<vmem>>, vector<16xi32>,
    tpu.vector_store %arg8[%swap3A_115], %scan3A_102#1 {strides = array<i32>} : memref<128xi32, #tpu.memory_space<vmem>>, vector<16xi32>,
    %swap3A_117 = arith.constant 112 : index
    %swap3A_118 = tpu.vector_load %arg8[%swap3A_117] {strides = array<i32>} : memref<128xi32, #tpu.memory_space<vmem>>, vector<16xi32>,
    tpu.vector_store %arg8[%swap3A_117], %scan3A_102#3 {strides = array<i32>} : memref<128xi32, #tpu.memory_space<vmem>>, vector<16xi32>,
    %swap3A_119 = arith.constant 48 : index
    %swap3A_120 = tpu.vector_load %arg9[%swap3A_119] {strides = array<i32>} : memref<128xf32, #tpu.memory_space<vmem>>, vector<16xf32>,
    tpu.vector_store %arg9[%swap3A_119], %div3A_111 {strides = array<i32>} : memref<128xf32, #tpu.memory_space<vmem>>, vector<16xf32>,
    %swap3A_121 = arith.constant 112 : index
    %swap3A_122 = tpu.vector_load %arg9[%swap3A_121] {strides = array<i32>} : memref<128xf32, #tpu.memory_space<vmem>>, vector<16xf32>,
    tpu.vector_store %arg9[%swap3A_121], %sub3A_114 {strides = array<i32>} : memref<128xf32, #tpu.memory_space<vmem>>, vector<16xf32>,
    %swap3A_123 = arith.constant 0 : index
    %swap3A_124 = tpu.vector_load %arg10[%swap3A_123] {strides = array<i32>} : memref<64xi32, #tpu.memory_space<vmem>>, vector<16xi32>,
    tpu.vector_store %arg10[%swap3A_123], %broadcast_in_dim3A_1 {strides = array<i32>} : memref<64xi32, #tpu.memory_space<vmem>>, vector<16xi32>,
    %swap3A_125 = arith.constant 16 : index
    %swap3A_126 = tpu.vector_load %arg10[%swap3A_125] {strides = array<i32>} : memref<64xi32, #tpu.memory_space<vmem>>, vector<16xi32>,
    tpu.vector_store %arg10[%swap3A_125], %broadcast_in_dim3A_1 {strides = array<i32>} : memref<64xi32, #tpu.memory_space<vmem>>, vector<16xi32>,
    %swap3A_127 = arith.constant 32 : index
    %swap3A_128 = tpu.vector_load %arg10[%swap3A_127] {strides = array<i32>} : memref<64xi32, #tpu.memory_space<vmem>>, vector<16xi32>,
    tpu.vector_store %arg10[%swap3A_127], %broadcast_in_dim3A_1 {strides = array<i32>} : memref<64xi32, #tpu.memory_space<vmem>>, vector<16xi32>,
    %swap3A_129 = arith.constant 48 : index
    %swap3A_130 = tpu.vector_load %arg10[%swap3A_129] {strides = array<i32>} : memref<64xi32, #tpu.memory_space<vmem>>, vector<16xi32>,
    tpu.vector_store %arg10[%swap3A_129], %broadcast_in_dim3A_1 {strides = array<i32>} : memref<64xi32, #tpu.memory_space<vmem>>, vector<16xi32>,
    %scan3A_131 = arith.constant 0 : i32
    %scan3A_132 = arith.constant 0 : i32
    %scan3A_133 = arith.constant 8 : i32
    %scan3A_134 = arith.addi %scan3A_132, %scan3A_133 : i32
    %scan3A_135 = arith.constant 1 : i32
    %scan3A_136 = scf.for %scan3A_144 = %scan3A_132 to %scan3A_134 step %scan3A_135 iter_args(%scan3A_145 = %scan3A_131) -> (i32)  : i32 {
      %mul3A_146 = arith.constant 16 : i32
      %mul3A_147 = arith.muli %scan3A_144, %mul3A_146 : i32
      %add3A_148 = vector.broadcast %mul3A_147 : i32 to vector<16xi32>
      %add3A_149 = arith.addi %add3A_148, %iota3A : vector<16xi32>
      %shift_right_logical3A = arith.constant 1 : i32
      %shift_right_logical3A_150 = vector.broadcast %shift_right_logical3A : i32 to vector<16xi32>
      %shift_right_logical3A_151 = arith.shrui %add3A_149, %shift_right_logical3A_150 : vector<16xi32>
      %and3A = arith.constant 1 : i32
      %and3A_152 = vector.broadcast %and3A : i32 to vector<16xi32>
      %and3A_153 = arith.andi %add3A_149, %and3A_152 : vector<16xi32>
      %mul3A_154 = arith.constant 64 : i32
      %mul3A_155 = vector.broadcast %mul3A_154 : i32 to vector<16xi32>
      %mul3A_156 = arith.muli %and3A_153, %mul3A_155 : vector<16xi32>
      %add3A_157 = arith.addi %mul3A_156, %shift_right_logical3A_151 : vector<16xi32>
      %gather3A = tpu.vector_load_idx %arg8[%add3A_157] : memref<128xi32, #tpu.memory_space<vmem>>[vector<16xi32>], vector<16xi32>,
      %gather3A_158 = tpu.vector_load_idx %arg9[%add3A_157] : memref<128xf32, #tpu.memory_space<vmem>>[vector<16xi32>], vector<16xf32>,
      %gather3A_159 = tpu.vector_load_idx %arg10[%gather3A] : memref<64xi32, #tpu.memory_space<vmem>>[vector<16xi32>], vector<16xi32>,
      %swap3A_160 = arith.constant 16 : index
      %swap3A_161 = tpu.vector_load %arg14[%swap3A_160] {strides = array<i32>} : memref<32xi32, #tpu.memory_space<vmem>>, vector<16xi32>,
      tpu.vector_store %arg14[%swap3A_160], %gather3A {strides = array<i32>} : memref<32xi32, #tpu.memory_space<vmem>>, vector<16xi32>,
      %add3A_162 = arith.constant 16 : i32
      %add3A_163 = vector.broadcast %add3A_162 : i32 to vector<16xi32>
      %add3A_164 = arith.addi %broadcast_in_dim3A_1, %add3A_163 : vector<16xi32>
      %gather3A_165 = tpu.vector_load_idx %arg14[%add3A_164] : memref<32xi32, #tpu.memory_space<vmem>>[vector<16xi32>], vector<16xi32>,
      %eq3A = arith.cmpi eq, %gather3A, %gather3A_165 : vector<16xi32>
      %gt3A = arith.constant 0 : i32
      %gt3A_166 = vector.broadcast %gt3A : i32 to vector<16xi32>
      %gt3A_167 = arith.cmpi sgt, %iota3A, %gt3A_166 : vector<16xi32>
      %and3A_168 = arith.andi %eq3A, %gt3A_167 : vector<16xi1>
      %jit3A = arith.constant 1 : i32
      %jit3A_169 = arith.constant 0 : i32
      %broadcast_in_dim3A_170 = vector.broadcast %jit3A : i32 to vector<16xi32>
      %broadcast_in_dim3A_171 = vector.broadcast %jit3A_169 : i32 to vector<16xi32>
      %select_n3A = arith.select %and3A_168, %broadcast_in_dim3A_170, %broadcast_in_dim3A_171 : vector<16xi1>, vector<16xi32>
      %add3A_172 = arith.addi %broadcast_in_dim3A_1, %select_n3A : vector<16xi32>
      %jit3A_173 = arith.constant 1 : i32
      %jit3A_174 = arith.constant 0 : i32
      %broadcast_in_dim3A_175 = vector.broadcast %jit3A_173 : i32 to vector<16xi32>
      %broadcast_in_dim3A_176 = vector.broadcast %jit3A_174 : i32 to vector<16xi32>
      %select_n3A_177 = arith.select %eq3A, %broadcast_in_dim3A_175, %broadcast_in_dim3A_176 : vector<16xi1>, vector<16xi32>
      %add3A_178 = arith.addi %broadcast_in_dim3A_1, %select_n3A_177 : vector<16xi32>
      %add3A_179 = arith.constant 17 : i32
      %add3A_180 = vector.broadcast %add3A_179 : i32 to vector<16xi32>
      %add3A_181 = arith.addi %broadcast_in_dim3A_1, %add3A_180 : vector<16xi32>
      %gather3A_182 = tpu.vector_load_idx %arg14[%add3A_181] : memref<32xi32, #tpu.memory_space<vmem>>[vector<16xi32>], vector<16xi32>,
      %eq3A_183 = arith.cmpi eq, %gather3A, %gather3A_182 : vector<16xi32>
      %gt3A_184 = arith.constant 1 : i32
      %gt3A_185 = vector.broadcast %gt3A_184 : i32 to vector<16xi32>
      %gt3A_186 = arith.cmpi sgt, %iota3A, %gt3A_185 : vector<16xi32>
      %and3A_187 = arith.andi %eq3A_183, %gt3A_186 : vector<16xi1>
      %jit3A_188 = arith.constant 1 : i32
      %jit3A_189 = arith.constant 0 : i32
      %broadcast_in_dim3A_190 = vector.broadcast %jit3A_188 : i32 to vector<16xi32>
      %broadcast_in_dim3A_191 = vector.broadcast %jit3A_189 : i32 to vector<16xi32>
      %select_n3A_192 = arith.select %and3A_187, %broadcast_in_dim3A_190, %broadcast_in_dim3A_191 : vector<16xi1>, vector<16xi32>
      %add3A_193 = arith.addi %add3A_172, %select_n3A_192 : vector<16xi32>
      %jit3A_194 = arith.constant 1 : i32
      %jit3A_195 = arith.constant 0 : i32
      %broadcast_in_dim3A_196 = vector.broadcast %jit3A_194 : i32 to vector<16xi32>
      %broadcast_in_dim3A_197 = vector.broadcast %jit3A_195 : i32 to vector<16xi32>
      %select_n3A_198 = arith.select %eq3A_183, %broadcast_in_dim3A_196, %broadcast_in_dim3A_197 : vector<16xi1>, vector<16xi32>
      %add3A_199 = arith.addi %add3A_178, %select_n3A_198 : vector<16xi32>
      %add3A_200 = arith.constant 18 : i32
      %add3A_201 = vector.broadcast %add3A_200 : i32 to vector<16xi32>
      %add3A_202 = arith.addi %broadcast_in_dim3A_1, %add3A_201 : vector<16xi32>
      %gather3A_203 = tpu.vector_load_idx %arg14[%add3A_202] : memref<32xi32, #tpu.memory_space<vmem>>[vector<16xi32>], vector<16xi32>,
      %eq3A_204 = arith.cmpi eq, %gather3A, %gather3A_203 : vector<16xi32>
      %gt3A_205 = arith.constant 2 : i32
      %gt3A_206 = vector.broadcast %gt3A_205 : i32 to vector<16xi32>
      %gt3A_207 = arith.cmpi sgt, %iota3A, %gt3A_206 : vector<16xi32>
      %and3A_208 = arith.andi %eq3A_204, %gt3A_207 : vector<16xi1>
      %jit3A_209 = arith.constant 1 : i32
      %jit3A_210 = arith.constant 0 : i32
      %broadcast_in_dim3A_211 = vector.broadcast %jit3A_209 : i32 to vector<16xi32>
      %broadcast_in_dim3A_212 = vector.broadcast %jit3A_210 : i32 to vector<16xi32>
      %select_n3A_213 = arith.select %and3A_208, %broadcast_in_dim3A_211, %broadcast_in_dim3A_212 : vector<16xi1>, vector<16xi32>
      %add3A_214 = arith.addi %add3A_193, %select_n3A_213 : vector<16xi32>
      %jit3A_215 = arith.constant 1 : i32
      %jit3A_216 = arith.constant 0 : i32
      %broadcast_in_dim3A_217 = vector.broadcast %jit3A_215 : i32 to vector<16xi32>
      %broadcast_in_dim3A_218 = vector.broadcast %jit3A_216 : i32 to vector<16xi32>
      %select_n3A_219 = arith.select %eq3A_204, %broadcast_in_dim3A_217, %broadcast_in_dim3A_218 : vector<16xi1>, vector<16xi32>
      %add3A_220 = arith.addi %add3A_199, %select_n3A_219 : vector<16xi32>
      %add3A_221 = arith.constant 19 : i32
      %add3A_222 = vector.broadcast %add3A_221 : i32 to vector<16xi32>
      %add3A_223 = arith.addi %broadcast_in_dim3A_1, %add3A_222 : vector<16xi32>
      %gather3A_224 = tpu.vector_load_idx %arg14[%add3A_223] : memref<32xi32, #tpu.memory_space<vmem>>[vector<16xi32>], vector<16xi32>,
      %eq3A_225 = arith.cmpi eq, %gather3A, %gather3A_224 : vector<16xi32>
      %gt3A_226 = arith.constant 3 : i32
      %gt3A_227 = vector.broadcast %gt3A_226 : i32 to vector<16xi32>
      %gt3A_228 = arith.cmpi sgt, %iota3A, %gt3A_227 : vector<16xi32>
      %and3A_229 = arith.andi %eq3A_225, %gt3A_228 : vector<16xi1>
      %jit3A_230 = arith.constant 1 : i32
      %jit3A_231 = arith.constant 0 : i32
      %broadcast_in_dim3A_232 = vector.broadcast %jit3A_230 : i32 to vector<16xi32>
      %broadcast_in_dim3A_233 = vector.broadcast %jit3A_231 : i32 to vector<16xi32>
      %select_n3A_234 = arith.select %and3A_229, %broadcast_in_dim3A_232, %broadcast_in_dim3A_233 : vector<16xi1>, vector<16xi32>
      %add3A_235 = arith.addi %add3A_214, %select_n3A_234 : vector<16xi32>
      %jit3A_236 = arith.constant 1 : i32
      %jit3A_237 = arith.constant 0 : i32
      %broadcast_in_dim3A_238 = vector.broadcast %jit3A_236 : i32 to vector<16xi32>
      %broadcast_in_dim3A_239 = vector.broadcast %jit3A_237 : i32 to vector<16xi32>
      %select_n3A_240 = arith.select %eq3A_225, %broadcast_in_dim3A_238, %broadcast_in_dim3A_239 : vector<16xi1>, vector<16xi32>
      %add3A_241 = arith.addi %add3A_220, %select_n3A_240 : vector<16xi32>
      %add3A_242 = arith.constant 20 : i32
      %add3A_243 = vector.broadcast %add3A_242 : i32 to vector<16xi32>
      %add3A_244 = arith.addi %broadcast_in_dim3A_1, %add3A_243 : vector<16xi32>
      %gather3A_245 = tpu.vector_load_idx %arg14[%add3A_244] : memref<32xi32, #tpu.memory_space<vmem>>[vector<16xi32>], vector<16xi32>,
      %eq3A_246 = arith.cmpi eq, %gather3A, %gather3A_245 : vector<16xi32>
      %gt3A_247 = arith.constant 4 : i32
      %gt3A_248 = vector.broadcast %gt3A_247 : i32 to vector<16xi32>
      %gt3A_249 = arith.cmpi sgt, %iota3A, %gt3A_248 : vector<16xi32>
      %and3A_250 = arith.andi %eq3A_246, %gt3A_249 : vector<16xi1>
      %jit3A_251 = arith.constant 1 : i32
      %jit3A_252 = arith.constant 0 : i32
      %broadcast_in_dim3A_253 = vector.broadcast %jit3A_251 : i32 to vector<16xi32>
      %broadcast_in_dim3A_254 = vector.broadcast %jit3A_252 : i32 to vector<16xi32>
      %select_n3A_255 = arith.select %and3A_250, %broadcast_in_dim3A_253, %broadcast_in_dim3A_254 : vector<16xi1>, vector<16xi32>
      %add3A_256 = arith.addi %add3A_235, %select_n3A_255 : vector<16xi32>
      %jit3A_257 = arith.constant 1 : i32
      %jit3A_258 = arith.constant 0 : i32
      %broadcast_in_dim3A_259 = vector.broadcast %jit3A_257 : i32 to vector<16xi32>
      %broadcast_in_dim3A_260 = vector.broadcast %jit3A_258 : i32 to vector<16xi32>
      %select_n3A_261 = arith.select %eq3A_246, %broadcast_in_dim3A_259, %broadcast_in_dim3A_260 : vector<16xi1>, vector<16xi32>
      %add3A_262 = arith.addi %add3A_241, %select_n3A_261 : vector<16xi32>
      %add3A_263 = arith.constant 21 : i32
      %add3A_264 = vector.broadcast %add3A_263 : i32 to vector<16xi32>
      %add3A_265 = arith.addi %broadcast_in_dim3A_1, %add3A_264 : vector<16xi32>
      %gather3A_266 = tpu.vector_load_idx %arg14[%add3A_265] : memref<32xi32, #tpu.memory_space<vmem>>[vector<16xi32>], vector<16xi32>,
      %eq3A_267 = arith.cmpi eq, %gather3A, %gather3A_266 : vector<16xi32>
      %gt3A_268 = arith.constant 5 : i32
      %gt3A_269 = vector.broadcast %gt3A_268 : i32 to vector<16xi32>
      %gt3A_270 = arith.cmpi sgt, %iota3A, %gt3A_269 : vector<16xi32>
      %and3A_271 = arith.andi %eq3A_267, %gt3A_270 : vector<16xi1>
      %jit3A_272 = arith.constant 1 : i32
      %jit3A_273 = arith.constant 0 : i32
      %broadcast_in_dim3A_274 = vector.broadcast %jit3A_272 : i32 to vector<16xi32>
      %broadcast_in_dim3A_275 = vector.broadcast %jit3A_273 : i32 to vector<16xi32>
      %select_n3A_276 = arith.select %and3A_271, %broadcast_in_dim3A_274, %broadcast_in_dim3A_275 : vector<16xi1>, vector<16xi32>
      %add3A_277 = arith.addi %add3A_256, %select_n3A_276 : vector<16xi32>
      %jit3A_278 = arith.constant 1 : i32
      %jit3A_279 = arith.constant 0 : i32
      %broadcast_in_dim3A_280 = vector.broadcast %jit3A_278 : i32 to vector<16xi32>
      %broadcast_in_dim3A_281 = vector.broadcast %jit3A_279 : i32 to vector<16xi32>
      %select_n3A_282 = arith.select %eq3A_267, %broadcast_in_dim3A_280, %broadcast_in_dim3A_281 : vector<16xi1>, vector<16xi32>
      %add3A_283 = arith.addi %add3A_262, %select_n3A_282 : vector<16xi32>
      %add3A_284 = arith.constant 22 : i32
      %add3A_285 = vector.broadcast %add3A_284 : i32 to vector<16xi32>
      %add3A_286 = arith.addi %broadcast_in_dim3A_1, %add3A_285 : vector<16xi32>
      %gather3A_287 = tpu.vector_load_idx %arg14[%add3A_286] : memref<32xi32, #tpu.memory_space<vmem>>[vector<16xi32>], vector<16xi32>,
      %eq3A_288 = arith.cmpi eq, %gather3A, %gather3A_287 : vector<16xi32>
      %gt3A_289 = arith.constant 6 : i32
      %gt3A_290 = vector.broadcast %gt3A_289 : i32 to vector<16xi32>
      %gt3A_291 = arith.cmpi sgt, %iota3A, %gt3A_290 : vector<16xi32>
      %and3A_292 = arith.andi %eq3A_288, %gt3A_291 : vector<16xi1>
      %jit3A_293 = arith.constant 1 : i32
      %jit3A_294 = arith.constant 0 : i32
      %broadcast_in_dim3A_295 = vector.broadcast %jit3A_293 : i32 to vector<16xi32>
      %broadcast_in_dim3A_296 = vector.broadcast %jit3A_294 : i32 to vector<16xi32>
      %select_n3A_297 = arith.select %and3A_292, %broadcast_in_dim3A_295, %broadcast_in_dim3A_296 : vector<16xi1>, vector<16xi32>
      %add3A_298 = arith.addi %add3A_277, %select_n3A_297 : vector<16xi32>
      %jit3A_299 = arith.constant 1 : i32
      %jit3A_300 = arith.constant 0 : i32
      %broadcast_in_dim3A_301 = vector.broadcast %jit3A_299 : i32 to vector<16xi32>
      %broadcast_in_dim3A_302 = vector.broadcast %jit3A_300 : i32 to vector<16xi32>
      %select_n3A_303 = arith.select %eq3A_288, %broadcast_in_dim3A_301, %broadcast_in_dim3A_302 : vector<16xi1>, vector<16xi32>
      %add3A_304 = arith.addi %add3A_283, %select_n3A_303 : vector<16xi32>
      %add3A_305 = arith.constant 23 : i32
      %add3A_306 = vector.broadcast %add3A_305 : i32 to vector<16xi32>
      %add3A_307 = arith.addi %broadcast_in_dim3A_1, %add3A_306 : vector<16xi32>
      %gather3A_308 = tpu.vector_load_idx %arg14[%add3A_307] : memref<32xi32, #tpu.memory_space<vmem>>[vector<16xi32>], vector<16xi32>,
      %eq3A_309 = arith.cmpi eq, %gather3A, %gather3A_308 : vector<16xi32>
      %gt3A_310 = arith.constant 7 : i32
      %gt3A_311 = vector.broadcast %gt3A_310 : i32 to vector<16xi32>
      %gt3A_312 = arith.cmpi sgt, %iota3A, %gt3A_311 : vector<16xi32>
      %and3A_313 = arith.andi %eq3A_309, %gt3A_312 : vector<16xi1>
      %jit3A_314 = arith.constant 1 : i32
      %jit3A_315 = arith.constant 0 : i32
      %broadcast_in_dim3A_316 = vector.broadcast %jit3A_314 : i32 to vector<16xi32>
      %broadcast_in_dim3A_317 = vector.broadcast %jit3A_315 : i32 to vector<16xi32>
      %select_n3A_318 = arith.select %and3A_313, %broadcast_in_dim3A_316, %broadcast_in_dim3A_317 : vector<16xi1>, vector<16xi32>
      %add3A_319 = arith.addi %add3A_298, %select_n3A_318 : vector<16xi32>
      %jit3A_320 = arith.constant 1 : i32
      %jit3A_321 = arith.constant 0 : i32
      %broadcast_in_dim3A_322 = vector.broadcast %jit3A_320 : i32 to vector<16xi32>
      %broadcast_in_dim3A_323 = vector.broadcast %jit3A_321 : i32 to vector<16xi32>
      %select_n3A_324 = arith.select %eq3A_309, %broadcast_in_dim3A_322, %broadcast_in_dim3A_323 : vector<16xi1>, vector<16xi32>
      %add3A_325 = arith.addi %add3A_304, %select_n3A_324 : vector<16xi32>
      %add3A_326 = arith.constant 24 : i32
      %add3A_327 = vector.broadcast %add3A_326 : i32 to vector<16xi32>
      %add3A_328 = arith.addi %broadcast_in_dim3A_1, %add3A_327 : vector<16xi32>
      %gather3A_329 = tpu.vector_load_idx %arg14[%add3A_328] : memref<32xi32, #tpu.memory_space<vmem>>[vector<16xi32>], vector<16xi32>,
      %eq3A_330 = arith.cmpi eq, %gather3A, %gather3A_329 : vector<16xi32>
      %gt3A_331 = arith.constant 8 : i32
      %gt3A_332 = vector.broadcast %gt3A_331 : i32 to vector<16xi32>
      %gt3A_333 = arith.cmpi sgt, %iota3A, %gt3A_332 : vector<16xi32>
      %and3A_334 = arith.andi %eq3A_330, %gt3A_333 : vector<16xi1>
      %jit3A_335 = arith.constant 1 : i32
      %jit3A_336 = arith.constant 0 : i32
      %broadcast_in_dim3A_337 = vector.broadcast %jit3A_335 : i32 to vector<16xi32>
      %broadcast_in_dim3A_338 = vector.broadcast %jit3A_336 : i32 to vector<16xi32>
      %select_n3A_339 = arith.select %and3A_334, %broadcast_in_dim3A_337, %broadcast_in_dim3A_338 : vector<16xi1>, vector<16xi32>
      %add3A_340 = arith.addi %add3A_319, %select_n3A_339 : vector<16xi32>
      %jit3A_341 = arith.constant 1 : i32
      %jit3A_342 = arith.constant 0 : i32
      %broadcast_in_dim3A_343 = vector.broadcast %jit3A_341 : i32 to vector<16xi32>
      %broadcast_in_dim3A_344 = vector.broadcast %jit3A_342 : i32 to vector<16xi32>
      %select_n3A_345 = arith.select %eq3A_330, %broadcast_in_dim3A_343, %broadcast_in_dim3A_344 : vector<16xi1>, vector<16xi32>
      %add3A_346 = arith.addi %add3A_325, %select_n3A_345 : vector<16xi32>
      %add3A_347 = arith.constant 25 : i32
      %add3A_348 = vector.broadcast %add3A_347 : i32 to vector<16xi32>
      %add3A_349 = arith.addi %broadcast_in_dim3A_1, %add3A_348 : vector<16xi32>
      %gather3A_350 = tpu.vector_load_idx %arg14[%add3A_349] : memref<32xi32, #tpu.memory_space<vmem>>[vector<16xi32>], vector<16xi32>,
      %eq3A_351 = arith.cmpi eq, %gather3A, %gather3A_350 : vector<16xi32>
      %gt3A_352 = arith.constant 9 : i32
      %gt3A_353 = vector.broadcast %gt3A_352 : i32 to vector<16xi32>
      %gt3A_354 = arith.cmpi sgt, %iota3A, %gt3A_353 : vector<16xi32>
      %and3A_355 = arith.andi %eq3A_351, %gt3A_354 : vector<16xi1>
      %jit3A_356 = arith.constant 1 : i32
      %jit3A_357 = arith.constant 0 : i32
      %broadcast_in_dim3A_358 = vector.broadcast %jit3A_356 : i32 to vector<16xi32>
      %broadcast_in_dim3A_359 = vector.broadcast %jit3A_357 : i32 to vector<16xi32>
      %select_n3A_360 = arith.select %and3A_355, %broadcast_in_dim3A_358, %broadcast_in_dim3A_359 : vector<16xi1>, vector<16xi32>
      %add3A_361 = arith.addi %add3A_340, %select_n3A_360 : vector<16xi32>
      %jit3A_362 = arith.constant 1 : i32
      %jit3A_363 = arith.constant 0 : i32
      %broadcast_in_dim3A_364 = vector.broadcast %jit3A_362 : i32 to vector<16xi32>
      %broadcast_in_dim3A_365 = vector.broadcast %jit3A_363 : i32 to vector<16xi32>
      %select_n3A_366 = arith.select %eq3A_351, %broadcast_in_dim3A_364, %broadcast_in_dim3A_365 : vector<16xi1>, vector<16xi32>
      %add3A_367 = arith.addi %add3A_346, %select_n3A_366 : vector<16xi32>
      %add3A_368 = arith.constant 26 : i32
      %add3A_369 = vector.broadcast %add3A_368 : i32 to vector<16xi32>
      %add3A_370 = arith.addi %broadcast_in_dim3A_1, %add3A_369 : vector<16xi32>
      %gather3A_371 = tpu.vector_load_idx %arg14[%add3A_370] : memref<32xi32, #tpu.memory_space<vmem>>[vector<16xi32>], vector<16xi32>,
      %eq3A_372 = arith.cmpi eq, %gather3A, %gather3A_371 : vector<16xi32>
      %gt3A_373 = arith.constant 10 : i32
      %gt3A_374 = vector.broadcast %gt3A_373 : i32 to vector<16xi32>
      %gt3A_375 = arith.cmpi sgt, %iota3A, %gt3A_374 : vector<16xi32>
      %and3A_376 = arith.andi %eq3A_372, %gt3A_375 : vector<16xi1>
      %jit3A_377 = arith.constant 1 : i32
      %jit3A_378 = arith.constant 0 : i32
      %broadcast_in_dim3A_379 = vector.broadcast %jit3A_377 : i32 to vector<16xi32>
      %broadcast_in_dim3A_380 = vector.broadcast %jit3A_378 : i32 to vector<16xi32>
      %select_n3A_381 = arith.select %and3A_376, %broadcast_in_dim3A_379, %broadcast_in_dim3A_380 : vector<16xi1>, vector<16xi32>
      %add3A_382 = arith.addi %add3A_361, %select_n3A_381 : vector<16xi32>
      %jit3A_383 = arith.constant 1 : i32
      %jit3A_384 = arith.constant 0 : i32
      %broadcast_in_dim3A_385 = vector.broadcast %jit3A_383 : i32 to vector<16xi32>
      %broadcast_in_dim3A_386 = vector.broadcast %jit3A_384 : i32 to vector<16xi32>
      %select_n3A_387 = arith.select %eq3A_372, %broadcast_in_dim3A_385, %broadcast_in_dim3A_386 : vector<16xi1>, vector<16xi32>
      %add3A_388 = arith.addi %add3A_367, %select_n3A_387 : vector<16xi32>
      %add3A_389 = arith.constant 27 : i32
      %add3A_390 = vector.broadcast %add3A_389 : i32 to vector<16xi32>
      %add3A_391 = arith.addi %broadcast_in_dim3A_1, %add3A_390 : vector<16xi32>
      %gather3A_392 = tpu.vector_load_idx %arg14[%add3A_391] : memref<32xi32, #tpu.memory_space<vmem>>[vector<16xi32>], vector<16xi32>,
      %eq3A_393 = arith.cmpi eq, %gather3A, %gather3A_392 : vector<16xi32>
      %gt3A_394 = arith.constant 11 : i32
      %gt3A_395 = vector.broadcast %gt3A_394 : i32 to vector<16xi32>
      %gt3A_396 = arith.cmpi sgt, %iota3A, %gt3A_395 : vector<16xi32>
      %and3A_397 = arith.andi %eq3A_393, %gt3A_396 : vector<16xi1>
      %jit3A_398 = arith.constant 1 : i32
      %jit3A_399 = arith.constant 0 : i32
      %broadcast_in_dim3A_400 = vector.broadcast %jit3A_398 : i32 to vector<16xi32>
      %broadcast_in_dim3A_401 = vector.broadcast %jit3A_399 : i32 to vector<16xi32>
      %select_n3A_402 = arith.select %and3A_397, %broadcast_in_dim3A_400, %broadcast_in_dim3A_401 : vector<16xi1>, vector<16xi32>
      %add3A_403 = arith.addi %add3A_382, %select_n3A_402 : vector<16xi32>
      %jit3A_404 = arith.constant 1 : i32
      %jit3A_405 = arith.constant 0 : i32
      %broadcast_in_dim3A_406 = vector.broadcast %jit3A_404 : i32 to vector<16xi32>
      %broadcast_in_dim3A_407 = vector.broadcast %jit3A_405 : i32 to vector<16xi32>
      %select_n3A_408 = arith.select %eq3A_393, %broadcast_in_dim3A_406, %broadcast_in_dim3A_407 : vector<16xi1>, vector<16xi32>
      %add3A_409 = arith.addi %add3A_388, %select_n3A_408 : vector<16xi32>
      %add3A_410 = arith.constant 28 : i32
      %add3A_411 = vector.broadcast %add3A_410 : i32 to vector<16xi32>
      %add3A_412 = arith.addi %broadcast_in_dim3A_1, %add3A_411 : vector<16xi32>
      %gather3A_413 = tpu.vector_load_idx %arg14[%add3A_412] : memref<32xi32, #tpu.memory_space<vmem>>[vector<16xi32>], vector<16xi32>,
      %eq3A_414 = arith.cmpi eq, %gather3A, %gather3A_413 : vector<16xi32>
      %gt3A_415 = arith.constant 12 : i32
      %gt3A_416 = vector.broadcast %gt3A_415 : i32 to vector<16xi32>
      %gt3A_417 = arith.cmpi sgt, %iota3A, %gt3A_416 : vector<16xi32>
      %and3A_418 = arith.andi %eq3A_414, %gt3A_417 : vector<16xi1>
      %jit3A_419 = arith.constant 1 : i32
      %jit3A_420 = arith.constant 0 : i32
      %broadcast_in_dim3A_421 = vector.broadcast %jit3A_419 : i32 to vector<16xi32>
      %broadcast_in_dim3A_422 = vector.broadcast %jit3A_420 : i32 to vector<16xi32>
      %select_n3A_423 = arith.select %and3A_418, %broadcast_in_dim3A_421, %broadcast_in_dim3A_422 : vector<16xi1>, vector<16xi32>
      %add3A_424 = arith.addi %add3A_403, %select_n3A_423 : vector<16xi32>
      %jit3A_425 = arith.constant 1 : i32
      %jit3A_426 = arith.constant 0 : i32
      %broadcast_in_dim3A_427 = vector.broadcast %jit3A_425 : i32 to vector<16xi32>
      %broadcast_in_dim3A_428 = vector.broadcast %jit3A_426 : i32 to vector<16xi32>
      %select_n3A_429 = arith.select %eq3A_414, %broadcast_in_dim3A_427, %broadcast_in_dim3A_428 : vector<16xi1>, vector<16xi32>
      %add3A_430 = arith.addi %add3A_409, %select_n3A_429 : vector<16xi32>
      %add3A_431 = arith.constant 29 : i32
      %add3A_432 = vector.broadcast %add3A_431 : i32 to vector<16xi32>
      %add3A_433 = arith.addi %broadcast_in_dim3A_1, %add3A_432 : vector<16xi32>
      %gather3A_434 = tpu.vector_load_idx %arg14[%add3A_433] : memref<32xi32, #tpu.memory_space<vmem>>[vector<16xi32>], vector<16xi32>,
      %eq3A_435 = arith.cmpi eq, %gather3A, %gather3A_434 : vector<16xi32>
      %gt3A_436 = arith.constant 13 : i32
      %gt3A_437 = vector.broadcast %gt3A_436 : i32 to vector<16xi32>
      %gt3A_438 = arith.cmpi sgt, %iota3A, %gt3A_437 : vector<16xi32>
      %and3A_439 = arith.andi %eq3A_435, %gt3A_438 : vector<16xi1>
      %jit3A_440 = arith.constant 1 : i32
      %jit3A_441 = arith.constant 0 : i32
      %broadcast_in_dim3A_442 = vector.broadcast %jit3A_440 : i32 to vector<16xi32>
      %broadcast_in_dim3A_443 = vector.broadcast %jit3A_441 : i32 to vector<16xi32>
      %select_n3A_444 = arith.select %and3A_439, %broadcast_in_dim3A_442, %broadcast_in_dim3A_443 : vector<16xi1>, vector<16xi32>
      %add3A_445 = arith.addi %add3A_424, %select_n3A_444 : vector<16xi32>
      %jit3A_446 = arith.constant 1 : i32
      %jit3A_447 = arith.constant 0 : i32
      %broadcast_in_dim3A_448 = vector.broadcast %jit3A_446 : i32 to vector<16xi32>
      %broadcast_in_dim3A_449 = vector.broadcast %jit3A_447 : i32 to vector<16xi32>
      %select_n3A_450 = arith.select %eq3A_435, %broadcast_in_dim3A_448, %broadcast_in_dim3A_449 : vector<16xi1>, vector<16xi32>
      %add3A_451 = arith.addi %add3A_430, %select_n3A_450 : vector<16xi32>
      %add3A_452 = arith.constant 30 : i32
      %add3A_453 = vector.broadcast %add3A_452 : i32 to vector<16xi32>
      %add3A_454 = arith.addi %broadcast_in_dim3A_1, %add3A_453 : vector<16xi32>
      %gather3A_455 = tpu.vector_load_idx %arg14[%add3A_454] : memref<32xi32, #tpu.memory_space<vmem>>[vector<16xi32>], vector<16xi32>,
      %eq3A_456 = arith.cmpi eq, %gather3A, %gather3A_455 : vector<16xi32>
      %gt3A_457 = arith.constant 14 : i32
      %gt3A_458 = vector.broadcast %gt3A_457 : i32 to vector<16xi32>
      %gt3A_459 = arith.cmpi sgt, %iota3A, %gt3A_458 : vector<16xi32>
      %and3A_460 = arith.andi %eq3A_456, %gt3A_459 : vector<16xi1>
      %jit3A_461 = arith.constant 1 : i32
      %jit3A_462 = arith.constant 0 : i32
      %broadcast_in_dim3A_463 = vector.broadcast %jit3A_461 : i32 to vector<16xi32>
      %broadcast_in_dim3A_464 = vector.broadcast %jit3A_462 : i32 to vector<16xi32>
      %select_n3A_465 = arith.select %and3A_460, %broadcast_in_dim3A_463, %broadcast_in_dim3A_464 : vector<16xi1>, vector<16xi32>
      %add3A_466 = arith.addi %add3A_445, %select_n3A_465 : vector<16xi32>
      %jit3A_467 = arith.constant 1 : i32
      %jit3A_468 = arith.constant 0 : i32
      %broadcast_in_dim3A_469 = vector.broadcast %jit3A_467 : i32 to vector<16xi32>
      %broadcast_in_dim3A_470 = vector.broadcast %jit3A_468 : i32 to vector<16xi32>
      %select_n3A_471 = arith.select %eq3A_456, %broadcast_in_dim3A_469, %broadcast_in_dim3A_470 : vector<16xi1>, vector<16xi32>
      %add3A_472 = arith.addi %add3A_451, %select_n3A_471 : vector<16xi32>
      %add3A_473 = arith.constant 31 : i32
      %add3A_474 = vector.broadcast %add3A_473 : i32 to vector<16xi32>
      %add3A_475 = arith.addi %broadcast_in_dim3A_1, %add3A_474 : vector<16xi32>
      %gather3A_476 = tpu.vector_load_idx %arg14[%add3A_475] : memref<32xi32, #tpu.memory_space<vmem>>[vector<16xi32>], vector<16xi32>,
      %eq3A_477 = arith.cmpi eq, %gather3A, %gather3A_476 : vector<16xi32>
      %gt3A_478 = arith.constant 15 : i32
      %gt3A_479 = vector.broadcast %gt3A_478 : i32 to vector<16xi32>
      %gt3A_480 = arith.cmpi sgt, %iota3A, %gt3A_479 : vector<16xi32>
      %and3A_481 = arith.andi %eq3A_477, %gt3A_480 : vector<16xi1>
      %jit3A_482 = arith.constant 1 : i32
      %jit3A_483 = arith.constant 0 : i32
      %broadcast_in_dim3A_484 = vector.broadcast %jit3A_482 : i32 to vector<16xi32>
      %broadcast_in_dim3A_485 = vector.broadcast %jit3A_483 : i32 to vector<16xi32>
      %select_n3A_486 = arith.select %and3A_481, %broadcast_in_dim3A_484, %broadcast_in_dim3A_485 : vector<16xi1>, vector<16xi32>
      %add3A_487 = arith.addi %add3A_466, %select_n3A_486 : vector<16xi32>
      %jit3A_488 = arith.constant 1 : i32
      %jit3A_489 = arith.constant 0 : i32
      %broadcast_in_dim3A_490 = vector.broadcast %jit3A_488 : i32 to vector<16xi32>
      %broadcast_in_dim3A_491 = vector.broadcast %jit3A_489 : i32 to vector<16xi32>
      %select_n3A_492 = arith.select %eq3A_477, %broadcast_in_dim3A_490, %broadcast_in_dim3A_491 : vector<16xi1>, vector<16xi32>
      %add3A_493 = arith.addi %add3A_472, %select_n3A_492 : vector<16xi32>
      %add3A_494 = arith.addi %gather3A_159, %add3A_493 : vector<16xi32>
      tpu.vector_store_idx %arg10[%gather3A], %add3A_494 : memref<64xi32, #tpu.memory_space<vmem>>[vector<16xi32>], vector<16xi32>,
      %mul3A_495 = arith.constant 16 : i32
      %mul3A_496 = arith.muli %scan3A_144, %mul3A_495 : i32
      %swap3A_497 = arith.index_cast %mul3A_496 : i32 to index
      %swap3A_498 = tpu.vector_load %arg11[%swap3A_497] {strides = array<i32>} : memref<128xi32, #tpu.memory_space<vmem>>, vector<16xi32>,
      tpu.vector_store %arg11[%swap3A_497], %gather3A {strides = array<i32>} : memref<128xi32, #tpu.memory_space<vmem>>, vector<16xi32>,
      %mul3A_499 = arith.constant 16 : i32
      %mul3A_500 = arith.muli %scan3A_144, %mul3A_499 : i32
      %swap3A_501 = arith.index_cast %mul3A_500 : i32 to index
      %swap3A_502 = tpu.vector_load %arg12[%swap3A_501] {strides = array<i32>} : memref<128xf32, #tpu.memory_space<vmem>>, vector<16xf32>,
      tpu.vector_store %arg12[%swap3A_501], %gather3A_158 {strides = array<i32>} : memref<128xf32, #tpu.memory_space<vmem>>, vector<16xf32>,
      %add3A_503 = arith.addi %gather3A_159, %add3A_487 : vector<16xi32>
      %mul3A_504 = arith.constant 16 : i32
      %mul3A_505 = arith.muli %scan3A_144, %mul3A_504 : i32
      %swap3A_506 = arith.index_cast %mul3A_505 : i32 to index
      %swap3A_507 = tpu.vector_load %arg13[%swap3A_506] {strides = array<i32>} : memref<128xi32, #tpu.memory_space<vmem>>, vector<16xi32>,
      tpu.vector_store %arg13[%swap3A_506], %add3A_503 {strides = array<i32>} : memref<128xi32, #tpu.memory_space<vmem>>, vector<16xi32>,
      %scan3A_508 = arith.constant 0 : i32
      scf.yield %scan3A_508 : i32
    }
    %scan3A_137 = arith.constant 8 : i32
    %mul3A_138 = arith.constant 128 : i32
    %mul3A_139 = arith.muli %add3A, %mul3A_138 : i32
    "tpu.region"() ({
      %run_scoped3A = tpu.sem_alloc : memref<!tpu.dma_semaphore, #tpu.memory_space<semaphore_mem>>
      %dma_start3A = tpu.memref_slice %arg3[%mul3A_139] : memref<4096xi32, #tpu.memory_space<hbm>> -> memref<128xi32, #tpu.memory_space<hbm>>
      %dma_start3A_144 = tpu.memref_slice %arg3[%mul3A_139] : memref<4096xi32, #tpu.memory_space<hbm>> -> memref<128xi32, #tpu.memory_space<hbm>>
      tpu.enqueue_dma source(%arg11 : memref<128xi32, #tpu.memory_space<vmem>>) target(%dma_start3A_144 : memref<128xi32, #tpu.memory_space<hbm>>) target_semaphore(%run_scoped3A : memref<!tpu.dma_semaphore, #tpu.memory_space<semaphore_mem>>)
      %dma_wait3A = tpu.memref_slice %arg3[%mul3A_139] : memref<4096xi32, #tpu.memory_space<hbm>> -> memref<128xi32, #tpu.memory_space<hbm>>
      %dma_wait3A_145 = tpu.memref_slice %arg3[%mul3A_139] : memref<4096xi32, #tpu.memory_space<hbm>> -> memref<128xi32, #tpu.memory_space<hbm>>
      tpu.wait_dma2 semaphore(%run_scoped3A : memref<!tpu.dma_semaphore, #tpu.memory_space<semaphore_mem>>) src(%arg11 : memref<128xi32, #tpu.memory_space<vmem>>) dst(%dma_wait3A_145 : memref<128xi32, #tpu.memory_space<hbm>>)
      tpu.yield
    }) : () -> ()
    %mul3A_140 = arith.constant 128 : i32
    %mul3A_141 = arith.muli %add3A, %mul3A_140 : i32
    "tpu.region"() ({
      %run_scoped3A = tpu.sem_alloc : memref<!tpu.dma_semaphore, #tpu.memory_space<semaphore_mem>>
      %dma_start3A = tpu.memref_slice %arg4[%mul3A_141] : memref<4096xf32, #tpu.memory_space<hbm>> -> memref<128xf32, #tpu.memory_space<hbm>>
      %dma_start3A_144 = tpu.memref_slice %arg4[%mul3A_141] : memref<4096xf32, #tpu.memory_space<hbm>> -> memref<128xf32, #tpu.memory_space<hbm>>
      tpu.enqueue_dma source(%arg12 : memref<128xf32, #tpu.memory_space<vmem>>) target(%dma_start3A_144 : memref<128xf32, #tpu.memory_space<hbm>>) target_semaphore(%run_scoped3A : memref<!tpu.dma_semaphore, #tpu.memory_space<semaphore_mem>>)
      %dma_wait3A = tpu.memref_slice %arg4[%mul3A_141] : memref<4096xf32, #tpu.memory_space<hbm>> -> memref<128xf32, #tpu.memory_space<hbm>>
      %dma_wait3A_145 = tpu.memref_slice %arg4[%mul3A_141] : memref<4096xf32, #tpu.memory_space<hbm>> -> memref<128xf32, #tpu.memory_space<hbm>>
      tpu.wait_dma2 semaphore(%run_scoped3A : memref<!tpu.dma_semaphore, #tpu.memory_space<semaphore_mem>>) src(%arg12 : memref<128xf32, #tpu.memory_space<vmem>>) dst(%dma_wait3A_145 : memref<128xf32, #tpu.memory_space<hbm>>)
      tpu.yield
    }) : () -> ()
    %mul3A_142 = arith.constant 128 : i32
    %mul3A_143 = arith.muli %add3A, %mul3A_142 : i32
    "tpu.region"() ({
      %run_scoped3A = tpu.sem_alloc : memref<!tpu.dma_semaphore, #tpu.memory_space<semaphore_mem>>
      %dma_start3A = tpu.memref_slice %arg5[%mul3A_143] : memref<4096xi32, #tpu.memory_space<hbm>> -> memref<128xi32, #tpu.memory_space<hbm>>
      %dma_start3A_144 = tpu.memref_slice %arg5[%mul3A_143] : memref<4096xi32, #tpu.memory_space<hbm>> -> memref<128xi32, #tpu.memory_space<hbm>>
      tpu.enqueue_dma source(%arg13 : memref<128xi32, #tpu.memory_space<vmem>>) target(%dma_start3A_144 : memref<128xi32, #tpu.memory_space<hbm>>) target_semaphore(%run_scoped3A : memref<!tpu.dma_semaphore, #tpu.memory_space<semaphore_mem>>)
      %dma_wait3A = tpu.memref_slice %arg5[%mul3A_143] : memref<4096xi32, #tpu.memory_space<hbm>> -> memref<128xi32, #tpu.memory_space<hbm>>
      %dma_wait3A_145 = tpu.memref_slice %arg5[%mul3A_143] : memref<4096xi32, #tpu.memory_space<hbm>> -> memref<128xi32, #tpu.memory_space<hbm>>
      tpu.wait_dma2 semaphore(%run_scoped3A : memref<!tpu.dma_semaphore, #tpu.memory_space<semaphore_mem>>) src(%arg13 : memref<128xi32, #tpu.memory_space<vmem>>) dst(%dma_wait3A_145 : memref<128xi32, #tpu.memory_space<hbm>>)
      tpu.yield
    }) : () -> ()
    "tpu.region"() ({
      %run_scoped3A = tpu.sem_alloc : memref<!tpu.dma_semaphore, #tpu.memory_space<semaphore_mem>>
      %dma_start3A = arith.constant 0 : i32
      %dma_start3A_144 = tpu.memref_slice %arg6[%add3A, %dma_start3A] : memref<32x64xi32, #tpu.memory_space<hbm>> -> memref<1x64xi32, #tpu.memory_space<hbm>>
      %dma_start3A_145 = tpu.memref_squeeze %dma_start3A_144 : memref<1x64xi32, #tpu.memory_space<hbm>> -> memref<64xi32, #tpu.memory_space<hbm>>
      %dma_start3A_146 = arith.constant 0 : i32
      %dma_start3A_147 = tpu.memref_slice %arg6[%add3A, %dma_start3A_146] : memref<32x64xi32, #tpu.memory_space<hbm>> -> memref<1x64xi32, #tpu.memory_space<hbm>>
      %dma_start3A_148 = tpu.memref_squeeze %dma_start3A_147 : memref<1x64xi32, #tpu.memory_space<hbm>> -> memref<64xi32, #tpu.memory_space<hbm>>
      tpu.enqueue_dma source(%arg10 : memref<64xi32, #tpu.memory_space<vmem>>) target(%dma_start3A_148 : memref<64xi32, #tpu.memory_space<hbm>>) target_semaphore(%run_scoped3A : memref<!tpu.dma_semaphore, #tpu.memory_space<semaphore_mem>>)
      %dma_wait3A = arith.constant 0 : i32
      %dma_wait3A_149 = tpu.memref_slice %arg6[%add3A, %dma_wait3A] : memref<32x64xi32, #tpu.memory_space<hbm>> -> memref<1x64xi32, #tpu.memory_space<hbm>>
      %dma_wait3A_150 = tpu.memref_squeeze %dma_wait3A_149 : memref<1x64xi32, #tpu.memory_space<hbm>> -> memref<64xi32, #tpu.memory_space<hbm>>
      %dma_wait3A_151 = arith.constant 0 : i32
      %dma_wait3A_152 = tpu.memref_slice %arg6[%add3A, %dma_wait3A_151] : memref<32x64xi32, #tpu.memory_space<hbm>> -> memref<1x64xi32, #tpu.memory_space<hbm>>
      %dma_wait3A_153 = tpu.memref_squeeze %dma_wait3A_152 : memref<1x64xi32, #tpu.memory_space<hbm>> -> memref<64xi32, #tpu.memory_space<hbm>>
      tpu.wait_dma2 semaphore(%run_scoped3A : memref<!tpu.dma_semaphore, #tpu.memory_space<semaphore_mem>>) src(%arg10 : memref<64xi32, #tpu.memory_space<vmem>>) dst(%dma_wait3A_153 : memref<64xi32, #tpu.memory_space<hbm>>)
      tpu.yield
    }) : () -> ()
    return
  }
}

#map = affine_map<(d0, d1) -> (0)>
#map1 = affine_map<(d0, d1) -> (0, 0)>
module attributes {stable_mosaic.version = 14 : i64} {
  func.func @_meta2_body(%arg0: i32, %arg1: i32, %arg2: memref<4096xi32, #tpu.memory_space<hbm>>, %arg3: memref<4096xf32, #tpu.memory_space<hbm>>, %arg4: memref<4096xi32, #tpu.memory_space<hbm>>, %arg5: memref<32x64xi32, #tpu.memory_space<hbm>>, %arg6: memref<4096xi32, #tpu.memory_space<hbm>>, %arg7: memref<4096xf32, #tpu.memory_space<hbm>>, %arg8: memref<2048xi32, #tpu.memory_space<hbm>>, %arg9: memref<2048xi32, #tpu.memory_space<hbm>>, %arg10: memref<32x64xi32, #tpu.memory_space<vmem>>, %arg11: memref<64xi32, #tpu.memory_space<vmem>>, %arg12: memref<128xi32, #tpu.memory_space<vmem>>, %arg13: memref<128xf32, #tpu.memory_space<vmem>>, %arg14: memref<128xi32, #tpu.memory_space<vmem>>, %arg15: memref<128xi32, #tpu.memory_space<vmem>>, %arg16: memref<128xf32, #tpu.memory_space<vmem>>, %arg17: memref<128xi32, #tpu.memory_space<vmem>>, %arg18: memref<128xi32, #tpu.memory_space<vmem>>) attributes {dimension_semantics = [#tpu.dimension_semantics<core_parallel>, #tpu.dimension_semantics<subcore_parallel>], iteration_bounds = array<i64: 2, 16>, scalar_prefetch = 0 : i64, scratch_operands = 9 : i64, tpu.core_type = #tpu.core_type<sc_vector_subcore>, window_params = [{transform_indices = #map}, {transform_indices = #map}, {transform_indices = #map}, {transform_indices = #map1}, {transform_indices = #map}, {transform_indices = #map}, {transform_indices = #map}, {transform_indices = #map}]} {
    %mul3A = arith.constant 2 : i32
    %mul3A_0 = arith.muli %arg1, %mul3A : i32
    %add3A = arith.addi %mul3A_0, %arg0 : i32
    "tpu.region"() ({
      %run_scoped3A = tpu.sem_alloc : memref<!tpu.dma_semaphore, #tpu.memory_space<semaphore_mem>>
      tpu.enqueue_dma source(%arg5 : memref<32x64xi32, #tpu.memory_space<hbm>>) target(%arg10 : memref<32x64xi32, #tpu.memory_space<vmem>>) target_semaphore(%run_scoped3A : memref<!tpu.dma_semaphore, #tpu.memory_space<semaphore_mem>>)
      tpu.wait_dma2 semaphore(%run_scoped3A : memref<!tpu.dma_semaphore, #tpu.memory_space<semaphore_mem>>) src(%arg5 : memref<32x64xi32, #tpu.memory_space<hbm>>) dst(%arg10 : memref<32x64xi32, #tpu.memory_space<vmem>>)
      tpu.yield
    }) : () -> ()
    %mul3A_1 = arith.constant 128 : i32
    %mul3A_2 = arith.muli %add3A, %mul3A_1 : i32
    "tpu.region"() ({
      %run_scoped3A = tpu.sem_alloc : memref<!tpu.dma_semaphore, #tpu.memory_space<semaphore_mem>>
      %dma_start3A = tpu.memref_slice %arg2[%mul3A_2] : memref<4096xi32, #tpu.memory_space<hbm>> -> memref<128xi32, #tpu.memory_space<hbm>>
      %dma_start3A_131 = tpu.memref_slice %arg2[%mul3A_2] : memref<4096xi32, #tpu.memory_space<hbm>> -> memref<128xi32, #tpu.memory_space<hbm>>
      tpu.enqueue_dma source(%dma_start3A_131 : memref<128xi32, #tpu.memory_space<hbm>>) target(%arg12 : memref<128xi32, #tpu.memory_space<vmem>>) target_semaphore(%run_scoped3A : memref<!tpu.dma_semaphore, #tpu.memory_space<semaphore_mem>>)
      %dma_wait3A = tpu.memref_slice %arg2[%mul3A_2] : memref<4096xi32, #tpu.memory_space<hbm>> -> memref<128xi32, #tpu.memory_space<hbm>>
      %dma_wait3A_132 = tpu.memref_slice %arg2[%mul3A_2] : memref<4096xi32, #tpu.memory_space<hbm>> -> memref<128xi32, #tpu.memory_space<hbm>>
      tpu.wait_dma2 semaphore(%run_scoped3A : memref<!tpu.dma_semaphore, #tpu.memory_space<semaphore_mem>>) src(%dma_wait3A_132 : memref<128xi32, #tpu.memory_space<hbm>>) dst(%arg12 : memref<128xi32, #tpu.memory_space<vmem>>)
      tpu.yield
    }) : () -> ()
    %mul3A_3 = arith.constant 128 : i32
    %mul3A_4 = arith.muli %add3A, %mul3A_3 : i32
    "tpu.region"() ({
      %run_scoped3A = tpu.sem_alloc : memref<!tpu.dma_semaphore, #tpu.memory_space<semaphore_mem>>
      %dma_start3A = tpu.memref_slice %arg3[%mul3A_4] : memref<4096xf32, #tpu.memory_space<hbm>> -> memref<128xf32, #tpu.memory_space<hbm>>
      %dma_start3A_131 = tpu.memref_slice %arg3[%mul3A_4] : memref<4096xf32, #tpu.memory_space<hbm>> -> memref<128xf32, #tpu.memory_space<hbm>>
      tpu.enqueue_dma source(%dma_start3A_131 : memref<128xf32, #tpu.memory_space<hbm>>) target(%arg13 : memref<128xf32, #tpu.memory_space<vmem>>) target_semaphore(%run_scoped3A : memref<!tpu.dma_semaphore, #tpu.memory_space<semaphore_mem>>)
      %dma_wait3A = tpu.memref_slice %arg3[%mul3A_4] : memref<4096xf32, #tpu.memory_space<hbm>> -> memref<128xf32, #tpu.memory_space<hbm>>
      %dma_wait3A_132 = tpu.memref_slice %arg3[%mul3A_4] : memref<4096xf32, #tpu.memory_space<hbm>> -> memref<128xf32, #tpu.memory_space<hbm>>
      tpu.wait_dma2 semaphore(%run_scoped3A : memref<!tpu.dma_semaphore, #tpu.memory_space<semaphore_mem>>) src(%dma_wait3A_132 : memref<128xf32, #tpu.memory_space<hbm>>) dst(%arg13 : memref<128xf32, #tpu.memory_space<vmem>>)
      tpu.yield
    }) : () -> ()
    %mul3A_5 = arith.constant 128 : i32
    %mul3A_6 = arith.muli %add3A, %mul3A_5 : i32
    "tpu.region"() ({
      %run_scoped3A = tpu.sem_alloc : memref<!tpu.dma_semaphore, #tpu.memory_space<semaphore_mem>>
      %dma_start3A = tpu.memref_slice %arg4[%mul3A_6] : memref<4096xi32, #tpu.memory_space<hbm>> -> memref<128xi32, #tpu.memory_space<hbm>>
      %dma_start3A_131 = tpu.memref_slice %arg4[%mul3A_6] : memref<4096xi32, #tpu.memory_space<hbm>> -> memref<128xi32, #tpu.memory_space<hbm>>
      tpu.enqueue_dma source(%dma_start3A_131 : memref<128xi32, #tpu.memory_space<hbm>>) target(%arg14 : memref<128xi32, #tpu.memory_space<vmem>>) target_semaphore(%run_scoped3A : memref<!tpu.dma_semaphore, #tpu.memory_space<semaphore_mem>>)
      %dma_wait3A = tpu.memref_slice %arg4[%mul3A_6] : memref<4096xi32, #tpu.memory_space<hbm>> -> memref<128xi32, #tpu.memory_space<hbm>>
      %dma_wait3A_132 = tpu.memref_slice %arg4[%mul3A_6] : memref<4096xi32, #tpu.memory_space<hbm>> -> memref<128xi32, #tpu.memory_space<hbm>>
      tpu.wait_dma2 semaphore(%run_scoped3A : memref<!tpu.dma_semaphore, #tpu.memory_space<semaphore_mem>>) src(%dma_wait3A_132 : memref<128xi32, #tpu.memory_space<hbm>>) dst(%arg14 : memref<128xi32, #tpu.memory_space<vmem>>)
      tpu.yield
    }) : () -> ()
    %iota3A = tpu.iota {dimensions = array<i32: 0>} : vector<16xi32>
    %broadcast_in_dim3A = arith.constant 0 : i32
    %broadcast_in_dim3A_7 = vector.broadcast %broadcast_in_dim3A : i32 to vector<16xi32>
    %while3A = arith.constant 0 : i32
    %while3A_8 = arith.subi %add3A, %while3A : i32
    %while3A_9 = arith.addi %while3A, %while3A_8 : i32
    %while3A_10 = arith.constant 1 : i32
    %while3A_11 = arith.divsi %while3A_8, %while3A_10 : i32
    %while3A_12 = arith.muli %while3A_11, %while3A_10 : i32
    %while3A_13 = arith.addi %while3A, %while3A_12 : i32
    %while3A_14 = arith.constant 1 : i32
    %while3A_15 = scf.for %while3A_131 = %while3A to %while3A_13 step %while3A_14 iter_args(%while3A_132 = %broadcast_in_dim3A_7) -> (vector<16xi32>)  : i32 {
      %get3A = arith.index_cast %while3A_131 : i32 to index
      %get3A_133 = arith.constant 0 : index
      %get3A_134 = tpu.vector_load %arg10[%get3A, %get3A_133] {strides = array<i32>} : memref<32x64xi32, #tpu.memory_space<vmem>>, vector<16xi32>,
      %add3A_135 = arith.addi %while3A_132, %get3A_134 : vector<16xi32>
      scf.yield %add3A_135 : vector<16xi32>
    }
    %while3A_16 = arith.constant 1 : i32
    %while3A_17 = scf.for %while3A_131 = %while3A_13 to %while3A_9 step %while3A_16 iter_args(%while3A_132 = %while3A_15) -> (vector<16xi32>)  : i32 {
      %get3A = arith.index_cast %while3A_131 : i32 to index
      %get3A_133 = arith.constant 0 : index
      %get3A_134 = tpu.vector_load %arg10[%get3A, %get3A_133] {strides = array<i32>} : memref<32x64xi32, #tpu.memory_space<vmem>>, vector<16xi32>,
      %add3A_135 = arith.addi %while3A_132, %get3A_134 : vector<16xi32>
      scf.yield %add3A_135 : vector<16xi32>
    }
    %swap3A = arith.constant 0 : index
    %swap3A_18 = tpu.vector_load %arg11[%swap3A] {strides = array<i32>} : memref<64xi32, #tpu.memory_space<vmem>>, vector<16xi32>,
    tpu.vector_store %arg11[%swap3A], %while3A_17 {strides = array<i32>} : memref<64xi32, #tpu.memory_space<vmem>>, vector<16xi32>,
    %while3A_19 = arith.constant 0 : i32
    %while3A_20 = arith.subi %add3A, %while3A_19 : i32
    %while3A_21 = arith.addi %while3A_19, %while3A_20 : i32
    %while3A_22 = arith.constant 1 : i32
    %while3A_23 = arith.divsi %while3A_20, %while3A_22 : i32
    %while3A_24 = arith.muli %while3A_23, %while3A_22 : i32
    %while3A_25 = arith.addi %while3A_19, %while3A_24 : i32
    %while3A_26 = arith.constant 1 : i32
    %while3A_27 = scf.for %while3A_131 = %while3A_19 to %while3A_25 step %while3A_26 iter_args(%while3A_132 = %broadcast_in_dim3A_7) -> (vector<16xi32>)  : i32 {
      %get3A = arith.index_cast %while3A_131 : i32 to index
      %get3A_133 = arith.constant 16 : index
      %get3A_134 = tpu.vector_load %arg10[%get3A, %get3A_133] {strides = array<i32>} : memref<32x64xi32, #tpu.memory_space<vmem>>, vector<16xi32>,
      %add3A_135 = arith.addi %while3A_132, %get3A_134 : vector<16xi32>
      scf.yield %add3A_135 : vector<16xi32>
    }
    %while3A_28 = arith.constant 1 : i32
    %while3A_29 = scf.for %while3A_131 = %while3A_25 to %while3A_21 step %while3A_28 iter_args(%while3A_132 = %while3A_27) -> (vector<16xi32>)  : i32 {
      %get3A = arith.index_cast %while3A_131 : i32 to index
      %get3A_133 = arith.constant 16 : index
      %get3A_134 = tpu.vector_load %arg10[%get3A, %get3A_133] {strides = array<i32>} : memref<32x64xi32, #tpu.memory_space<vmem>>, vector<16xi32>,
      %add3A_135 = arith.addi %while3A_132, %get3A_134 : vector<16xi32>
      scf.yield %add3A_135 : vector<16xi32>
    }
    %swap3A_30 = arith.constant 16 : index
    %swap3A_31 = tpu.vector_load %arg11[%swap3A_30] {strides = array<i32>} : memref<64xi32, #tpu.memory_space<vmem>>, vector<16xi32>,
    tpu.vector_store %arg11[%swap3A_30], %while3A_29 {strides = array<i32>} : memref<64xi32, #tpu.memory_space<vmem>>, vector<16xi32>,
    %while3A_32 = arith.constant 0 : i32
    %while3A_33 = arith.subi %add3A, %while3A_32 : i32
    %while3A_34 = arith.addi %while3A_32, %while3A_33 : i32
    %while3A_35 = arith.constant 1 : i32
    %while3A_36 = arith.divsi %while3A_33, %while3A_35 : i32
    %while3A_37 = arith.muli %while3A_36, %while3A_35 : i32
    %while3A_38 = arith.addi %while3A_32, %while3A_37 : i32
    %while3A_39 = arith.constant 1 : i32
    %while3A_40 = scf.for %while3A_131 = %while3A_32 to %while3A_38 step %while3A_39 iter_args(%while3A_132 = %broadcast_in_dim3A_7) -> (vector<16xi32>)  : i32 {
      %get3A = arith.index_cast %while3A_131 : i32 to index
      %get3A_133 = arith.constant 32 : index
      %get3A_134 = tpu.vector_load %arg10[%get3A, %get3A_133] {strides = array<i32>} : memref<32x64xi32, #tpu.memory_space<vmem>>, vector<16xi32>,
      %add3A_135 = arith.addi %while3A_132, %get3A_134 : vector<16xi32>
      scf.yield %add3A_135 : vector<16xi32>
    }
    %while3A_41 = arith.constant 1 : i32
    %while3A_42 = scf.for %while3A_131 = %while3A_38 to %while3A_34 step %while3A_41 iter_args(%while3A_132 = %while3A_40) -> (vector<16xi32>)  : i32 {
      %get3A = arith.index_cast %while3A_131 : i32 to index
      %get3A_133 = arith.constant 32 : index
      %get3A_134 = tpu.vector_load %arg10[%get3A, %get3A_133] {strides = array<i32>} : memref<32x64xi32, #tpu.memory_space<vmem>>, vector<16xi32>,
      %add3A_135 = arith.addi %while3A_132, %get3A_134 : vector<16xi32>
      scf.yield %add3A_135 : vector<16xi32>
    }
    %swap3A_43 = arith.constant 32 : index
    %swap3A_44 = tpu.vector_load %arg11[%swap3A_43] {strides = array<i32>} : memref<64xi32, #tpu.memory_space<vmem>>, vector<16xi32>,
    tpu.vector_store %arg11[%swap3A_43], %while3A_42 {strides = array<i32>} : memref<64xi32, #tpu.memory_space<vmem>>, vector<16xi32>,
    %while3A_45 = arith.constant 0 : i32
    %while3A_46 = arith.subi %add3A, %while3A_45 : i32
    %while3A_47 = arith.addi %while3A_45, %while3A_46 : i32
    %while3A_48 = arith.constant 1 : i32
    %while3A_49 = arith.divsi %while3A_46, %while3A_48 : i32
    %while3A_50 = arith.muli %while3A_49, %while3A_48 : i32
    %while3A_51 = arith.addi %while3A_45, %while3A_50 : i32
    %while3A_52 = arith.constant 1 : i32
    %while3A_53 = scf.for %while3A_131 = %while3A_45 to %while3A_51 step %while3A_52 iter_args(%while3A_132 = %broadcast_in_dim3A_7) -> (vector<16xi32>)  : i32 {
      %get3A = arith.index_cast %while3A_131 : i32 to index
      %get3A_133 = arith.constant 48 : index
      %get3A_134 = tpu.vector_load %arg10[%get3A, %get3A_133] {strides = array<i32>} : memref<32x64xi32, #tpu.memory_space<vmem>>, vector<16xi32>,
      %add3A_135 = arith.addi %while3A_132, %get3A_134 : vector<16xi32>
      scf.yield %add3A_135 : vector<16xi32>
    }
    %while3A_54 = arith.constant 1 : i32
    %while3A_55 = scf.for %while3A_131 = %while3A_51 to %while3A_47 step %while3A_54 iter_args(%while3A_132 = %while3A_53) -> (vector<16xi32>)  : i32 {
      %get3A = arith.index_cast %while3A_131 : i32 to index
      %get3A_133 = arith.constant 48 : index
      %get3A_134 = tpu.vector_load %arg10[%get3A, %get3A_133] {strides = array<i32>} : memref<32x64xi32, #tpu.memory_space<vmem>>, vector<16xi32>,
      %add3A_135 = arith.addi %while3A_132, %get3A_134 : vector<16xi32>
      scf.yield %add3A_135 : vector<16xi32>
    }
    %swap3A_56 = arith.constant 48 : index
    %swap3A_57 = tpu.vector_load %arg11[%swap3A_56] {strides = array<i32>} : memref<64xi32, #tpu.memory_space<vmem>>, vector<16xi32>,
    tpu.vector_store %arg11[%swap3A_56], %while3A_55 {strides = array<i32>} : memref<64xi32, #tpu.memory_space<vmem>>, vector<16xi32>,
    %scan3A = arith.constant 0 : i32
    %scan3A_58 = arith.constant 0 : i32
    %scan3A_59 = arith.constant 8 : i32
    %scan3A_60 = arith.addi %scan3A_58, %scan3A_59 : i32
    %scan3A_61 = arith.constant 1 : i32
    %scan3A_62 = scf.for %scan3A_131 = %scan3A_58 to %scan3A_60 step %scan3A_61 iter_args(%scan3A_132 = %scan3A) -> (i32)  : i32 {
      %mul3A_133 = arith.constant 16 : i32
      %mul3A_134 = arith.muli %scan3A_131, %mul3A_133 : i32
      %get3A = arith.index_cast %mul3A_134 : i32 to index
      %get3A_135 = tpu.vector_load %arg12[%get3A] {strides = array<i32>} : memref<128xi32, #tpu.memory_space<vmem>>, vector<16xi32>,
      %mul3A_136 = arith.constant 16 : i32
      %mul3A_137 = arith.muli %scan3A_131, %mul3A_136 : i32
      %get3A_138 = arith.index_cast %mul3A_137 : i32 to index
      %get3A_139 = tpu.vector_load %arg13[%get3A_138] {strides = array<i32>} : memref<128xf32, #tpu.memory_space<vmem>>, vector<16xf32>,
      %gather3A_140 = tpu.vector_load_idx %arg11[%get3A_135] : memref<64xi32, #tpu.memory_space<vmem>>[vector<16xi32>], vector<16xi32>,
      %mul3A_141 = arith.constant 16 : i32
      %mul3A_142 = arith.muli %scan3A_131, %mul3A_141 : i32
      %get3A_143 = arith.index_cast %mul3A_142 : i32 to index
      %get3A_144 = tpu.vector_load %arg14[%get3A_143] {strides = array<i32>} : memref<128xi32, #tpu.memory_space<vmem>>, vector<16xi32>,
      %add3A_145 = arith.addi %gather3A_140, %get3A_144 : vector<16xi32>
      %lt3A = arith.constant 128 : i32
      %lt3A_146 = vector.broadcast %lt3A : i32 to vector<16xi32>
      %lt3A_147 = arith.cmpi slt, %add3A_145, %lt3A_146 : vector<16xi32>
      %mul3A_148 = arith.constant 128 : i32
      %mul3A_149 = vector.broadcast %mul3A_148 : i32 to vector<16xi32>
      %mul3A_150 = arith.muli %get3A_135, %mul3A_149 : vector<16xi32>
      %add3A_151 = arith.addi %mul3A_150, %add3A_145 : vector<16xi32>
      %mul3A_152 = arith.constant 128 : i32
      %mul3A_153 = vector.broadcast %mul3A_152 : i32 to vector<16xi32>
      %mul3A_154 = arith.muli %get3A_135, %mul3A_153 : vector<16xi32>
      %select_n3A = arith.select %lt3A_147, %add3A_151, %mul3A_154 : vector<16xi1>, vector<16xi32>
      %mul3A_155 = arith.constant 16 : i32
      %mul3A_156 = arith.muli %scan3A_131, %mul3A_155 : i32
      %swap3A_157 = arith.index_cast %mul3A_156 : i32 to index
      %swap3A_158 = tpu.vector_load %arg15[%swap3A_157] {strides = array<i32>} : memref<128xi32, #tpu.memory_space<vmem>>, vector<16xi32>,
      tpu.vector_store %arg15[%swap3A_157], %select_n3A {strides = array<i32>} : memref<128xi32, #tpu.memory_space<vmem>>, vector<16xi32>,
      %convert_element_type3A = arith.extui %lt3A_147 : vector<16xi1> to vector<16xi32>
      %convert_element_type3A_159 = arith.sitofp %convert_element_type3A : vector<16xi32> to vector<16xf32>
      %mul3A_160 = arith.mulf %get3A_139, %convert_element_type3A_159 : vector<16xf32>
      %mul3A_161 = arith.constant 16 : i32
      %mul3A_162 = arith.muli %scan3A_131, %mul3A_161 : i32
      %swap3A_163 = arith.index_cast %mul3A_162 : i32 to index
      %swap3A_164 = tpu.vector_load %arg16[%swap3A_163] {strides = array<i32>} : memref<128xf32, #tpu.memory_space<vmem>>, vector<16xf32>,
      tpu.vector_store %arg16[%swap3A_163], %mul3A_160 {strides = array<i32>} : memref<128xf32, #tpu.memory_space<vmem>>, vector<16xf32>,
      %jit3A = arith.constant 8192 : i32
      %broadcast_in_dim3A_165 = vector.broadcast %jit3A : i32 to vector<16xi32>
      %select_n3A_166 = arith.select %lt3A_147, %add3A_151, %broadcast_in_dim3A_165 : vector<16xi1>, vector<16xi32>
      %mul3A_167 = arith.constant 16 : i32
      %mul3A_168 = arith.muli %scan3A_131, %mul3A_167 : i32
      %swap3A_169 = arith.index_cast %mul3A_168 : i32 to index
      %swap3A_170 = tpu.vector_load %arg17[%swap3A_169] {strides = array<i32>} : memref<128xi32, #tpu.memory_space<vmem>>, vector<16xi32>,
      tpu.vector_store %arg17[%swap3A_169], %select_n3A_166 {strides = array<i32>} : memref<128xi32, #tpu.memory_space<vmem>>, vector<16xi32>,
      %scan3A_171 = arith.constant 0 : i32
      scf.yield %scan3A_171 : i32
    }
    %scan3A_63 = arith.constant 8 : i32
    %add3A_64 = arith.constant 0 : i32
    %add3A_65 = vector.broadcast %add3A_64 : i32 to vector<16xi32>
    %add3A_66 = arith.addi %iota3A, %add3A_65 : vector<16xi32>
    %mul3A_67 = arith.constant 2 : i32
    %mul3A_68 = vector.broadcast %mul3A_67 : i32 to vector<16xi32>
    %mul3A_69 = arith.muli %add3A_66, %mul3A_68 : vector<16xi32>
    %gather3A = tpu.vector_load_idx %arg17[%mul3A_69] : memref<128xi32, #tpu.memory_space<vmem>>[vector<16xi32>], vector<16xi32>,
    %swap3A_70 = arith.constant 0 : index
    %swap3A_71 = tpu.vector_load %arg18[%swap3A_70] {strides = array<i32>} : memref<128xi32, #tpu.memory_space<vmem>>, vector<16xi32>,
    tpu.vector_store %arg18[%swap3A_70], %gather3A {strides = array<i32>} : memref<128xi32, #tpu.memory_space<vmem>>, vector<16xi32>,
    %add3A_72 = arith.constant 1 : i32
    %add3A_73 = vector.broadcast %add3A_72 : i32 to vector<16xi32>
    %add3A_74 = arith.addi %mul3A_69, %add3A_73 : vector<16xi32>
    %gather3A_75 = tpu.vector_load_idx %arg17[%add3A_74] : memref<128xi32, #tpu.memory_space<vmem>>[vector<16xi32>], vector<16xi32>,
    %swap3A_76 = arith.constant 64 : index
    %swap3A_77 = tpu.vector_load %arg18[%swap3A_76] {strides = array<i32>} : memref<128xi32, #tpu.memory_space<vmem>>, vector<16xi32>,
    tpu.vector_store %arg18[%swap3A_76], %gather3A_75 {strides = array<i32>} : memref<128xi32, #tpu.memory_space<vmem>>, vector<16xi32>,
    %add3A_78 = arith.constant 16 : i32
    %add3A_79 = vector.broadcast %add3A_78 : i32 to vector<16xi32>
    %add3A_80 = arith.addi %iota3A, %add3A_79 : vector<16xi32>
    %mul3A_81 = arith.constant 2 : i32
    %mul3A_82 = vector.broadcast %mul3A_81 : i32 to vector<16xi32>
    %mul3A_83 = arith.muli %add3A_80, %mul3A_82 : vector<16xi32>
    %gather3A_84 = tpu.vector_load_idx %arg17[%mul3A_83] : memref<128xi32, #tpu.memory_space<vmem>>[vector<16xi32>], vector<16xi32>,
    %swap3A_85 = arith.constant 16 : index
    %swap3A_86 = tpu.vector_load %arg18[%swap3A_85] {strides = array<i32>} : memref<128xi32, #tpu.memory_space<vmem>>, vector<16xi32>,
    tpu.vector_store %arg18[%swap3A_85], %gather3A_84 {strides = array<i32>} : memref<128xi32, #tpu.memory_space<vmem>>, vector<16xi32>,
    %add3A_87 = arith.constant 1 : i32
    %add3A_88 = vector.broadcast %add3A_87 : i32 to vector<16xi32>
    %add3A_89 = arith.addi %mul3A_83, %add3A_88 : vector<16xi32>
    %gather3A_90 = tpu.vector_load_idx %arg17[%add3A_89] : memref<128xi32, #tpu.memory_space<vmem>>[vector<16xi32>], vector<16xi32>,
    %swap3A_91 = arith.constant 80 : index
    %swap3A_92 = tpu.vector_load %arg18[%swap3A_91] {strides = array<i32>} : memref<128xi32, #tpu.memory_space<vmem>>, vector<16xi32>,
    tpu.vector_store %arg18[%swap3A_91], %gather3A_90 {strides = array<i32>} : memref<128xi32, #tpu.memory_space<vmem>>, vector<16xi32>,
    %add3A_93 = arith.constant 32 : i32
    %add3A_94 = vector.broadcast %add3A_93 : i32 to vector<16xi32>
    %add3A_95 = arith.addi %iota3A, %add3A_94 : vector<16xi32>
    %mul3A_96 = arith.constant 2 : i32
    %mul3A_97 = vector.broadcast %mul3A_96 : i32 to vector<16xi32>
    %mul3A_98 = arith.muli %add3A_95, %mul3A_97 : vector<16xi32>
    %gather3A_99 = tpu.vector_load_idx %arg17[%mul3A_98] : memref<128xi32, #tpu.memory_space<vmem>>[vector<16xi32>], vector<16xi32>,
    %swap3A_100 = arith.constant 32 : index
    %swap3A_101 = tpu.vector_load %arg18[%swap3A_100] {strides = array<i32>} : memref<128xi32, #tpu.memory_space<vmem>>, vector<16xi32>,
    tpu.vector_store %arg18[%swap3A_100], %gather3A_99 {strides = array<i32>} : memref<128xi32, #tpu.memory_space<vmem>>, vector<16xi32>,
    %add3A_102 = arith.constant 1 : i32
    %add3A_103 = vector.broadcast %add3A_102 : i32 to vector<16xi32>
    %add3A_104 = arith.addi %mul3A_98, %add3A_103 : vector<16xi32>
    %gather3A_105 = tpu.vector_load_idx %arg17[%add3A_104] : memref<128xi32, #tpu.memory_space<vmem>>[vector<16xi32>], vector<16xi32>,
    %swap3A_106 = arith.constant 96 : index
    %swap3A_107 = tpu.vector_load %arg18[%swap3A_106] {strides = array<i32>} : memref<128xi32, #tpu.memory_space<vmem>>, vector<16xi32>,
    tpu.vector_store %arg18[%swap3A_106], %gather3A_105 {strides = array<i32>} : memref<128xi32, #tpu.memory_space<vmem>>, vector<16xi32>,
    %add3A_108 = arith.constant 48 : i32
    %add3A_109 = vector.broadcast %add3A_108 : i32 to vector<16xi32>
    %add3A_110 = arith.addi %iota3A, %add3A_109 : vector<16xi32>
    %mul3A_111 = arith.constant 2 : i32
    %mul3A_112 = vector.broadcast %mul3A_111 : i32 to vector<16xi32>
    %mul3A_113 = arith.muli %add3A_110, %mul3A_112 : vector<16xi32>
    %gather3A_114 = tpu.vector_load_idx %arg17[%mul3A_113] : memref<128xi32, #tpu.memory_space<vmem>>[vector<16xi32>], vector<16xi32>,
    %swap3A_115 = arith.constant 48 : index
    %swap3A_116 = tpu.vector_load %arg18[%swap3A_115] {strides = array<i32>} : memref<128xi32, #tpu.memory_space<vmem>>, vector<16xi32>,
    tpu.vector_store %arg18[%swap3A_115], %gather3A_114 {strides = array<i32>} : memref<128xi32, #tpu.memory_space<vmem>>, vector<16xi32>,
    %add3A_117 = arith.constant 1 : i32
    %add3A_118 = vector.broadcast %add3A_117 : i32 to vector<16xi32>
    %add3A_119 = arith.addi %mul3A_113, %add3A_118 : vector<16xi32>
    %gather3A_120 = tpu.vector_load_idx %arg17[%add3A_119] : memref<128xi32, #tpu.memory_space<vmem>>[vector<16xi32>], vector<16xi32>,
    %swap3A_121 = arith.constant 112 : index
    %swap3A_122 = tpu.vector_load %arg18[%swap3A_121] {strides = array<i32>} : memref<128xi32, #tpu.memory_space<vmem>>, vector<16xi32>,
    tpu.vector_store %arg18[%swap3A_121], %gather3A_120 {strides = array<i32>} : memref<128xi32, #tpu.memory_space<vmem>>, vector<16xi32>,
    %mul3A_123 = arith.constant 128 : i32
    %mul3A_124 = arith.muli %add3A, %mul3A_123 : i32
    "tpu.region"() ({
      %run_scoped3A = tpu.sem_alloc : memref<!tpu.dma_semaphore, #tpu.memory_space<semaphore_mem>>
      %dma_start3A = tpu.memref_slice %arg6[%mul3A_124] : memref<4096xi32, #tpu.memory_space<hbm>> -> memref<128xi32, #tpu.memory_space<hbm>>
      %dma_start3A_131 = tpu.memref_slice %arg6[%mul3A_124] : memref<4096xi32, #tpu.memory_space<hbm>> -> memref<128xi32, #tpu.memory_space<hbm>>
      tpu.enqueue_dma source(%arg15 : memref<128xi32, #tpu.memory_space<vmem>>) target(%dma_start3A_131 : memref<128xi32, #tpu.memory_space<hbm>>) target_semaphore(%run_scoped3A : memref<!tpu.dma_semaphore, #tpu.memory_space<semaphore_mem>>)
      %dma_wait3A = tpu.memref_slice %arg6[%mul3A_124] : memref<4096xi32, #tpu.memory_space<hbm>> -> memref<128xi32, #tpu.memory_space<hbm>>
      %dma_wait3A_132 = tpu.memref_slice %arg6[%mul3A_124] : memref<4096xi32, #tpu.memory_space<hbm>> -> memref<128xi32, #tpu.memory_space<hbm>>
      tpu.wait_dma2 semaphore(%run_scoped3A : memref<!tpu.dma_semaphore, #tpu.memory_space<semaphore_mem>>) src(%arg15 : memref<128xi32, #tpu.memory_space<vmem>>) dst(%dma_wait3A_132 : memref<128xi32, #tpu.memory_space<hbm>>)
      tpu.yield
    }) : () -> ()
    %mul3A_125 = arith.constant 128 : i32
    %mul3A_126 = arith.muli %add3A, %mul3A_125 : i32
    "tpu.region"() ({
      %run_scoped3A = tpu.sem_alloc : memref<!tpu.dma_semaphore, #tpu.memory_space<semaphore_mem>>
      %dma_start3A = tpu.memref_slice %arg7[%mul3A_126] : memref<4096xf32, #tpu.memory_space<hbm>> -> memref<128xf32, #tpu.memory_space<hbm>>
      %dma_start3A_131 = tpu.memref_slice %arg7[%mul3A_126] : memref<4096xf32, #tpu.memory_space<hbm>> -> memref<128xf32, #tpu.memory_space<hbm>>
      tpu.enqueue_dma source(%arg16 : memref<128xf32, #tpu.memory_space<vmem>>) target(%dma_start3A_131 : memref<128xf32, #tpu.memory_space<hbm>>) target_semaphore(%run_scoped3A : memref<!tpu.dma_semaphore, #tpu.memory_space<semaphore_mem>>)
      %dma_wait3A = tpu.memref_slice %arg7[%mul3A_126] : memref<4096xf32, #tpu.memory_space<hbm>> -> memref<128xf32, #tpu.memory_space<hbm>>
      %dma_wait3A_132 = tpu.memref_slice %arg7[%mul3A_126] : memref<4096xf32, #tpu.memory_space<hbm>> -> memref<128xf32, #tpu.memory_space<hbm>>
      tpu.wait_dma2 semaphore(%run_scoped3A : memref<!tpu.dma_semaphore, #tpu.memory_space<semaphore_mem>>) src(%arg16 : memref<128xf32, #tpu.memory_space<vmem>>) dst(%dma_wait3A_132 : memref<128xf32, #tpu.memory_space<hbm>>)
      tpu.yield
    }) : () -> ()
    %mul3A_127 = arith.constant 64 : i32
    %mul3A_128 = arith.muli %add3A, %mul3A_127 : i32
    "tpu.region"() ({
      %run_scoped3A = tpu.sem_alloc : memref<!tpu.dma_semaphore, #tpu.memory_space<semaphore_mem>>
      %dma_start3A = arith.constant 0 : i32
      %dma_start3A_131 = tpu.memref_slice %arg18[%dma_start3A] : memref<128xi32, #tpu.memory_space<vmem>> -> memref<64xi32, #tpu.memory_space<vmem>>
      %dma_start3A_132 = tpu.memref_slice %arg8[%mul3A_128] : memref<2048xi32, #tpu.memory_space<hbm>> -> memref<64xi32, #tpu.memory_space<hbm>>
      %dma_start3A_133 = tpu.memref_slice %arg8[%mul3A_128] : memref<2048xi32, #tpu.memory_space<hbm>> -> memref<64xi32, #tpu.memory_space<hbm>>
      %dma_start3A_134 = arith.constant 0 : i32
      %dma_start3A_135 = tpu.memref_slice %arg18[%dma_start3A_134] : memref<128xi32, #tpu.memory_space<vmem>> -> memref<64xi32, #tpu.memory_space<vmem>>
      tpu.enqueue_dma source(%dma_start3A_135 : memref<64xi32, #tpu.memory_space<vmem>>) target(%dma_start3A_133 : memref<64xi32, #tpu.memory_space<hbm>>) target_semaphore(%run_scoped3A : memref<!tpu.dma_semaphore, #tpu.memory_space<semaphore_mem>>)
      %dma_wait3A = arith.constant 0 : i32
      %dma_wait3A_136 = tpu.memref_slice %arg18[%dma_wait3A] : memref<128xi32, #tpu.memory_space<vmem>> -> memref<64xi32, #tpu.memory_space<vmem>>
      %dma_wait3A_137 = tpu.memref_slice %arg8[%mul3A_128] : memref<2048xi32, #tpu.memory_space<hbm>> -> memref<64xi32, #tpu.memory_space<hbm>>
      %dma_wait3A_138 = tpu.memref_slice %arg8[%mul3A_128] : memref<2048xi32, #tpu.memory_space<hbm>> -> memref<64xi32, #tpu.memory_space<hbm>>
      %dma_wait3A_139 = arith.constant 0 : i32
      %dma_wait3A_140 = tpu.memref_slice %arg18[%dma_wait3A_139] : memref<128xi32, #tpu.memory_space<vmem>> -> memref<64xi32, #tpu.memory_space<vmem>>
      tpu.wait_dma2 semaphore(%run_scoped3A : memref<!tpu.dma_semaphore, #tpu.memory_space<semaphore_mem>>) src(%dma_wait3A_140 : memref<64xi32, #tpu.memory_space<vmem>>) dst(%dma_wait3A_138 : memref<64xi32, #tpu.memory_space<hbm>>)
      tpu.yield
    }) : () -> ()
    %mul3A_129 = arith.constant 64 : i32
    %mul3A_130 = arith.muli %add3A, %mul3A_129 : i32
    "tpu.region"() ({
      %run_scoped3A = tpu.sem_alloc : memref<!tpu.dma_semaphore, #tpu.memory_space<semaphore_mem>>
      %dma_start3A = arith.constant 64 : i32
      %dma_start3A_131 = tpu.memref_slice %arg18[%dma_start3A] : memref<128xi32, #tpu.memory_space<vmem>> -> memref<64xi32, #tpu.memory_space<vmem>>
      %dma_start3A_132 = tpu.memref_slice %arg9[%mul3A_130] : memref<2048xi32, #tpu.memory_space<hbm>> -> memref<64xi32, #tpu.memory_space<hbm>>
      %dma_start3A_133 = tpu.memref_slice %arg9[%mul3A_130] : memref<2048xi32, #tpu.memory_space<hbm>> -> memref<64xi32, #tpu.memory_space<hbm>>
      %dma_start3A_134 = arith.constant 64 : i32
      %dma_start3A_135 = tpu.memref_slice %arg18[%dma_start3A_134] : memref<128xi32, #tpu.memory_space<vmem>> -> memref<64xi32, #tpu.memory_space<vmem>>
      tpu.enqueue_dma source(%dma_start3A_135 : memref<64xi32, #tpu.memory_space<vmem>>) target(%dma_start3A_133 : memref<64xi32, #tpu.memory_space<hbm>>) target_semaphore(%run_scoped3A : memref<!tpu.dma_semaphore, #tpu.memory_space<semaphore_mem>>)
      %dma_wait3A = arith.constant 64 : i32
      %dma_wait3A_136 = tpu.memref_slice %arg18[%dma_wait3A] : memref<128xi32, #tpu.memory_space<vmem>> -> memref<64xi32, #tpu.memory_space<vmem>>
      %dma_wait3A_137 = tpu.memref_slice %arg9[%mul3A_130] : memref<2048xi32, #tpu.memory_space<hbm>> -> memref<64xi32, #tpu.memory_space<hbm>>
      %dma_wait3A_138 = tpu.memref_slice %arg9[%mul3A_130] : memref<2048xi32, #tpu.memory_space<hbm>> -> memref<64xi32, #tpu.memory_space<hbm>>
      %dma_wait3A_139 = arith.constant 64 : i32
      %dma_wait3A_140 = tpu.memref_slice %arg18[%dma_wait3A_139] : memref<128xi32, #tpu.memory_space<vmem>> -> memref<64xi32, #tpu.memory_space<vmem>>
      tpu.wait_dma2 semaphore(%run_scoped3A : memref<!tpu.dma_semaphore, #tpu.memory_space<semaphore_mem>>) src(%dma_wait3A_140 : memref<64xi32, #tpu.memory_space<vmem>>) dst(%dma_wait3A_138 : memref<64xi32, #tpu.memory_space<hbm>>)
      tpu.yield
    }) : () -> ()
    return
  }
}

#map = affine_map<(d0, d1) -> (0)>
#map1 = affine_map<(d0, d1) -> (0, 0)>
module attributes {stable_mosaic.version = 14 : i64} {
  func.func @_combine_body(%arg0: i32, %arg1: i32, %arg2: memref<4096xi32, #tpu.memory_space<hbm>>, %arg3: memref<4096xf32, #tpu.memory_space<hbm>>, %arg4: memref<8192x1024xf32, #tpu.memory_space<hbm>>, %arg5: memref<2048x1024xf32, #tpu.memory_space<hbm>>, %arg6: memref<2048x1024xf32, #tpu.memory_space<hbm>>, %arg7: memref<128xi32, #tpu.memory_space<vmem>>, %arg8: memref<128xf32, #tpu.memory_space<vmem>>, %arg9: memref<32x1024xf32, #tpu.memory_space<vmem>>, %arg10: memref<32x1024xf32, #tpu.memory_space<vmem>>, %arg11: memref<16x1024xf32, #tpu.memory_space<vmem>>, %arg12: memref<!tpu.dma_semaphore, #tpu.memory_space<semaphore_mem>>, %arg13: memref<!tpu.dma_semaphore, #tpu.memory_space<semaphore_mem>>) attributes {dimension_semantics = [#tpu.dimension_semantics<core_parallel>, #tpu.dimension_semantics<subcore_parallel>], iteration_bounds = array<i64: 2, 16>, scalar_prefetch = 0 : i64, scratch_operands = 7 : i64, tpu.core_type = #tpu.core_type<sc_vector_subcore>, window_params = [{transform_indices = #map}, {transform_indices = #map}, {transform_indices = #map1}, {transform_indices = #map1}, {transform_indices = #map1}]} {
    %mul3A = arith.constant 2 : i32
    %mul3A_0 = arith.muli %arg1, %mul3A : i32
    %add3A = arith.addi %mul3A_0, %arg0 : i32
    %mul3A_1 = arith.constant 128 : i32
    %mul3A_2 = arith.muli %add3A, %mul3A_1 : i32
    "tpu.region"() ({
      %run_scoped3A = tpu.sem_alloc : memref<!tpu.dma_semaphore, #tpu.memory_space<semaphore_mem>>
      %dma_start3A_86 = tpu.memref_slice %arg2[%mul3A_2] : memref<4096xi32, #tpu.memory_space<hbm>> -> memref<128xi32, #tpu.memory_space<hbm>>
      %dma_start3A_87 = tpu.memref_slice %arg2[%mul3A_2] : memref<4096xi32, #tpu.memory_space<hbm>> -> memref<128xi32, #tpu.memory_space<hbm>>
      tpu.enqueue_dma source(%dma_start3A_87 : memref<128xi32, #tpu.memory_space<hbm>>) target(%arg7 : memref<128xi32, #tpu.memory_space<vmem>>) target_semaphore(%run_scoped3A : memref<!tpu.dma_semaphore, #tpu.memory_space<semaphore_mem>>)
      %dma_wait3A_88 = tpu.memref_slice %arg2[%mul3A_2] : memref<4096xi32, #tpu.memory_space<hbm>> -> memref<128xi32, #tpu.memory_space<hbm>>
      %dma_wait3A_89 = tpu.memref_slice %arg2[%mul3A_2] : memref<4096xi32, #tpu.memory_space<hbm>> -> memref<128xi32, #tpu.memory_space<hbm>>
      tpu.wait_dma2 semaphore(%run_scoped3A : memref<!tpu.dma_semaphore, #tpu.memory_space<semaphore_mem>>) src(%dma_wait3A_89 : memref<128xi32, #tpu.memory_space<hbm>>) dst(%arg7 : memref<128xi32, #tpu.memory_space<vmem>>)
      tpu.yield
    }) : () -> ()
    %mul3A_3 = arith.constant 128 : i32
    %mul3A_4 = arith.muli %add3A, %mul3A_3 : i32
    "tpu.region"() ({
      %run_scoped3A = tpu.sem_alloc : memref<!tpu.dma_semaphore, #tpu.memory_space<semaphore_mem>>
      %dma_start3A_86 = tpu.memref_slice %arg3[%mul3A_4] : memref<4096xf32, #tpu.memory_space<hbm>> -> memref<128xf32, #tpu.memory_space<hbm>>
      %dma_start3A_87 = tpu.memref_slice %arg3[%mul3A_4] : memref<4096xf32, #tpu.memory_space<hbm>> -> memref<128xf32, #tpu.memory_space<hbm>>
      tpu.enqueue_dma source(%dma_start3A_87 : memref<128xf32, #tpu.memory_space<hbm>>) target(%arg8 : memref<128xf32, #tpu.memory_space<vmem>>) target_semaphore(%run_scoped3A : memref<!tpu.dma_semaphore, #tpu.memory_space<semaphore_mem>>)
      %dma_wait3A_88 = tpu.memref_slice %arg3[%mul3A_4] : memref<4096xf32, #tpu.memory_space<hbm>> -> memref<128xf32, #tpu.memory_space<hbm>>
      %dma_wait3A_89 = tpu.memref_slice %arg3[%mul3A_4] : memref<4096xf32, #tpu.memory_space<hbm>> -> memref<128xf32, #tpu.memory_space<hbm>>
      tpu.wait_dma2 semaphore(%run_scoped3A : memref<!tpu.dma_semaphore, #tpu.memory_space<semaphore_mem>>) src(%dma_wait3A_89 : memref<128xf32, #tpu.memory_space<hbm>>) dst(%arg8 : memref<128xf32, #tpu.memory_space<vmem>>)
      tpu.yield
    }) : () -> ()
    %dma_start3A = arith.constant 0 : i32
    %dma_start3A_5 = tpu.memref_slice %arg7[%dma_start3A] : memref<128xi32, #tpu.memory_space<vmem>> -> memref<32xi32, #tpu.memory_space<vmem>>
    %dma_start3A_6 = arith.constant 0 : i32
    %dma_start3A_7 = arith.constant 0 : i32
    %dma_start3A_8 = tpu.memref_slice %arg4[%dma_start3A_6, %dma_start3A_7] : memref<8192x1024xf32, #tpu.memory_space<hbm>> -> memref<8192x1024xf32, #tpu.memory_space<hbm>>
    tpu.enqueue_indirect_dma source(%dma_start3A_8 : memref<8192x1024xf32, #tpu.memory_space<hbm>>) target(%arg9 : memref<32x1024xf32, #tpu.memory_space<vmem>>) offsets(%dma_start3A_5 : memref<32xi32, #tpu.memory_space<vmem>>) semaphore(%arg12 : memref<!tpu.dma_semaphore, #tpu.memory_space<semaphore_mem>>)
    %mul3A_9 = arith.constant 64 : i32
    %mul3A_10 = arith.muli %add3A, %mul3A_9 : i32
    %add3A_11 = arith.constant 0 : i32
    %add3A_12 = arith.addi %mul3A_10, %add3A_11 : i32
    "tpu.region"() ({
      %run_scoped3A = tpu.sem_alloc : memref<!tpu.dma_semaphore, #tpu.memory_space<semaphore_mem>>
      %dma_start3A_86 = arith.constant 0 : i32
      %dma_start3A_87 = tpu.memref_slice %arg5[%add3A_12, %dma_start3A_86] : memref<2048x1024xf32, #tpu.memory_space<hbm>> -> memref<16x1024xf32, #tpu.memory_space<hbm>>
      %dma_start3A_88 = arith.constant 0 : i32
      %dma_start3A_89 = tpu.memref_slice %arg5[%add3A_12, %dma_start3A_88] : memref<2048x1024xf32, #tpu.memory_space<hbm>> -> memref<16x1024xf32, #tpu.memory_space<hbm>>
      tpu.enqueue_dma source(%dma_start3A_89 : memref<16x1024xf32, #tpu.memory_space<hbm>>) target(%arg11 : memref<16x1024xf32, #tpu.memory_space<vmem>>) target_semaphore(%run_scoped3A : memref<!tpu.dma_semaphore, #tpu.memory_space<semaphore_mem>>)
      %dma_wait3A_90 = arith.constant 0 : i32
      %dma_wait3A_91 = tpu.memref_slice %arg5[%add3A_12, %dma_wait3A_90] : memref<2048x1024xf32, #tpu.memory_space<hbm>> -> memref<16x1024xf32, #tpu.memory_space<hbm>>
      %dma_wait3A_92 = arith.constant 0 : i32
      %dma_wait3A_93 = tpu.memref_slice %arg5[%add3A_12, %dma_wait3A_92] : memref<2048x1024xf32, #tpu.memory_space<hbm>> -> memref<16x1024xf32, #tpu.memory_space<hbm>>
      tpu.wait_dma2 semaphore(%run_scoped3A : memref<!tpu.dma_semaphore, #tpu.memory_space<semaphore_mem>>) src(%dma_wait3A_93 : memref<16x1024xf32, #tpu.memory_space<hbm>>) dst(%arg11 : memref<16x1024xf32, #tpu.memory_space<vmem>>)
      tpu.yield
    }) : () -> ()
    %dma_wait3A = arith.constant 0 : i32
    %dma_wait3A_13 = tpu.memref_slice %arg7[%dma_wait3A] : memref<128xi32, #tpu.memory_space<vmem>> -> memref<32xi32, #tpu.memory_space<vmem>>
    %dma_wait3A_14 = arith.constant 0 : i32
    %dma_wait3A_15 = arith.constant 0 : i32
    %dma_wait3A_16 = tpu.memref_slice %arg4[%dma_wait3A_14, %dma_wait3A_15] : memref<8192x1024xf32, #tpu.memory_space<hbm>> -> memref<8192x1024xf32, #tpu.memory_space<hbm>>
    tpu.wait_indirect_dma semaphore(%arg12 : memref<!tpu.dma_semaphore, #tpu.memory_space<semaphore_mem>>) src(%dma_wait3A_16 : memref<8192x1024xf32, #tpu.memory_space<hbm>>) dst(%arg9 : memref<32x1024xf32, #tpu.memory_space<vmem>>)
    %dma_start3A_17 = arith.constant 32 : i32
    %dma_start3A_18 = tpu.memref_slice %arg7[%dma_start3A_17] : memref<128xi32, #tpu.memory_space<vmem>> -> memref<32xi32, #tpu.memory_space<vmem>>
    %dma_start3A_19 = arith.constant 0 : i32
    %dma_start3A_20 = arith.constant 0 : i32
    %dma_start3A_21 = tpu.memref_slice %arg4[%dma_start3A_19, %dma_start3A_20] : memref<8192x1024xf32, #tpu.memory_space<hbm>> -> memref<8192x1024xf32, #tpu.memory_space<hbm>>
    tpu.enqueue_indirect_dma source(%dma_start3A_21 : memref<8192x1024xf32, #tpu.memory_space<hbm>>) target(%arg10 : memref<32x1024xf32, #tpu.memory_space<vmem>>) offsets(%dma_start3A_18 : memref<32xi32, #tpu.memory_space<vmem>>) semaphore(%arg13 : memref<!tpu.dma_semaphore, #tpu.memory_space<semaphore_mem>>)
    %scan3A = arith.constant 0 : i32
    %scan3A_22 = arith.constant 0 : i32
    %scan3A_23 = arith.constant 16 : i32
    %scan3A_24 = arith.addi %scan3A_22, %scan3A_23 : i32
    %scan3A_25 = arith.constant 1 : i32
    %scan3A_26 = scf.for %scan3A_86 = %scan3A_22 to %scan3A_24 step %scan3A_25 iter_args(%scan3A_87 = %scan3A) -> (i32)  : i32 {
      %mul3A_88 = arith.constant 2 : i32
      %mul3A_89 = arith.muli %mul3A_88, %scan3A_86 : i32
      %add3A_90 = arith.constant 0 : i32
      %add3A_91 = arith.addi %add3A_90, %mul3A_89 : i32
      %broadcast_in_dim3A = arith.constant 0 : i32
      %broadcast_in_dim3A_92 = vector.broadcast %broadcast_in_dim3A : i32 to vector<16xi32>
      %add3A_93 = vector.broadcast %add3A_91 : i32 to vector<16xi32>
      %add3A_94 = arith.addi %broadcast_in_dim3A_92, %add3A_93 : vector<16xi32>
      %gather3A = tpu.vector_load_idx %arg8[%add3A_94] : memref<128xf32, #tpu.memory_space<vmem>>[vector<16xi32>], vector<16xf32>,
      %broadcast_in_dim3A_95 = arith.constant 0 : i32
      %broadcast_in_dim3A_96 = vector.broadcast %broadcast_in_dim3A_95 : i32 to vector<16xi32>
      %add3A_97 = arith.constant 1 : i32
      %add3A_98 = arith.addi %add3A_91, %add3A_97 : i32
      %add3A_99 = vector.broadcast %add3A_98 : i32 to vector<16xi32>
      %add3A_100 = arith.addi %broadcast_in_dim3A_96, %add3A_99 : vector<16xi32>
      %gather3A_101 = tpu.vector_load_idx %arg8[%add3A_100] : memref<128xf32, #tpu.memory_space<vmem>>[vector<16xi32>], vector<16xf32>,
      %scan3A_102 = arith.constant 0 : i32
      %scan3A_103 = arith.constant 0 : i32
      %scan3A_104 = arith.constant 64 : i32
      %scan3A_105 = arith.addi %scan3A_103, %scan3A_104 : i32
      %scan3A_106 = arith.constant 1 : i32
      %scan3A_107 = scf.for %scan3A_110 = %scan3A_103 to %scan3A_105 step %scan3A_106 iter_args(%scan3A_111 = %scan3A_102) -> (i32)  : i32 {
        %mul3A_112 = arith.constant 2 : i32
        %mul3A_113 = arith.muli %mul3A_112, %scan3A_86 : i32
        %mul3A_114 = arith.constant 16 : i32
        %mul3A_115 = arith.muli %scan3A_110, %mul3A_114 : i32
        %get3A = arith.index_cast %mul3A_113 : i32 to index
        %get3A_116 = arith.index_cast %mul3A_115 : i32 to index
        %get3A_117 = tpu.vector_load %arg9[%get3A, %get3A_116] {strides = array<i32>} : memref<32x1024xf32, #tpu.memory_space<vmem>>, vector<16xf32>,
        %mul3A_118 = arith.constant 2 : i32
        %mul3A_119 = arith.muli %mul3A_118, %scan3A_86 : i32
        %add3A_120 = arith.constant 1 : i32
        %add3A_121 = arith.addi %mul3A_119, %add3A_120 : i32
        %mul3A_122 = arith.constant 16 : i32
        %mul3A_123 = arith.muli %scan3A_110, %mul3A_122 : i32
        %get3A_124 = arith.index_cast %add3A_121 : i32 to index
        %get3A_125 = arith.index_cast %mul3A_123 : i32 to index
        %get3A_126 = tpu.vector_load %arg9[%get3A_124, %get3A_125] {strides = array<i32>} : memref<32x1024xf32, #tpu.memory_space<vmem>>, vector<16xf32>,
        %mul3A_127 = arith.constant 16 : i32
        %mul3A_128 = arith.muli %scan3A_110, %mul3A_127 : i32
        %get3A_129 = arith.index_cast %scan3A_86 : i32 to index
        %get3A_130 = arith.index_cast %mul3A_128 : i32 to index
        %get3A_131 = tpu.vector_load %arg11[%get3A_129, %get3A_130] {strides = array<i32>} : memref<16x1024xf32, #tpu.memory_space<vmem>>, vector<16xf32>,
        %mul3A_132 = arith.mulf %gather3A, %get3A_117 : vector<16xf32>
        %add3A_133 = arith.addf %get3A_131, %mul3A_132 : vector<16xf32>
        %mul3A_134 = arith.mulf %gather3A_101, %get3A_126 : vector<16xf32>
        %add3A_135 = arith.addf %add3A_133, %mul3A_134 : vector<16xf32>
        %mul3A_136 = arith.constant 16 : i32
        %mul3A_137 = arith.muli %scan3A_110, %mul3A_136 : i32
        %swap3A = arith.index_cast %scan3A_86 : i32 to index
        %swap3A_138 = arith.index_cast %mul3A_137 : i32 to index
        %swap3A_139 = tpu.vector_load %arg11[%swap3A, %swap3A_138] {strides = array<i32>} : memref<16x1024xf32, #tpu.memory_space<vmem>>, vector<16xf32>,
        tpu.vector_store %arg11[%swap3A, %swap3A_138], %add3A_135 {strides = array<i32>} : memref<16x1024xf32, #tpu.memory_space<vmem>>, vector<16xf32>,
        %scan3A_140 = arith.constant 0 : i32
        scf.yield %scan3A_140 : i32
      }
      %scan3A_108 = arith.constant 64 : i32
      %scan3A_109 = arith.constant 0 : i32
      scf.yield %scan3A_109 : i32
    }
    %scan3A_27 = arith.constant 16 : i32
    "tpu.region"() ({
      %run_scoped3A = tpu.sem_alloc : memref<!tpu.dma_semaphore, #tpu.memory_space<semaphore_mem>>
      %dma_start3A_86 = arith.constant 0 : i32
      %dma_start3A_87 = tpu.memref_slice %arg6[%add3A_12, %dma_start3A_86] : memref<2048x1024xf32, #tpu.memory_space<hbm>> -> memref<16x1024xf32, #tpu.memory_space<hbm>>
      %dma_start3A_88 = arith.constant 0 : i32
      %dma_start3A_89 = tpu.memref_slice %arg6[%add3A_12, %dma_start3A_88] : memref<2048x1024xf32, #tpu.memory_space<hbm>> -> memref<16x1024xf32, #tpu.memory_space<hbm>>
      tpu.enqueue_dma source(%arg11 : memref<16x1024xf32, #tpu.memory_space<vmem>>) target(%dma_start3A_89 : memref<16x1024xf32, #tpu.memory_space<hbm>>) target_semaphore(%run_scoped3A : memref<!tpu.dma_semaphore, #tpu.memory_space<semaphore_mem>>)
      %dma_wait3A_90 = arith.constant 0 : i32
      %dma_wait3A_91 = tpu.memref_slice %arg6[%add3A_12, %dma_wait3A_90] : memref<2048x1024xf32, #tpu.memory_space<hbm>> -> memref<16x1024xf32, #tpu.memory_space<hbm>>
      %dma_wait3A_92 = arith.constant 0 : i32
      %dma_wait3A_93 = tpu.memref_slice %arg6[%add3A_12, %dma_wait3A_92] : memref<2048x1024xf32, #tpu.memory_space<hbm>> -> memref<16x1024xf32, #tpu.memory_space<hbm>>
      tpu.wait_dma2 semaphore(%run_scoped3A : memref<!tpu.dma_semaphore, #tpu.memory_space<semaphore_mem>>) src(%arg11 : memref<16x1024xf32, #tpu.memory_space<vmem>>) dst(%dma_wait3A_93 : memref<16x1024xf32, #tpu.memory_space<hbm>>)
      tpu.yield
    }) : () -> ()
    %mul3A_28 = arith.constant 64 : i32
    %mul3A_29 = arith.muli %add3A, %mul3A_28 : i32
    %add3A_30 = arith.constant 16 : i32
    %add3A_31 = arith.addi %mul3A_29, %add3A_30 : i32
    "tpu.region"() ({
      %run_scoped3A = tpu.sem_alloc : memref<!tpu.dma_semaphore, #tpu.memory_space<semaphore_mem>>
      %dma_start3A_86 = arith.constant 0 : i32
      %dma_start3A_87 = tpu.memref_slice %arg5[%add3A_31, %dma_start3A_86] : memref<2048x1024xf32, #tpu.memory_space<hbm>> -> memref<16x1024xf32, #tpu.memory_space<hbm>>
      %dma_start3A_88 = arith.constant 0 : i32
      %dma_start3A_89 = tpu.memref_slice %arg5[%add3A_31, %dma_start3A_88] : memref<2048x1024xf32, #tpu.memory_space<hbm>> -> memref<16x1024xf32, #tpu.memory_space<hbm>>
      tpu.enqueue_dma source(%dma_start3A_89 : memref<16x1024xf32, #tpu.memory_space<hbm>>) target(%arg11 : memref<16x1024xf32, #tpu.memory_space<vmem>>) target_semaphore(%run_scoped3A : memref<!tpu.dma_semaphore, #tpu.memory_space<semaphore_mem>>)
      %dma_wait3A_90 = arith.constant 0 : i32
      %dma_wait3A_91 = tpu.memref_slice %arg5[%add3A_31, %dma_wait3A_90] : memref<2048x1024xf32, #tpu.memory_space<hbm>> -> memref<16x1024xf32, #tpu.memory_space<hbm>>
      %dma_wait3A_92 = arith.constant 0 : i32
      %dma_wait3A_93 = tpu.memref_slice %arg5[%add3A_31, %dma_wait3A_92] : memref<2048x1024xf32, #tpu.memory_space<hbm>> -> memref<16x1024xf32, #tpu.memory_space<hbm>>
      tpu.wait_dma2 semaphore(%run_scoped3A : memref<!tpu.dma_semaphore, #tpu.memory_space<semaphore_mem>>) src(%dma_wait3A_93 : memref<16x1024xf32, #tpu.memory_space<hbm>>) dst(%arg11 : memref<16x1024xf32, #tpu.memory_space<vmem>>)
      tpu.yield
    }) : () -> ()
    %dma_wait3A_32 = arith.constant 32 : i32
    %dma_wait3A_33 = tpu.memref_slice %arg7[%dma_wait3A_32] : memref<128xi32, #tpu.memory_space<vmem>> -> memref<32xi32, #tpu.memory_space<vmem>>
    %dma_wait3A_34 = arith.constant 0 : i32
    %dma_wait3A_35 = arith.constant 0 : i32
    %dma_wait3A_36 = tpu.memref_slice %arg4[%dma_wait3A_34, %dma_wait3A_35] : memref<8192x1024xf32, #tpu.memory_space<hbm>> -> memref<8192x1024xf32, #tpu.memory_space<hbm>>
    tpu.wait_indirect_dma semaphore(%arg13 : memref<!tpu.dma_semaphore, #tpu.memory_space<semaphore_mem>>) src(%dma_wait3A_36 : memref<8192x1024xf32, #tpu.memory_space<hbm>>) dst(%arg10 : memref<32x1024xf32, #tpu.memory_space<vmem>>)
    %dma_start3A_37 = arith.constant 64 : i32
    %dma_start3A_38 = tpu.memref_slice %arg7[%dma_start3A_37] : memref<128xi32, #tpu.memory_space<vmem>> -> memref<32xi32, #tpu.memory_space<vmem>>
    %dma_start3A_39 = arith.constant 0 : i32
    %dma_start3A_40 = arith.constant 0 : i32
    %dma_start3A_41 = tpu.memref_slice %arg4[%dma_start3A_39, %dma_start3A_40] : memref<8192x1024xf32, #tpu.memory_space<hbm>> -> memref<8192x1024xf32, #tpu.memory_space<hbm>>
    tpu.enqueue_indirect_dma source(%dma_start3A_41 : memref<8192x1024xf32, #tpu.memory_space<hbm>>) target(%arg9 : memref<32x1024xf32, #tpu.memory_space<vmem>>) offsets(%dma_start3A_38 : memref<32xi32, #tpu.memory_space<vmem>>) semaphore(%arg12 : memref<!tpu.dma_semaphore, #tpu.memory_space<semaphore_mem>>)
    %scan3A_42 = arith.constant 0 : i32
    %scan3A_43 = arith.constant 0 : i32
    %scan3A_44 = arith.constant 16 : i32
    %scan3A_45 = arith.addi %scan3A_43, %scan3A_44 : i32
    %scan3A_46 = arith.constant 1 : i32
    %scan3A_47 = scf.for %scan3A_86 = %scan3A_43 to %scan3A_45 step %scan3A_46 iter_args(%scan3A_87 = %scan3A_42) -> (i32)  : i32 {
      %mul3A_88 = arith.constant 2 : i32
      %mul3A_89 = arith.muli %mul3A_88, %scan3A_86 : i32
      %add3A_90 = arith.constant 32 : i32
      %add3A_91 = arith.addi %add3A_90, %mul3A_89 : i32
      %broadcast_in_dim3A = arith.constant 0 : i32
      %broadcast_in_dim3A_92 = vector.broadcast %broadcast_in_dim3A : i32 to vector<16xi32>
      %add3A_93 = vector.broadcast %add3A_91 : i32 to vector<16xi32>
      %add3A_94 = arith.addi %broadcast_in_dim3A_92, %add3A_93 : vector<16xi32>
      %gather3A = tpu.vector_load_idx %arg8[%add3A_94] : memref<128xf32, #tpu.memory_space<vmem>>[vector<16xi32>], vector<16xf32>,
      %broadcast_in_dim3A_95 = arith.constant 0 : i32
      %broadcast_in_dim3A_96 = vector.broadcast %broadcast_in_dim3A_95 : i32 to vector<16xi32>
      %add3A_97 = arith.constant 1 : i32
      %add3A_98 = arith.addi %add3A_91, %add3A_97 : i32
      %add3A_99 = vector.broadcast %add3A_98 : i32 to vector<16xi32>
      %add3A_100 = arith.addi %broadcast_in_dim3A_96, %add3A_99 : vector<16xi32>
      %gather3A_101 = tpu.vector_load_idx %arg8[%add3A_100] : memref<128xf32, #tpu.memory_space<vmem>>[vector<16xi32>], vector<16xf32>,
      %scan3A_102 = arith.constant 0 : i32
      %scan3A_103 = arith.constant 0 : i32
      %scan3A_104 = arith.constant 64 : i32
      %scan3A_105 = arith.addi %scan3A_103, %scan3A_104 : i32
      %scan3A_106 = arith.constant 1 : i32
      %scan3A_107 = scf.for %scan3A_110 = %scan3A_103 to %scan3A_105 step %scan3A_106 iter_args(%scan3A_111 = %scan3A_102) -> (i32)  : i32 {
        %mul3A_112 = arith.constant 2 : i32
        %mul3A_113 = arith.muli %mul3A_112, %scan3A_86 : i32
        %mul3A_114 = arith.constant 16 : i32
        %mul3A_115 = arith.muli %scan3A_110, %mul3A_114 : i32
        %get3A = arith.index_cast %mul3A_113 : i32 to index
        %get3A_116 = arith.index_cast %mul3A_115 : i32 to index
        %get3A_117 = tpu.vector_load %arg10[%get3A, %get3A_116] {strides = array<i32>} : memref<32x1024xf32, #tpu.memory_space<vmem>>, vector<16xf32>,
        %mul3A_118 = arith.constant 2 : i32
        %mul3A_119 = arith.muli %mul3A_118, %scan3A_86 : i32
        %add3A_120 = arith.constant 1 : i32
        %add3A_121 = arith.addi %mul3A_119, %add3A_120 : i32
        %mul3A_122 = arith.constant 16 : i32
        %mul3A_123 = arith.muli %scan3A_110, %mul3A_122 : i32
        %get3A_124 = arith.index_cast %add3A_121 : i32 to index
        %get3A_125 = arith.index_cast %mul3A_123 : i32 to index
        %get3A_126 = tpu.vector_load %arg10[%get3A_124, %get3A_125] {strides = array<i32>} : memref<32x1024xf32, #tpu.memory_space<vmem>>, vector<16xf32>,
        %mul3A_127 = arith.constant 16 : i32
        %mul3A_128 = arith.muli %scan3A_110, %mul3A_127 : i32
        %get3A_129 = arith.index_cast %scan3A_86 : i32 to index
        %get3A_130 = arith.index_cast %mul3A_128 : i32 to index
        %get3A_131 = tpu.vector_load %arg11[%get3A_129, %get3A_130] {strides = array<i32>} : memref<16x1024xf32, #tpu.memory_space<vmem>>, vector<16xf32>,
        %mul3A_132 = arith.mulf %gather3A, %get3A_117 : vector<16xf32>
        %add3A_133 = arith.addf %get3A_131, %mul3A_132 : vector<16xf32>
        %mul3A_134 = arith.mulf %gather3A_101, %get3A_126 : vector<16xf32>
        %add3A_135 = arith.addf %add3A_133, %mul3A_134 : vector<16xf32>
        %mul3A_136 = arith.constant 16 : i32
        %mul3A_137 = arith.muli %scan3A_110, %mul3A_136 : i32
        %swap3A = arith.index_cast %scan3A_86 : i32 to index
        %swap3A_138 = arith.index_cast %mul3A_137 : i32 to index
        %swap3A_139 = tpu.vector_load %arg11[%swap3A, %swap3A_138] {strides = array<i32>} : memref<16x1024xf32, #tpu.memory_space<vmem>>, vector<16xf32>,
        tpu.vector_store %arg11[%swap3A, %swap3A_138], %add3A_135 {strides = array<i32>} : memref<16x1024xf32, #tpu.memory_space<vmem>>, vector<16xf32>,
        %scan3A_140 = arith.constant 0 : i32
        scf.yield %scan3A_140 : i32
      }
      %scan3A_108 = arith.constant 64 : i32
      %scan3A_109 = arith.constant 0 : i32
      scf.yield %scan3A_109 : i32
    }
    %scan3A_48 = arith.constant 16 : i32
    "tpu.region"() ({
      %run_scoped3A = tpu.sem_alloc : memref<!tpu.dma_semaphore, #tpu.memory_space<semaphore_mem>>
      %dma_start3A_86 = arith.constant 0 : i32
      %dma_start3A_87 = tpu.memref_slice %arg6[%add3A_31, %dma_start3A_86] : memref<2048x1024xf32, #tpu.memory_space<hbm>> -> memref<16x1024xf32, #tpu.memory_space<hbm>>
      %dma_start3A_88 = arith.constant 0 : i32
      %dma_start3A_89 = tpu.memref_slice %arg6[%add3A_31, %dma_start3A_88] : memref<2048x1024xf32, #tpu.memory_space<hbm>> -> memref<16x1024xf32, #tpu.memory_space<hbm>>
      tpu.enqueue_dma source(%arg11 : memref<16x1024xf32, #tpu.memory_space<vmem>>) target(%dma_start3A_89 : memref<16x1024xf32, #tpu.memory_space<hbm>>) target_semaphore(%run_scoped3A : memref<!tpu.dma_semaphore, #tpu.memory_space<semaphore_mem>>)
      %dma_wait3A_90 = arith.constant 0 : i32
      %dma_wait3A_91 = tpu.memref_slice %arg6[%add3A_31, %dma_wait3A_90] : memref<2048x1024xf32, #tpu.memory_space<hbm>> -> memref<16x1024xf32, #tpu.memory_space<hbm>>
      %dma_wait3A_92 = arith.constant 0 : i32
      %dma_wait3A_93 = tpu.memref_slice %arg6[%add3A_31, %dma_wait3A_92] : memref<2048x1024xf32, #tpu.memory_space<hbm>> -> memref<16x1024xf32, #tpu.memory_space<hbm>>
      tpu.wait_dma2 semaphore(%run_scoped3A : memref<!tpu.dma_semaphore, #tpu.memory_space<semaphore_mem>>) src(%arg11 : memref<16x1024xf32, #tpu.memory_space<vmem>>) dst(%dma_wait3A_93 : memref<16x1024xf32, #tpu.memory_space<hbm>>)
      tpu.yield
    }) : () -> ()
    %mul3A_49 = arith.constant 64 : i32
    %mul3A_50 = arith.muli %add3A, %mul3A_49 : i32
    %add3A_51 = arith.constant 32 : i32
    %add3A_52 = arith.addi %mul3A_50, %add3A_51 : i32
    "tpu.region"() ({
      %run_scoped3A = tpu.sem_alloc : memref<!tpu.dma_semaphore, #tpu.memory_space<semaphore_mem>>
      %dma_start3A_86 = arith.constant 0 : i32
      %dma_start3A_87 = tpu.memref_slice %arg5[%add3A_52, %dma_start3A_86] : memref<2048x1024xf32, #tpu.memory_space<hbm>> -> memref<16x1024xf32, #tpu.memory_space<hbm>>
      %dma_start3A_88 = arith.constant 0 : i32
      %dma_start3A_89 = tpu.memref_slice %arg5[%add3A_52, %dma_start3A_88] : memref<2048x1024xf32, #tpu.memory_space<hbm>> -> memref<16x1024xf32, #tpu.memory_space<hbm>>
      tpu.enqueue_dma source(%dma_start3A_89 : memref<16x1024xf32, #tpu.memory_space<hbm>>) target(%arg11 : memref<16x1024xf32, #tpu.memory_space<vmem>>) target_semaphore(%run_scoped3A : memref<!tpu.dma_semaphore, #tpu.memory_space<semaphore_mem>>)
      %dma_wait3A_90 = arith.constant 0 : i32
      %dma_wait3A_91 = tpu.memref_slice %arg5[%add3A_52, %dma_wait3A_90] : memref<2048x1024xf32, #tpu.memory_space<hbm>> -> memref<16x1024xf32, #tpu.memory_space<hbm>>
      %dma_wait3A_92 = arith.constant 0 : i32
      %dma_wait3A_93 = tpu.memref_slice %arg5[%add3A_52, %dma_wait3A_92] : memref<2048x1024xf32, #tpu.memory_space<hbm>> -> memref<16x1024xf32, #tpu.memory_space<hbm>>
      tpu.wait_dma2 semaphore(%run_scoped3A : memref<!tpu.dma_semaphore, #tpu.memory_space<semaphore_mem>>) src(%dma_wait3A_93 : memref<16x1024xf32, #tpu.memory_space<hbm>>) dst(%arg11 : memref<16x1024xf32, #tpu.memory_space<vmem>>)
      tpu.yield
    }) : () -> ()
    %dma_wait3A_53 = arith.constant 64 : i32
    %dma_wait3A_54 = tpu.memref_slice %arg7[%dma_wait3A_53] : memref<128xi32, #tpu.memory_space<vmem>> -> memref<32xi32, #tpu.memory_space<vmem>>
    %dma_wait3A_55 = arith.constant 0 : i32
    %dma_wait3A_56 = arith.constant 0 : i32
    %dma_wait3A_57 = tpu.memref_slice %arg4[%dma_wait3A_55, %dma_wait3A_56] : memref<8192x1024xf32, #tpu.memory_space<hbm>> -> memref<8192x1024xf32, #tpu.memory_space<hbm>>
    tpu.wait_indirect_dma semaphore(%arg12 : memref<!tpu.dma_semaphore, #tpu.memory_space<semaphore_mem>>) src(%dma_wait3A_57 : memref<8192x1024xf32, #tpu.memory_space<hbm>>) dst(%arg9 : memref<32x1024xf32, #tpu.memory_space<vmem>>)
    %dma_start3A_58 = arith.constant 96 : i32
    %dma_start3A_59 = tpu.memref_slice %arg7[%dma_start3A_58] : memref<128xi32, #tpu.memory_space<vmem>> -> memref<32xi32, #tpu.memory_space<vmem>>
    %dma_start3A_60 = arith.constant 0 : i32
    %dma_start3A_61 = arith.constant 0 : i32
    %dma_start3A_62 = tpu.memref_slice %arg4[%dma_start3A_60, %dma_start3A_61] : memref<8192x1024xf32, #tpu.memory_space<hbm>> -> memref<8192x1024xf32, #tpu.memory_space<hbm>>
    tpu.enqueue_indirect_dma source(%dma_start3A_62 : memref<8192x1024xf32, #tpu.memory_space<hbm>>) target(%arg10 : memref<32x1024xf32, #tpu.memory_space<vmem>>) offsets(%dma_start3A_59 : memref<32xi32, #tpu.memory_space<vmem>>) semaphore(%arg13 : memref<!tpu.dma_semaphore, #tpu.memory_space<semaphore_mem>>)
    %scan3A_63 = arith.constant 0 : i32
    %scan3A_64 = arith.constant 0 : i32
    %scan3A_65 = arith.constant 16 : i32
    %scan3A_66 = arith.addi %scan3A_64, %scan3A_65 : i32
    %scan3A_67 = arith.constant 1 : i32
    %scan3A_68 = scf.for %scan3A_86 = %scan3A_64 to %scan3A_66 step %scan3A_67 iter_args(%scan3A_87 = %scan3A_63) -> (i32)  : i32 {
      %mul3A_88 = arith.constant 2 : i32
      %mul3A_89 = arith.muli %mul3A_88, %scan3A_86 : i32
      %add3A_90 = arith.constant 64 : i32
      %add3A_91 = arith.addi %add3A_90, %mul3A_89 : i32
      %broadcast_in_dim3A = arith.constant 0 : i32
      %broadcast_in_dim3A_92 = vector.broadcast %broadcast_in_dim3A : i32 to vector<16xi32>
      %add3A_93 = vector.broadcast %add3A_91 : i32 to vector<16xi32>
      %add3A_94 = arith.addi %broadcast_in_dim3A_92, %add3A_93 : vector<16xi32>
      %gather3A = tpu.vector_load_idx %arg8[%add3A_94] : memref<128xf32, #tpu.memory_space<vmem>>[vector<16xi32>], vector<16xf32>,
      %broadcast_in_dim3A_95 = arith.constant 0 : i32
      %broadcast_in_dim3A_96 = vector.broadcast %broadcast_in_dim3A_95 : i32 to vector<16xi32>
      %add3A_97 = arith.constant 1 : i32
      %add3A_98 = arith.addi %add3A_91, %add3A_97 : i32
      %add3A_99 = vector.broadcast %add3A_98 : i32 to vector<16xi32>
      %add3A_100 = arith.addi %broadcast_in_dim3A_96, %add3A_99 : vector<16xi32>
      %gather3A_101 = tpu.vector_load_idx %arg8[%add3A_100] : memref<128xf32, #tpu.memory_space<vmem>>[vector<16xi32>], vector<16xf32>,
      %scan3A_102 = arith.constant 0 : i32
      %scan3A_103 = arith.constant 0 : i32
      %scan3A_104 = arith.constant 64 : i32
      %scan3A_105 = arith.addi %scan3A_103, %scan3A_104 : i32
      %scan3A_106 = arith.constant 1 : i32
      %scan3A_107 = scf.for %scan3A_110 = %scan3A_103 to %scan3A_105 step %scan3A_106 iter_args(%scan3A_111 = %scan3A_102) -> (i32)  : i32 {
        %mul3A_112 = arith.constant 2 : i32
        %mul3A_113 = arith.muli %mul3A_112, %scan3A_86 : i32
        %mul3A_114 = arith.constant 16 : i32
        %mul3A_115 = arith.muli %scan3A_110, %mul3A_114 : i32
        %get3A = arith.index_cast %mul3A_113 : i32 to index
        %get3A_116 = arith.index_cast %mul3A_115 : i32 to index
        %get3A_117 = tpu.vector_load %arg9[%get3A, %get3A_116] {strides = array<i32>} : memref<32x1024xf32, #tpu.memory_space<vmem>>, vector<16xf32>,
        %mul3A_118 = arith.constant 2 : i32
        %mul3A_119 = arith.muli %mul3A_118, %scan3A_86 : i32
        %add3A_120 = arith.constant 1 : i32
        %add3A_121 = arith.addi %mul3A_119, %add3A_120 : i32
        %mul3A_122 = arith.constant 16 : i32
        %mul3A_123 = arith.muli %scan3A_110, %mul3A_122 : i32
        %get3A_124 = arith.index_cast %add3A_121 : i32 to index
        %get3A_125 = arith.index_cast %mul3A_123 : i32 to index
        %get3A_126 = tpu.vector_load %arg9[%get3A_124, %get3A_125] {strides = array<i32>} : memref<32x1024xf32, #tpu.memory_space<vmem>>, vector<16xf32>,
        %mul3A_127 = arith.constant 16 : i32
        %mul3A_128 = arith.muli %scan3A_110, %mul3A_127 : i32
        %get3A_129 = arith.index_cast %scan3A_86 : i32 to index
        %get3A_130 = arith.index_cast %mul3A_128 : i32 to index
        %get3A_131 = tpu.vector_load %arg11[%get3A_129, %get3A_130] {strides = array<i32>} : memref<16x1024xf32, #tpu.memory_space<vmem>>, vector<16xf32>,
        %mul3A_132 = arith.mulf %gather3A, %get3A_117 : vector<16xf32>
        %add3A_133 = arith.addf %get3A_131, %mul3A_132 : vector<16xf32>
        %mul3A_134 = arith.mulf %gather3A_101, %get3A_126 : vector<16xf32>
        %add3A_135 = arith.addf %add3A_133, %mul3A_134 : vector<16xf32>
        %mul3A_136 = arith.constant 16 : i32
        %mul3A_137 = arith.muli %scan3A_110, %mul3A_136 : i32
        %swap3A = arith.index_cast %scan3A_86 : i32 to index
        %swap3A_138 = arith.index_cast %mul3A_137 : i32 to index
        %swap3A_139 = tpu.vector_load %arg11[%swap3A, %swap3A_138] {strides = array<i32>} : memref<16x1024xf32, #tpu.memory_space<vmem>>, vector<16xf32>,
        tpu.vector_store %arg11[%swap3A, %swap3A_138], %add3A_135 {strides = array<i32>} : memref<16x1024xf32, #tpu.memory_space<vmem>>, vector<16xf32>,
        %scan3A_140 = arith.constant 0 : i32
        scf.yield %scan3A_140 : i32
      }
      %scan3A_108 = arith.constant 64 : i32
      %scan3A_109 = arith.constant 0 : i32
      scf.yield %scan3A_109 : i32
    }
    %scan3A_69 = arith.constant 16 : i32
    "tpu.region"() ({
      %run_scoped3A = tpu.sem_alloc : memref<!tpu.dma_semaphore, #tpu.memory_space<semaphore_mem>>
      %dma_start3A_86 = arith.constant 0 : i32
      %dma_start3A_87 = tpu.memref_slice %arg6[%add3A_52, %dma_start3A_86] : memref<2048x1024xf32, #tpu.memory_space<hbm>> -> memref<16x1024xf32, #tpu.memory_space<hbm>>
      %dma_start3A_88 = arith.constant 0 : i32
      %dma_start3A_89 = tpu.memref_slice %arg6[%add3A_52, %dma_start3A_88] : memref<2048x1024xf32, #tpu.memory_space<hbm>> -> memref<16x1024xf32, #tpu.memory_space<hbm>>
      tpu.enqueue_dma source(%arg11 : memref<16x1024xf32, #tpu.memory_space<vmem>>) target(%dma_start3A_89 : memref<16x1024xf32, #tpu.memory_space<hbm>>) target_semaphore(%run_scoped3A : memref<!tpu.dma_semaphore, #tpu.memory_space<semaphore_mem>>)
      %dma_wait3A_90 = arith.constant 0 : i32
      %dma_wait3A_91 = tpu.memref_slice %arg6[%add3A_52, %dma_wait3A_90] : memref<2048x1024xf32, #tpu.memory_space<hbm>> -> memref<16x1024xf32, #tpu.memory_space<hbm>>
      %dma_wait3A_92 = arith.constant 0 : i32
      %dma_wait3A_93 = tpu.memref_slice %arg6[%add3A_52, %dma_wait3A_92] : memref<2048x1024xf32, #tpu.memory_space<hbm>> -> memref<16x1024xf32, #tpu.memory_space<hbm>>
      tpu.wait_dma2 semaphore(%run_scoped3A : memref<!tpu.dma_semaphore, #tpu.memory_space<semaphore_mem>>) src(%arg11 : memref<16x1024xf32, #tpu.memory_space<vmem>>) dst(%dma_wait3A_93 : memref<16x1024xf32, #tpu.memory_space<hbm>>)
      tpu.yield
    }) : () -> ()
    %mul3A_70 = arith.constant 64 : i32
    %mul3A_71 = arith.muli %add3A, %mul3A_70 : i32
    %add3A_72 = arith.constant 48 : i32
    %add3A_73 = arith.addi %mul3A_71, %add3A_72 : i32
    "tpu.region"() ({
      %run_scoped3A = tpu.sem_alloc : memref<!tpu.dma_semaphore, #tpu.memory_space<semaphore_mem>>
      %dma_start3A_86 = arith.constant 0 : i32
      %dma_start3A_87 = tpu.memref_slice %arg5[%add3A_73, %dma_start3A_86] : memref<2048x1024xf32, #tpu.memory_space<hbm>> -> memref<16x1024xf32, #tpu.memory_space<hbm>>
      %dma_start3A_88 = arith.constant 0 : i32
      %dma_start3A_89 = tpu.memref_slice %arg5[%add3A_73, %dma_start3A_88] : memref<2048x1024xf32, #tpu.memory_space<hbm>> -> memref<16x1024xf32, #tpu.memory_space<hbm>>
      tpu.enqueue_dma source(%dma_start3A_89 : memref<16x1024xf32, #tpu.memory_space<hbm>>) target(%arg11 : memref<16x1024xf32, #tpu.memory_space<vmem>>) target_semaphore(%run_scoped3A : memref<!tpu.dma_semaphore, #tpu.memory_space<semaphore_mem>>)
      %dma_wait3A_90 = arith.constant 0 : i32
      %dma_wait3A_91 = tpu.memref_slice %arg5[%add3A_73, %dma_wait3A_90] : memref<2048x1024xf32, #tpu.memory_space<hbm>> -> memref<16x1024xf32, #tpu.memory_space<hbm>>
      %dma_wait3A_92 = arith.constant 0 : i32
      %dma_wait3A_93 = tpu.memref_slice %arg5[%add3A_73, %dma_wait3A_92] : memref<2048x1024xf32, #tpu.memory_space<hbm>> -> memref<16x1024xf32, #tpu.memory_space<hbm>>
      tpu.wait_dma2 semaphore(%run_scoped3A : memref<!tpu.dma_semaphore, #tpu.memory_space<semaphore_mem>>) src(%dma_wait3A_93 : memref<16x1024xf32, #tpu.memory_space<hbm>>) dst(%arg11 : memref<16x1024xf32, #tpu.memory_space<vmem>>)
      tpu.yield
    }) : () -> ()
    %dma_wait3A_74 = arith.constant 96 : i32
    %dma_wait3A_75 = tpu.memref_slice %arg7[%dma_wait3A_74] : memref<128xi32, #tpu.memory_space<vmem>> -> memref<32xi32, #tpu.memory_space<vmem>>
    %dma_wait3A_76 = arith.constant 0 : i32
    %dma_wait3A_77 = arith.constant 0 : i32
    %dma_wait3A_78 = tpu.memref_slice %arg4[%dma_wait3A_76, %dma_wait3A_77] : memref<8192x1024xf32, #tpu.memory_space<hbm>> -> memref<8192x1024xf32, #tpu.memory_space<hbm>>
    tpu.wait_indirect_dma semaphore(%arg13 : memref<!tpu.dma_semaphore, #tpu.memory_space<semaphore_mem>>) src(%dma_wait3A_78 : memref<8192x1024xf32, #tpu.memory_space<hbm>>) dst(%arg10 : memref<32x1024xf32, #tpu.memory_space<vmem>>)
    %scan3A_79 = arith.constant 0 : i32
    %scan3A_80 = arith.constant 0 : i32
    %scan3A_81 = arith.constant 16 : i32
    %scan3A_82 = arith.addi %scan3A_80, %scan3A_81 : i32
    %scan3A_83 = arith.constant 1 : i32
    %scan3A_84 = scf.for %scan3A_86 = %scan3A_80 to %scan3A_82 step %scan3A_83 iter_args(%scan3A_87 = %scan3A_79) -> (i32)  : i32 {
      %mul3A_88 = arith.constant 2 : i32
      %mul3A_89 = arith.muli %mul3A_88, %scan3A_86 : i32
      %add3A_90 = arith.constant 96 : i32
      %add3A_91 = arith.addi %add3A_90, %mul3A_89 : i32
      %broadcast_in_dim3A = arith.constant 0 : i32
      %broadcast_in_dim3A_92 = vector.broadcast %broadcast_in_dim3A : i32 to vector<16xi32>
      %add3A_93 = vector.broadcast %add3A_91 : i32 to vector<16xi32>
      %add3A_94 = arith.addi %broadcast_in_dim3A_92, %add3A_93 : vector<16xi32>
      %gather3A = tpu.vector_load_idx %arg8[%add3A_94] : memref<128xf32, #tpu.memory_space<vmem>>[vector<16xi32>], vector<16xf32>,
      %broadcast_in_dim3A_95 = arith.constant 0 : i32
      %broadcast_in_dim3A_96 = vector.broadcast %broadcast_in_dim3A_95 : i32 to vector<16xi32>
      %add3A_97 = arith.constant 1 : i32
      %add3A_98 = arith.addi %add3A_91, %add3A_97 : i32
      %add3A_99 = vector.broadcast %add3A_98 : i32 to vector<16xi32>
      %add3A_100 = arith.addi %broadcast_in_dim3A_96, %add3A_99 : vector<16xi32>
      %gather3A_101 = tpu.vector_load_idx %arg8[%add3A_100] : memref<128xf32, #tpu.memory_space<vmem>>[vector<16xi32>], vector<16xf32>,
      %scan3A_102 = arith.constant 0 : i32
      %scan3A_103 = arith.constant 0 : i32
      %scan3A_104 = arith.constant 64 : i32
      %scan3A_105 = arith.addi %scan3A_103, %scan3A_104 : i32
      %scan3A_106 = arith.constant 1 : i32
      %scan3A_107 = scf.for %scan3A_110 = %scan3A_103 to %scan3A_105 step %scan3A_106 iter_args(%scan3A_111 = %scan3A_102) -> (i32)  : i32 {
        %mul3A_112 = arith.constant 2 : i32
        %mul3A_113 = arith.muli %mul3A_112, %scan3A_86 : i32
        %mul3A_114 = arith.constant 16 : i32
        %mul3A_115 = arith.muli %scan3A_110, %mul3A_114 : i32
        %get3A = arith.index_cast %mul3A_113 : i32 to index
        %get3A_116 = arith.index_cast %mul3A_115 : i32 to index
        %get3A_117 = tpu.vector_load %arg10[%get3A, %get3A_116] {strides = array<i32>} : memref<32x1024xf32, #tpu.memory_space<vmem>>, vector<16xf32>,
        %mul3A_118 = arith.constant 2 : i32
        %mul3A_119 = arith.muli %mul3A_118, %scan3A_86 : i32
        %add3A_120 = arith.constant 1 : i32
        %add3A_121 = arith.addi %mul3A_119, %add3A_120 : i32
        %mul3A_122 = arith.constant 16 : i32
        %mul3A_123 = arith.muli %scan3A_110, %mul3A_122 : i32
        %get3A_124 = arith.index_cast %add3A_121 : i32 to index
        %get3A_125 = arith.index_cast %mul3A_123 : i32 to index
        %get3A_126 = tpu.vector_load %arg10[%get3A_124, %get3A_125] {strides = array<i32>} : memref<32x1024xf32, #tpu.memory_space<vmem>>, vector<16xf32>,
        %mul3A_127 = arith.constant 16 : i32
        %mul3A_128 = arith.muli %scan3A_110, %mul3A_127 : i32
        %get3A_129 = arith.index_cast %scan3A_86 : i32 to index
        %get3A_130 = arith.index_cast %mul3A_128 : i32 to index
        %get3A_131 = tpu.vector_load %arg11[%get3A_129, %get3A_130] {strides = array<i32>} : memref<16x1024xf32, #tpu.memory_space<vmem>>, vector<16xf32>,
        %mul3A_132 = arith.mulf %gather3A, %get3A_117 : vector<16xf32>
        %add3A_133 = arith.addf %get3A_131, %mul3A_132 : vector<16xf32>
        %mul3A_134 = arith.mulf %gather3A_101, %get3A_126 : vector<16xf32>
        %add3A_135 = arith.addf %add3A_133, %mul3A_134 : vector<16xf32>
        %mul3A_136 = arith.constant 16 : i32
        %mul3A_137 = arith.muli %scan3A_110, %mul3A_136 : i32
        %swap3A = arith.index_cast %scan3A_86 : i32 to index
        %swap3A_138 = arith.index_cast %mul3A_137 : i32 to index
        %swap3A_139 = tpu.vector_load %arg11[%swap3A, %swap3A_138] {strides = array<i32>} : memref<16x1024xf32, #tpu.memory_space<vmem>>, vector<16xf32>,
        tpu.vector_store %arg11[%swap3A, %swap3A_138], %add3A_135 {strides = array<i32>} : memref<16x1024xf32, #tpu.memory_space<vmem>>, vector<16xf32>,
        %scan3A_140 = arith.constant 0 : i32
        scf.yield %scan3A_140 : i32
      }
      %scan3A_108 = arith.constant 64 : i32
      %scan3A_109 = arith.constant 0 : i32
      scf.yield %scan3A_109 : i32
    }
    %scan3A_85 = arith.constant 16 : i32
    "tpu.region"() ({
      %run_scoped3A = tpu.sem_alloc : memref<!tpu.dma_semaphore, #tpu.memory_space<semaphore_mem>>
      %dma_start3A_86 = arith.constant 0 : i32
      %dma_start3A_87 = tpu.memref_slice %arg6[%add3A_73, %dma_start3A_86] : memref<2048x1024xf32, #tpu.memory_space<hbm>> -> memref<16x1024xf32, #tpu.memory_space<hbm>>
      %dma_start3A_88 = arith.constant 0 : i32
      %dma_start3A_89 = tpu.memref_slice %arg6[%add3A_73, %dma_start3A_88] : memref<2048x1024xf32, #tpu.memory_space<hbm>> -> memref<16x1024xf32, #tpu.memory_space<hbm>>
      tpu.enqueue_dma source(%arg11 : memref<16x1024xf32, #tpu.memory_space<vmem>>) target(%dma_start3A_89 : memref<16x1024xf32, #tpu.memory_space<hbm>>) target_semaphore(%run_scoped3A : memref<!tpu.dma_semaphore, #tpu.memory_space<semaphore_mem>>)
      %dma_wait3A_90 = arith.constant 0 : i32
      %dma_wait3A_91 = tpu.memref_slice %arg6[%add3A_73, %dma_wait3A_90] : memref<2048x1024xf32, #tpu.memory_space<hbm>> -> memref<16x1024xf32, #tpu.memory_space<hbm>>
      %dma_wait3A_92 = arith.constant 0 : i32
      %dma_wait3A_93 = tpu.memref_slice %arg6[%add3A_73, %dma_wait3A_92] : memref<2048x1024xf32, #tpu.memory_space<hbm>> -> memref<16x1024xf32, #tpu.memory_space<hbm>>
      tpu.wait_dma2 semaphore(%run_scoped3A : memref<!tpu.dma_semaphore, #tpu.memory_space<semaphore_mem>>) src(%arg11 : memref<16x1024xf32, #tpu.memory_space<vmem>>) dst(%dma_wait3A_93 : memref<16x1024xf32, #tpu.memory_space<hbm>>)
      tpu.yield
    }) : () -> ()
    return
  }
}

#map = affine_map<(d0, d1) -> (0)>
#map1 = affine_map<(d0, d1) -> (0, 0)>
module attributes {stable_mosaic.version = 14 : i64} {
  func.func @_dispatch_body(%arg0: i32, %arg1: i32, %arg2: memref<2048xi32, #tpu.memory_space<hbm>>, %arg3: memref<2048xi32, #tpu.memory_space<hbm>>, %arg4: memref<2048x1024xf32, #tpu.memory_space<hbm>>, %arg5: memref<8320x1024xf32, #tpu.memory_space<hbm>>, %arg6: memref<64xi32, #tpu.memory_space<vmem>>, %arg7: memref<64xi32, #tpu.memory_space<vmem>>, %arg8: memref<64x1024xf32, #tpu.memory_space<vmem>>, %arg9: memref<!tpu.dma_semaphore, #tpu.memory_space<semaphore_mem>>, %arg10: memref<!tpu.dma_semaphore, #tpu.memory_space<semaphore_mem>>) attributes {dimension_semantics = [#tpu.dimension_semantics<core_parallel>, #tpu.dimension_semantics<subcore_parallel>], iteration_bounds = array<i64: 2, 16>, scalar_prefetch = 0 : i64, scratch_operands = 5 : i64, tpu.core_type = #tpu.core_type<sc_vector_subcore>, window_params = [{transform_indices = #map}, {transform_indices = #map}, {transform_indices = #map1}, {transform_indices = #map1}]} {
    %mul3A = arith.constant 2 : i32
    %mul3A_0 = arith.muli %arg1, %mul3A : i32
    %add3A = arith.addi %mul3A_0, %arg0 : i32
    %mul3A_1 = arith.constant 64 : i32
    %mul3A_2 = arith.muli %add3A, %mul3A_1 : i32
    "tpu.region"() ({
      %run_scoped3A = tpu.sem_alloc : memref<!tpu.dma_semaphore, #tpu.memory_space<semaphore_mem>>
      %dma_start3A_17 = tpu.memref_slice %arg2[%mul3A_2] : memref<2048xi32, #tpu.memory_space<hbm>> -> memref<64xi32, #tpu.memory_space<hbm>>
      %dma_start3A_18 = tpu.memref_slice %arg2[%mul3A_2] : memref<2048xi32, #tpu.memory_space<hbm>> -> memref<64xi32, #tpu.memory_space<hbm>>
      tpu.enqueue_dma source(%dma_start3A_18 : memref<64xi32, #tpu.memory_space<hbm>>) target(%arg6 : memref<64xi32, #tpu.memory_space<vmem>>) target_semaphore(%run_scoped3A : memref<!tpu.dma_semaphore, #tpu.memory_space<semaphore_mem>>)
      %dma_wait3A_19 = tpu.memref_slice %arg2[%mul3A_2] : memref<2048xi32, #tpu.memory_space<hbm>> -> memref<64xi32, #tpu.memory_space<hbm>>
      %dma_wait3A_20 = tpu.memref_slice %arg2[%mul3A_2] : memref<2048xi32, #tpu.memory_space<hbm>> -> memref<64xi32, #tpu.memory_space<hbm>>
      tpu.wait_dma2 semaphore(%run_scoped3A : memref<!tpu.dma_semaphore, #tpu.memory_space<semaphore_mem>>) src(%dma_wait3A_20 : memref<64xi32, #tpu.memory_space<hbm>>) dst(%arg6 : memref<64xi32, #tpu.memory_space<vmem>>)
      tpu.yield
    }) : () -> ()
    %mul3A_3 = arith.constant 64 : i32
    %mul3A_4 = arith.muli %add3A, %mul3A_3 : i32
    "tpu.region"() ({
      %run_scoped3A = tpu.sem_alloc : memref<!tpu.dma_semaphore, #tpu.memory_space<semaphore_mem>>
      %dma_start3A_17 = tpu.memref_slice %arg3[%mul3A_4] : memref<2048xi32, #tpu.memory_space<hbm>> -> memref<64xi32, #tpu.memory_space<hbm>>
      %dma_start3A_18 = tpu.memref_slice %arg3[%mul3A_4] : memref<2048xi32, #tpu.memory_space<hbm>> -> memref<64xi32, #tpu.memory_space<hbm>>
      tpu.enqueue_dma source(%dma_start3A_18 : memref<64xi32, #tpu.memory_space<hbm>>) target(%arg7 : memref<64xi32, #tpu.memory_space<vmem>>) target_semaphore(%run_scoped3A : memref<!tpu.dma_semaphore, #tpu.memory_space<semaphore_mem>>)
      %dma_wait3A_19 = tpu.memref_slice %arg3[%mul3A_4] : memref<2048xi32, #tpu.memory_space<hbm>> -> memref<64xi32, #tpu.memory_space<hbm>>
      %dma_wait3A_20 = tpu.memref_slice %arg3[%mul3A_4] : memref<2048xi32, #tpu.memory_space<hbm>> -> memref<64xi32, #tpu.memory_space<hbm>>
      tpu.wait_dma2 semaphore(%run_scoped3A : memref<!tpu.dma_semaphore, #tpu.memory_space<semaphore_mem>>) src(%dma_wait3A_20 : memref<64xi32, #tpu.memory_space<hbm>>) dst(%arg7 : memref<64xi32, #tpu.memory_space<vmem>>)
      tpu.yield
    }) : () -> ()
    %mul3A_5 = arith.constant 64 : i32
    %mul3A_6 = arith.muli %add3A, %mul3A_5 : i32
    "tpu.region"() ({
      %run_scoped3A = tpu.sem_alloc : memref<!tpu.dma_semaphore, #tpu.memory_space<semaphore_mem>>
      %dma_start3A_17 = arith.constant 0 : i32
      %dma_start3A_18 = tpu.memref_slice %arg4[%mul3A_6, %dma_start3A_17] : memref<2048x1024xf32, #tpu.memory_space<hbm>> -> memref<64x1024xf32, #tpu.memory_space<hbm>>
      %dma_start3A_19 = arith.constant 0 : i32
      %dma_start3A_20 = tpu.memref_slice %arg4[%mul3A_6, %dma_start3A_19] : memref<2048x1024xf32, #tpu.memory_space<hbm>> -> memref<64x1024xf32, #tpu.memory_space<hbm>>
      tpu.enqueue_dma source(%dma_start3A_20 : memref<64x1024xf32, #tpu.memory_space<hbm>>) target(%arg8 : memref<64x1024xf32, #tpu.memory_space<vmem>>) target_semaphore(%run_scoped3A : memref<!tpu.dma_semaphore, #tpu.memory_space<semaphore_mem>>)
      %dma_wait3A_21 = arith.constant 0 : i32
      %dma_wait3A_22 = tpu.memref_slice %arg4[%mul3A_6, %dma_wait3A_21] : memref<2048x1024xf32, #tpu.memory_space<hbm>> -> memref<64x1024xf32, #tpu.memory_space<hbm>>
      %dma_wait3A_23 = arith.constant 0 : i32
      %dma_wait3A_24 = tpu.memref_slice %arg4[%mul3A_6, %dma_wait3A_23] : memref<2048x1024xf32, #tpu.memory_space<hbm>> -> memref<64x1024xf32, #tpu.memory_space<hbm>>
      tpu.wait_dma2 semaphore(%run_scoped3A : memref<!tpu.dma_semaphore, #tpu.memory_space<semaphore_mem>>) src(%dma_wait3A_24 : memref<64x1024xf32, #tpu.memory_space<hbm>>) dst(%arg8 : memref<64x1024xf32, #tpu.memory_space<vmem>>)
      tpu.yield
    }) : () -> ()
    %dma_start3A = arith.constant 0 : i32
    %dma_start3A_7 = arith.constant 0 : i32
    %dma_start3A_8 = tpu.memref_slice %arg5[%dma_start3A, %dma_start3A_7] : memref<8320x1024xf32, #tpu.memory_space<hbm>> -> memref<8320x1024xf32, #tpu.memory_space<hbm>>
    tpu.enqueue_indirect_dma source(%arg8 : memref<64x1024xf32, #tpu.memory_space<vmem>>) target(%dma_start3A_8 : memref<8320x1024xf32, #tpu.memory_space<hbm>>) offsets(%arg6 : memref<64xi32, #tpu.memory_space<vmem>>) semaphore(%arg9 : memref<!tpu.dma_semaphore, #tpu.memory_space<semaphore_mem>>)
    %dma_start3A_9 = arith.constant 0 : i32
    %dma_start3A_10 = arith.constant 0 : i32
    %dma_start3A_11 = tpu.memref_slice %arg5[%dma_start3A_9, %dma_start3A_10] : memref<8320x1024xf32, #tpu.memory_space<hbm>> -> memref<8320x1024xf32, #tpu.memory_space<hbm>>
    tpu.enqueue_indirect_dma source(%arg8 : memref<64x1024xf32, #tpu.memory_space<vmem>>) target(%dma_start3A_11 : memref<8320x1024xf32, #tpu.memory_space<hbm>>) offsets(%arg7 : memref<64xi32, #tpu.memory_space<vmem>>) semaphore(%arg10 : memref<!tpu.dma_semaphore, #tpu.memory_space<semaphore_mem>>)
    %dma_wait3A = arith.constant 0 : i32
    %dma_wait3A_12 = arith.constant 0 : i32
    %dma_wait3A_13 = tpu.memref_slice %arg5[%dma_wait3A, %dma_wait3A_12] : memref<8320x1024xf32, #tpu.memory_space<hbm>> -> memref<8320x1024xf32, #tpu.memory_space<hbm>>
    tpu.wait_indirect_dma semaphore(%arg9 : memref<!tpu.dma_semaphore, #tpu.memory_space<semaphore_mem>>) src(%arg8 : memref<64x1024xf32, #tpu.memory_space<vmem>>) dst(%dma_wait3A_13 : memref<8320x1024xf32, #tpu.memory_space<hbm>>)
    %dma_wait3A_14 = arith.constant 0 : i32
    %dma_wait3A_15 = arith.constant 0 : i32
    %dma_wait3A_16 = tpu.memref_slice %arg5[%dma_wait3A_14, %dma_wait3A_15] : memref<8320x1024xf32, #tpu.memory_space<hbm>> -> memref<8320x1024xf32, #tpu.memory_space<hbm>>
    tpu.wait_indirect_dma semaphore(%arg10 : memref<!tpu.dma_semaphore, #tpu.memory_space<semaphore_mem>>) src(%arg8 : memref<64x1024xf32, #tpu.memory_space<vmem>>) dst(%dma_wait3A_16 : memref<8320x1024xf32, #tpu.memory_space<hbm>>)
    return
  }
}

module attributes {stable_mosaic.version = 14 : i64} {
  func.func @_moe_body(%arg0: i32, %arg1: memref<128x1024xf32, #tpu.memory_space<vmem>>, %arg2: memref<1x512x1024xf32, #tpu.memory_space<vmem>>, %arg3: memref<1x512x1024xf32, #tpu.memory_space<vmem>>, %arg4: memref<1x1024x512xf32, #tpu.memory_space<vmem>>, %arg5: memref<128x1024xf32, #tpu.memory_space<vmem>>) attributes {dimension_semantics = [#tpu.dimension_semantics<arbitrary>], iteration_bounds = array<i64: 64>, scalar_prefetch = 0 : i64, scratch_operands = 0 : i64, tpu.core_type = #tpu.core_type<tc>, window_params = [{transform_indices = @transform_0, window_bounds = array<i64: 128, 1024>}, {transform_indices = @transform_1, window_bounds = array<i64: 1, 512, 1024>}, {transform_indices = @transform_2, window_bounds = array<i64: 1, 512, 1024>}, {transform_indices = @transform_3, window_bounds = array<i64: 1, 1024, 512>}, {transform_indices = @transform_4, window_bounds = array<i64: 128, 1024>}]} {
    %get3A = arith.constant 0 : index
    %get3A_0 = arith.constant 0 : index
    %get3A_1 = vector.load %arg1[%get3A, %get3A_0] : memref<128x1024xf32, #tpu.memory_space<vmem>>, vector<128x1024xf32>
    %get3A_2 = arith.constant 0 : index
    %get3A_3 = arith.constant 0 : index
    %get3A_4 = arith.constant 0 : index
    %get3A_5 = vector.load %arg2[%get3A_2, %get3A_3, %get3A_4] : memref<1x512x1024xf32, #tpu.memory_space<vmem>>, vector<1x512x1024xf32>
    %get3A_6 = vector.shape_cast %get3A_5 : vector<1x512x1024xf32> to vector<512x1024xf32>
    %dot_general3A = arith.constant dense<0.000000e+00> : vector<128x512xf32>
    %dot_general3A_7 = tpu.matmul %get3A_1, %get3A_6, %dot_general3A {dimension_numbers = #tpu.dot_dimension_numbers<[1], [1], [0], [0], [0, 0, 1, 0], [], []>, transpose_lhs_hint = false} : vector<128x1024xf32>, vector<512x1024xf32>, vector<128x512xf32> -> vector<128x512xf32>
    %get3A_8 = arith.constant 0 : index
    %get3A_9 = arith.constant 0 : index
    %get3A_10 = arith.constant 0 : index
    %get3A_11 = vector.load %arg3[%get3A_8, %get3A_9, %get3A_10] : memref<1x512x1024xf32, #tpu.memory_space<vmem>>, vector<1x512x1024xf32>
    %get3A_12 = vector.shape_cast %get3A_11 : vector<1x512x1024xf32> to vector<512x1024xf32>
    %dot_general3A_13 = arith.constant dense<0.000000e+00> : vector<128x512xf32>
    %dot_general3A_14 = tpu.matmul %get3A_1, %get3A_12, %dot_general3A_13 {dimension_numbers = #tpu.dot_dimension_numbers<[1], [1], [0], [0], [0, 0, 1, 0], [], []>, transpose_lhs_hint = false} : vector<128x1024xf32>, vector<512x1024xf32>, vector<128x512xf32> -> vector<128x512xf32>
    %logistic3A = arith.negf %dot_general3A_7 : vector<128x512xf32>
    %logistic3A_15 = math.exp %logistic3A : vector<128x512xf32>
    %logistic3A_16 = arith.constant 1.000000e+00 : f32
    %logistic3A_17 = vector.broadcast %logistic3A_16 : f32 to vector<128x512xf32>
    %logistic3A_18 = arith.addf %logistic3A_17, %logistic3A_15 : vector<128x512xf32>
    %logistic3A_19 = arith.divf %logistic3A_17, %logistic3A_18 : vector<128x512xf32>
    %mul3A = arith.mulf %dot_general3A_7, %logistic3A_19 : vector<128x512xf32>
    %mul3A_20 = arith.mulf %mul3A, %dot_general3A_14 : vector<128x512xf32>
    %get3A_21 = arith.constant 0 : index
    %get3A_22 = arith.constant 0 : index
    %get3A_23 = arith.constant 0 : index
    %get3A_24 = vector.load %arg4[%get3A_21, %get3A_22, %get3A_23] : memref<1x1024x512xf32, #tpu.memory_space<vmem>>, vector<1x1024x512xf32>
    %get3A_25 = vector.shape_cast %get3A_24 : vector<1x1024x512xf32> to vector<1024x512xf32>
    %dot_general3A_26 = arith.constant dense<0.000000e+00> : vector<128x1024xf32>
    %dot_general3A_27 = tpu.matmul %mul3A_20, %get3A_25, %dot_general3A_26 {dimension_numbers = #tpu.dot_dimension_numbers<[1], [1], [0], [0], [0, 0, 1, 0], [], []>, transpose_lhs_hint = false} : vector<128x512xf32>, vector<1024x512xf32>, vector<128x1024xf32> -> vector<128x1024xf32>
    %swap3A = arith.constant 0 : index
    %swap3A_28 = arith.constant 0 : index
    %swap3A_29 = vector.load %arg5[%swap3A, %swap3A_28] : memref<128x1024xf32, #tpu.memory_space<vmem>>, vector<128x1024xf32>
    tpu.vector_store %arg5[%swap3A, %swap3A_28], %dot_general3A_27 {strides = array<i32>} : memref<128x1024xf32, #tpu.memory_space<vmem>>, vector<128x1024xf32>,
    return
  }
  func.func @transform_0(%arg0: i32) -> (i32, i32) {
    %c0_i32 = arith.constant 0 : i32
    %c0_i32_0 = arith.constant 0 : i32
    return %arg0, %c0_i32 : i32, i32
  }
  func.func @transform_1(%arg0: i32) -> (i32, i32, i32) {
    %c0_i32 = arith.constant 0 : i32
    %c0_i32_0 = arith.constant 0 : i32
    %c0_i32_1 = arith.constant 0 : i32
    return %arg0, %c0_i32, %c0_i32_0 : i32, i32, i32
  }
  func.func @transform_2(%arg0: i32) -> (i32, i32, i32) {
    %c0_i32 = arith.constant 0 : i32
    %c0_i32_0 = arith.constant 0 : i32
    %c0_i32_1 = arith.constant 0 : i32
    return %arg0, %c0_i32, %c0_i32_0 : i32, i32, i32
  }
  func.func @transform_3(%arg0: i32) -> (i32, i32, i32) {
    %c0_i32 = arith.constant 0 : i32
    %c0_i32_0 = arith.constant 0 : i32
    %c0_i32_1 = arith.constant 0 : i32
    return %arg0, %c0_i32, %c0_i32_0 : i32, i32, i32
  }
  func.func @transform_4(%arg0: i32) -> (i32, i32) {
    %c0_i32 = arith.constant 0 : i32
    %c0_i32_0 = arith.constant 0 : i32
    return %arg0, %c0_i32 : i32, i32
  }
}

module attributes {stable_mosaic.version = 14 : i64} {
  func.func @_shared_body(%arg0: i32, %arg1: memref<256x1024xf32, #tpu.memory_space<vmem>>, %arg2: memref<512x1024xf32, #tpu.memory_space<vmem>>, %arg3: memref<512x1024xf32, #tpu.memory_space<vmem>>, %arg4: memref<1024x512xf32, #tpu.memory_space<vmem>>, %arg5: memref<256x1024xf32, #tpu.memory_space<vmem>>) attributes {dimension_semantics = [#tpu.dimension_semantics<arbitrary>], iteration_bounds = array<i64: 8>, scalar_prefetch = 0 : i64, scratch_operands = 0 : i64, tpu.core_type = #tpu.core_type<tc>, window_params = [{transform_indices = @transform_0, window_bounds = array<i64: 256, 1024>}, {pipeline_mode = #tpu.pipeline_mode<synchronous>, transform_indices = @transform_1, window_bounds = array<i64: 512, 1024>}, {pipeline_mode = #tpu.pipeline_mode<synchronous>, transform_indices = @transform_2, window_bounds = array<i64: 512, 1024>}, {pipeline_mode = #tpu.pipeline_mode<synchronous>, transform_indices = @transform_3, window_bounds = array<i64: 1024, 512>}, {transform_indices = @transform_4, window_bounds = array<i64: 256, 1024>}]} {
    %get3A = arith.constant 0 : index
    %get3A_0 = arith.constant 0 : index
    %get3A_1 = vector.load %arg1[%get3A, %get3A_0] : memref<256x1024xf32, #tpu.memory_space<vmem>>, vector<256x1024xf32>
    %get3A_2 = arith.constant 0 : index
    %get3A_3 = arith.constant 0 : index
    %get3A_4 = vector.load %arg2[%get3A_2, %get3A_3] : memref<512x1024xf32, #tpu.memory_space<vmem>>, vector<512x1024xf32>
    %dot_general3A = arith.constant dense<0.000000e+00> : vector<256x512xf32>
    %dot_general3A_5 = tpu.matmul %get3A_1, %get3A_4, %dot_general3A {dimension_numbers = #tpu.dot_dimension_numbers<[1], [1], [0], [0], [0, 0, 1, 0], [], []>, transpose_lhs_hint = false} : vector<256x1024xf32>, vector<512x1024xf32>, vector<256x512xf32> -> vector<256x512xf32>
    %get3A_6 = arith.constant 0 : index
    %get3A_7 = arith.constant 0 : index
    %get3A_8 = vector.load %arg3[%get3A_6, %get3A_7] : memref<512x1024xf32, #tpu.memory_space<vmem>>, vector<512x1024xf32>
    %dot_general3A_9 = arith.constant dense<0.000000e+00> : vector<256x512xf32>
    %dot_general3A_10 = tpu.matmul %get3A_1, %get3A_8, %dot_general3A_9 {dimension_numbers = #tpu.dot_dimension_numbers<[1], [1], [0], [0], [0, 0, 1, 0], [], []>, transpose_lhs_hint = false} : vector<256x1024xf32>, vector<512x1024xf32>, vector<256x512xf32> -> vector<256x512xf32>
    %logistic3A = arith.negf %dot_general3A_5 : vector<256x512xf32>
    %logistic3A_11 = math.exp %logistic3A : vector<256x512xf32>
    %logistic3A_12 = arith.constant 1.000000e+00 : f32
    %logistic3A_13 = vector.broadcast %logistic3A_12 : f32 to vector<256x512xf32>
    %logistic3A_14 = arith.addf %logistic3A_13, %logistic3A_11 : vector<256x512xf32>
    %logistic3A_15 = arith.divf %logistic3A_13, %logistic3A_14 : vector<256x512xf32>
    %mul3A = arith.mulf %dot_general3A_5, %logistic3A_15 : vector<256x512xf32>
    %mul3A_16 = arith.mulf %mul3A, %dot_general3A_10 : vector<256x512xf32>
    %get3A_17 = arith.constant 0 : index
    %get3A_18 = arith.constant 0 : index
    %get3A_19 = vector.load %arg4[%get3A_17, %get3A_18] : memref<1024x512xf32, #tpu.memory_space<vmem>>, vector<1024x512xf32>
    %dot_general3A_20 = arith.constant dense<0.000000e+00> : vector<256x1024xf32>
    %dot_general3A_21 = tpu.matmul %mul3A_16, %get3A_19, %dot_general3A_20 {dimension_numbers = #tpu.dot_dimension_numbers<[1], [1], [0], [0], [0, 0, 1, 0], [], []>, transpose_lhs_hint = false} : vector<256x512xf32>, vector<1024x512xf32>, vector<256x1024xf32> -> vector<256x1024xf32>
    %swap3A = arith.constant 0 : index
    %swap3A_22 = arith.constant 0 : index
    %swap3A_23 = vector.load %arg5[%swap3A, %swap3A_22] : memref<256x1024xf32, #tpu.memory_space<vmem>>, vector<256x1024xf32>
    tpu.vector_store %arg5[%swap3A, %swap3A_22], %dot_general3A_21 {strides = array<i32>} : memref<256x1024xf32, #tpu.memory_space<vmem>>, vector<256x1024xf32>,
    return
  }
  func.func @transform_0(%arg0: i32) -> (i32, i32) {
    %c0_i32 = arith.constant 0 : i32
    %c0_i32_0 = arith.constant 0 : i32
    return %arg0, %c0_i32 : i32, i32
  }
  func.func @transform_1(%arg0: i32) -> (i32, i32) {
    %c0_i32 = arith.constant 0 : i32
    %c0_i32_0 = arith.constant 0 : i32
    %c0_i32_1 = arith.constant 0 : i32
    return %c0_i32, %c0_i32_0 : i32, i32
  }
  func.func @transform_2(%arg0: i32) -> (i32, i32) {
    %c0_i32 = arith.constant 0 : i32
    %c0_i32_0 = arith.constant 0 : i32
    %c0_i32_1 = arith.constant 0 : i32
    return %c0_i32, %c0_i32_0 : i32, i32
  }
  func.func @transform_3(%arg0: i32) -> (i32, i32) {
    %c0_i32 = arith.constant 0 : i32
    %c0_i32_0 = arith.constant 0 : i32
    %c0_i32_1 = arith.constant 0 : i32
    return %c0_i32, %c0_i32_0 : i32, i32
  }
  func.func @transform_4(%arg0: i32) -> (i32, i32) {
    %c0_i32 = arith.constant 0 : i32
    %c0_i32_0 = arith.constant 0 : i32
    return %arg0, %c0_i32 : i32, i32
  }
}

module attributes {stable_mosaic.version = 14 : i64} {
  func.func @_router_body(%arg0: i32, %arg1: memref<64x1024xf32, #tpu.memory_space<vmem>>, %arg2: memref<64x1024xf32, #tpu.memory_space<vmem>>, %arg3: memref<1x64x64xf32, #tpu.memory_space<vmem>>) attributes {dimension_semantics = [#tpu.dimension_semantics<arbitrary>], iteration_bounds = array<i64: 32>, scalar_prefetch = 0 : i64, scratch_operands = 0 : i64, tpu.core_type = #tpu.core_type<tc>, window_params = [{transform_indices = @transform_0, window_bounds = array<i64: 64, 1024>}, {pipeline_mode = #tpu.pipeline_mode<synchronous>, transform_indices = @transform_1, window_bounds = array<i64: 64, 1024>}, {transform_indices = @transform_2, window_bounds = array<i64: 1, 64, 64>}]} {
    %get3A = arith.constant 0 : index
    %get3A_0 = arith.constant 0 : index
    %get3A_1 = vector.load %arg1[%get3A, %get3A_0] : memref<64x1024xf32, #tpu.memory_space<vmem>>, vector<64x1024xf32>
    %get3A_2 = arith.constant 0 : index
    %get3A_3 = arith.constant 0 : index
    %get3A_4 = vector.load %arg2[%get3A_2, %get3A_3] : memref<64x1024xf32, #tpu.memory_space<vmem>>, vector<64x1024xf32>
    %dot_general3A = arith.constant dense<0.000000e+00> : vector<64x64xf32>
    %dot_general3A_5 = tpu.matmul %get3A_4, %get3A_1, %dot_general3A {dimension_numbers = #tpu.dot_dimension_numbers<[1], [1], [0], [0], [0, 0, 1, 0], [], []>, transpose_lhs_hint = false} : vector<64x1024xf32>, vector<64x1024xf32>, vector<64x64xf32> -> vector<64x64xf32>
    %broadcast_in_dim3A = vector.shape_cast %dot_general3A_5 : vector<64x64xf32> to vector<1x64x64xf32>
    %swap3A = arith.constant 0 : index
    %swap3A_6 = arith.constant 0 : index
    %swap3A_7 = arith.constant 0 : index
    %swap3A_8 = vector.load %arg3[%swap3A, %swap3A_6, %swap3A_7] : memref<1x64x64xf32, #tpu.memory_space<vmem>>, vector<1x64x64xf32>
    tpu.vector_store %arg3[%swap3A, %swap3A_6, %swap3A_7], %broadcast_in_dim3A {strides = array<i32>} : memref<1x64x64xf32, #tpu.memory_space<vmem>>, vector<1x64x64xf32>,
    return
  }
  func.func @transform_0(%arg0: i32) -> (i32, i32) {
    %c0_i32 = arith.constant 0 : i32
    %c0_i32_0 = arith.constant 0 : i32
    return %arg0, %c0_i32 : i32, i32
  }
  func.func @transform_1(%arg0: i32) -> (i32, i32) {
    %c0_i32 = arith.constant 0 : i32
    %c0_i32_0 = arith.constant 0 : i32
    %c0_i32_1 = arith.constant 0 : i32
    return %c0_i32, %c0_i32_0 : i32, i32
  }
  func.func @transform_2(%arg0: i32) -> (i32, i32, i32) {
    %c0_i32 = arith.constant 0 : i32
    %c0_i32_0 = arith.constant 0 : i32
    %c0_i32_1 = arith.constant 0 : i32
    return %arg0, %c0_i32, %c0_i32_0 : i32, i32, i32
  }
}

</mosaic_0001>

<sc_bundles>
// kernel: kernel.12.cloned.1.call-start
scs
__scs_entry_jumppad:
0x0: {  	(pc) =	sbr.rel $0x88, $3  }
0x1: {  	(tag) =	ssettag $0x0;
	lr =	simm.s32 $0x1  }
0x2: {  	[smem:$0x3F99] =	sst lr;
	_ =	strace $0xD0000000  }
0x3: {  	_ = 	snop  }
0x4: {  	_ = 	snop  }
0x5: {  	_ = 	snop  }
0x6: {  	_ = 	snop  }
0x7: {  	_ = 	snop  }
__scs_overlays_trampoline_lowered:
0x8: {  	[smem:$0x3FA8] =	sst s0  }
0x9: {  	[smem:$0x3FA9] =	sst s1  }
0xa: {  	[smem:$0x3FAA] =	sst s2  }
0xb: {  	[smem:$0x3FAB] =	sst s3  }
0xc: {  	[smem:$0x3FAC] =	sst s4  }
0xd: {  	[smem:$0x3FAD] =	sst s5  }
0xe: {  	[smem:$0x3FAE] =	sst s6  }
0xf: {  	[smem:$0x3FAF] =	sst s7  }
0x10: {  	[smem:$0x3FB0] =	sst s8  }
0x11: {  	[smem:$0x3FB1] =	sst s9;
	s0 =	simm.s32 @!p0 $0x0  }
0x12: {  	s1 =	sld [smem:$0x3F97];
	s0 =	simm.s32 @p0 $0x1  }
0x13: {  	[smem:$0x3FB2] =	sst s0;
	s0 =	simm.s32 @!p1 $0x0  }
0x14: {  	s2 =	sld [smem:$0x3F96];
	s0 =	simm.s32 @p1 $0x1  }
0x15: {  	[smem:$0x3FB3] =	sst s0;
	s0 =	simm.s32 @!p2 $0x0  }
0x16: {  	s3 =	sld [smem:$0x3FDB];
	s0 =	simm.s32 @p2 $0x1  }
0x17: {  	s4 =	simm.s32 $0x1BF5;
	[smem:$0x3FB5] =	sst s0  }
0x18: {  	s0 =	sld [smem:$0x3F98];
	_ =	swait.ge [sflag:s4], $0x0  }
0x19: {  	s7 =	sld [smem:$0x3F99]  }
0x1a: {  	s8 =	sadd.s32 $0xFFFFE003, lr  }
0x1b: {  	s9 =	sadd.s32 $0xFFFFFEF7, lr;
	s5 =	simm.s32 $0xFFFFFFFF;
	p2 =	slt.u32 s8, $0xFFFFF086  }
0x1c: {  	p1 =	slt.u32 s9, $0xF7A;
	s5 =	simm.s32 @!p2 $0x0  }
0x1d: {  	s5 =	simm.s32 @p1 $0x1;
	p0 =	seq.s32 s7, s2  }
0x1e: {  	s7 =	smul.u32 @!p0 $0xF7A, s2;
	p2 =	seq.s32 @!p0 s5, $0x0  }
0x1f: {  	s9 =	smul.u32 $0xF7A, s1;
	s8 =	simm.s32 @!p0 $0x1BF5;
	p2 =	por !p2, p0  }
0x20: {  	[sflag:s8] =	ssyncset.s32 @!p0 $0xFFFFF086;
	s6 =	sadd.s32 @!p0 s3, s7;
	s7 =	simm.s32 @!p0 $0x108  }
0x21: {  	s3 =	sadd.s32 s3, s9;
	s6 =	sadd.s32 @!p0 $0x88, s6;
	s7 =	simm.s32 @p2 $0x1082  }
0x22: {  	[simem:s7], [sflag:s8] =	dma.local @!p0 [hbm:s6], $0xF7A  }
0x23: {  	s9 =	sor.u32 $0xD0000000, s2;
	s6 =	simm.s32 $0x108;
	_ =	swait.ge @!p0 [sflag:s8], $0x0  }
0x24: {  	s3 =	sadd.s32 $0x88, s3;
	s6 =	simm.s32 @!p1 $0x1082;
	[sflag:s4] =	ssyncset.s32 $0xFFFFF086  }
0x25: {  	[simem:s6], [sflag:s4] =	dma.local [hbm:s3], $0xF7A  }
0x26: {  	[smem:$0x3F99] =	sst s1;
	(tag) =	ssettag s2;
	_ =	strace s9  }
0x27: {  	s1 =	sld [smem:$0x3FA9]  }
0x28: {  	s2 =	sld [smem:$0x3FAA]  }
0x29: {  	s4 =	sld [smem:$0x3FAC]  }
0x2a: {  	p0 =	seq.s32 s5, $0x0;
	s5 =	sld [smem:$0x3FAD]  }
0x2b: {  	s6 =	sld [smem:$0x3FAE]  }
0x2c: {  	s7 =	sld [smem:$0x3FAF]  }
0x2d: {  	s3 =	simm.s32 $0x108;
	s8 =	sld [smem:$0x3FB0]  }
0x2e: {  	s3 =	simm.s32 @!p0 $0x1082;
	s9 =	sld [smem:$0x3FB1]  }
0x2f: {  	lr =	sadd.s32 s0, s3;
	s0 =	sld [smem:$0x3FA8]  }
0x30: {  	s3 =	sld [smem:$0x3FAB]  }
0x31: {  	[smem:$0x3FB4] =	sst s10  }
0x32: {  	s10 =	sld [smem:$0x3FB2];
	_ =	sdelay $0x3  }
0x33: {  	p0 =	seq.s32 s10, $0x1;
	s10 =	sld [smem:$0x3FB4];
	_ =	sdelay $0x3  }
0x34: {  	[smem:$0x3FB4] =	sst s10  }
0x35: {  	s10 =	sld [smem:$0x3FB3];
	_ =	sdelay $0x3  }
0x36: {  	p1 =	seq.s32 s10, $0x1;
	s10 =	sld [smem:$0x3FB4];
	_ =	sdelay $0x3  }
0x37: {  	[smem:$0x3FB4] =	sst s10  }
0x38: {  	s10 =	sld [smem:$0x3FB5]  }
0x39: {  	_ = 	snop;
	(pc) =	sbr.ind lr, $3  }
0x3a: {  	_ = 	snop  }
0x3b: {  	_ = 	snop  }
0x3c: {  	p2 =	seq.s32 s10, $0x1;
	s10 =	sld [smem:$0x3FB4]  }
0x3d: {  	_ =	shalt  }
0x3e: {  	_ =	shalt  }
0x3f: {  	_ =	shalt  }
0x40: {  	_ =	shalt  }
0x41: {  	_ =	shalt  }
0x42: {  	_ =	shalt  }
0x43: {  	_ =	shalt  }
0x44: {  	_ =	shalt  }
0x45: {  	_ =	shalt  }
0x46: {  	_ =	shalt  }
0x47: {  	_ =	shalt  }
0x48: {  	_ =	shalt  }
0x49: {  	_ =	shalt  }
0x4a: {  	_ =	shalt  }
0x4b: {  	_ =	shalt  }
0x4c: {  	_ =	shalt  }
0x4d: {  	_ =	shalt  }
0x4e: {  	_ =	shalt  }
0x4f: {  	_ =	shalt  }
0x50: {  	_ =	shalt  }
0x51: {  	_ =	shalt  }
0x52: {  	_ =	shalt  }
0x53: {  	_ =	shalt  }
0x54: {  	_ =	shalt  }
0x55: {  	_ =	shalt  }
0x56: {  	_ =	shalt  }
0x57: {  	_ =	shalt  }
0x58: {  	_ =	shalt  }
0x59: {  	_ =	shalt  }
0x5a: {  	_ =	shalt  }
0x5b: {  	_ =	shalt  }
0x5c: {  	_ =	shalt  }
0x5d: {  	_ =	shalt  }
0x5e: {  	_ =	shalt  }
0x5f: {  	_ =	shalt  }
0x60: {  	_ =	shalt  }
0x61: {  	_ =	shalt  }
0x62: {  	_ =	shalt  }
0x63: {  	_ =	shalt  }
0x64: {  	_ =	shalt  }
0x65: {  	_ =	shalt  }
0x66: {  	_ =	shalt  }
0x67: {  	_ =	shalt  }
0x68: {  	_ =	shalt  }
0x69: {  	_ =	shalt  }
0x6a: {  	_ =	shalt  }
0x6b: {  	_ =	shalt  }
0x6c: {  	_ =	shalt  }
0x6d: {  	_ =	shalt  }
0x6e: {  	_ =	shalt  }
0x6f: {  	_ =	shalt  }
0x70: {  	_ =	shalt  }
0x71: {  	_ =	shalt  }
0x72: {  	_ =	shalt  }
0x73: {  	_ =	shalt  }
0x74: {  	_ =	shalt  }
0x75: {  	_ =	shalt  }
0x76: {  	_ =	shalt  }
0x77: {  	_ =	shalt  }
0x78: {  	_ =	shalt  }
0x79: {  	_ =	shalt  }
0x7a: {  	_ =	shalt  }
0x7b: {  	_ =	shalt  }
0x7c: {  	_ =	shalt  }
0x7d: {  	_ =	shalt  }
0x7e: {  	_ =	shalt  }
0x7f: {  	_ =	shalt  }
0x80: {  	_ =	shalt  }
0x81: {  	_ =	shalt  }
0x82: {  	_ =	shalt  }
0x83: {  	_ =	shalt  }
0x84: {  	_ =	shalt  }
0x85: {  	_ =	shalt  }
0x86: {  	_ =	shalt  }
0x87: {  	_ =	shalt  }
.Lfunc_end0:
.L_simem_size_0:
called_computation.1_lowered:
.L_overlay_start_0:
0x88: {  	s2 =	sld [smem:$0x3FD9]  }
0x89: {  	s3 =	sld [smem:$0x3FFE];
	_ =	sdelay $0x1  }
0x8a: {  	s1 =	srdreg.scid  }
0x8b: {  	s0 =	sand.u32 $0x1, s1  }
0x8c: {  	s17 =	sshll.u32 s0, $0xA;
	s2 =	sadd.s32 s3, s2  }
0x8d: {  	s2 =	sadd.s32 s2, s17  }
0x8e: {  	[smem:$0x3FC0] =	sst s2  }
0x8f: {  	_ = 	snop  }
0x90: {  	s2 =	sld [smem:$0x3FD0];
	(tm) =	ssettm $0x1  }
0x91: {  	s18 =	sld [smem:$0x3FFB];
	_ =	sdelay $0x3  }
0x92: {  	_ =	strace s18  }
0x93: {  	s3 =	sld [smem:$0x3FFC];
	_ =	sdelay $0x3  }
0x94: {  	_ =	strace s3  }
0x95: {  	s3 =	sld [smem:$0x3FFD];
	_ =	sdelay $0x3  }
0x96: {  	_ =	strace s3  }
0x97: {  	_ =	strace $0x8FFFFFFF  }
0x98: {  	s19 =	sld [smem:$0x3FDB];
	_ =	sdelay $0x1  }
0x99: {  	s4 =	simm.s32 $_scs_section_size  }
0x9a: {  	s5 =	simm.s32 $_size__tile_overlayer_lowered;
	s6 =	simm.s32 $_tile_overlayer_lowered  }
0x9b: {  	s22 =	simm.s32 $0x1BFF;
	s21 =	sshll.u32 s6, $0x1;
	s3 =	sadd.s32 s4, s19  }
0x9c: {  	s7 =	simm.s32 $0x0;
	s20 =	sshll.u32 s5, $0x1;
	s5 =	sadd.s32 s21, s3  }
0x9d: {  	[timem:s7], [sflag:s22] =	dma.local [hbm:s5], s20  }
0x9e: {  	_ =	swait.ge [sflag:s22], s20  }
0x9f: {  	s4 =	ssub.s32 $0x0, s20;
	[sflag:s22] =	ssyncset.done $0x0  }
0xa0: {  	[sflag:s22] =	ssyncadd.s32 s4;
	_ =	sdelay $0x1  }
0xa1: {  	s23 =	simm.s32 $0x1B8B  }
0xa2: {  	_ =	swait.ge [sflag:s23], $0x1  }
0xa3: {  	[sflag:s23] =	ssyncset.done $0x0  }
0xa4: {  	s25 =	simm.s32 $0x1B8E;
	s24 =	sld [smem:$0x3FFE];
	[sflag:s23] =	ssyncadd.s32 $0xFFFFFFFF  }
0xa5: {  	s26 =	simm.s32 $execute0_lowered;
	[smem:$0x3FD2] =	sst s25  }
0xa6: {  	s5 =	sshll.u32 s26, $0x1;
	_ =	strace $0x80000049;
	[dreg:$0x1] =	wrdreg $0xFFFFFFFF  }
0xa7: {  	s28 =	simm.s32 $_size_execute0_lowered;
	s3 =	sadd.s32 s3, s5;
	[dreg:$0x0] =	wrdreg $0x0  }
0xa8: {  	s5 =	sshll.u32 s28, $0x1;
	[dreg:$0x2] =	wrdreg s3  }
0xa9: {  	[dreg:$0x3] =	wrdreg s5  }
0xaa: {  	[dreg:$0x4] =	wrdreg $0xC0  }
0xab: {  	_ =	task [dreg:s7], $0x5FFFF  }
0xac: {  	[dreg:$0x1] =	wrdreg $0xFFFFFFFF  }
0xad: {  	[dreg:$0x0] =	wrdreg $0x60  }
0xae: {  	[dreg:$0x2] =	wrdreg s24  }
0xaf: {  	[dreg:$0x3] =	wrdreg s2  }
0xb0: {  	[dreg:$0x4] =	wrdreg $0x9  }
0xb1: {  	_ =	task.clear_ibuf [dreg:s7], $0x5FFFF;
	_ =	strace $0x90000049  }
0xb2: {  	s29 =	simm.s32 $0x9;
	_ =	strace $0x8000004B  }
0xb3: {  	_ =	swait.ge [sflag:s29], $0x1  }
0xb4: {  	[sflag:s29] =	ssyncadd.s32 $0xFFFFFFFF  }
0xb5: {  	_ =	strace $0x9000004B  }
0xb6: {  	_ =	sfence  }
0xb7: {  	s30 =	sld [smem:$0x0];
	_ =	sdelay $0x2  }
0xb8: {  	s31 =	sshll.u32 s1, $0xD;
	s1 =	sshrl.u32 s1, $0x2  }
0xb9: {  	s3 =	sand.u32 $0x4000, s31;
	s1 =	sadd.s32 s1, s30  }
0xba: {  	s0 =	sor.u32 s3, s0;
	s1 =	sshll.u32 s1, $0x11  }
0xbb: {  	s0 =	sor.u32 s1, s0  }
0xbc: {  	s0 =	sadd.s32 $0x8F2B, s0  }
0xbd: {  	[sflag:s0] =	ssyncadd.remote.s32 $0x1  }
0xbe: {  	_ =	sfence.sel $0xFFFF  }
0xbf: {  	[dreg:$0x0] =	wrdreg $0xFFFFFFFF;
	(pc) =	sbr.abs _section_cstart, $3  }
0xc0: {  	[dreg:$0x1] =	wrdreg $0xFFFFFFFF  }
0xc1: {  	_ =	task.clear_ibuf [dreg:s7], $0x2FFFF;
	_ =	strace $0x9FFFFFFF  }
0xc2: {  	(tm) =	ssettm $0x7FFFFFFF  }
0xc3: {  	_ =	shalt  }
tec
execute0_lowered:
.L_overlay_start_1:
0x0: {  	(tag) =	ssettag $0x1  }
0x1: {  	s5 =	rddreg [dreg:$0x0]  }
0x2: {  	s10 =	rddreg [dreg:$0x1]  }
0x3: {  	s0 =	rddreg [dreg:$0x2];
	s2 =	simm.s32 $0x0  }
0x4: {  	s3 =	srdreg.scid;
	s1 =	stileid.u32;
	s14 =	simm.s32 $0x1080  }
0x5: {  	s15 =	simm.s32 $0x1100;
	s16 =	simm.s32 $0x1180;
	s17 =	simm.s32 $0x1000  }
0x6: {  	s18 =	simm.s32 $0x1300;
	s19 =	simm.s32 $0x1200;
	s20 =	simm.s32 $0x1280  }
0x7: {  	s21 =	simm.s32 $0x1380;
	s22 =	simm.s32 $0x13C0;
	s23 =	simm.s32 $0x0  }
0x8: {  	[smem:$0x7FF] =	sst s2;
	s6 =	sand.u32 $0x1, s3;
	s4 =	sshll.u32 s1, $0x1  }
0x9: {  	s3 =	sadd.s32 $0x2C00, s5;
	_ =	strace $0x8000004A;
	s4 =	sor.u32 s6, s4  }
0xa: {  	v0 =	vlaneseq.u32;
	s6 =	ssub.s32 $0x2, s6;
	s7 =	sshll.u32 s4, $0x4;
	s11 =	sshll.u32 s4, $0x3  }
.Ltmp0:
0xb: {  	v0 =	vmul.u32 $0x2, v0;
	s31 =	sshrl.u32 s6, $0x1;
	p0 =	sne.s32 s4, $0x0;
	(pc) =	sbr.rel .LBB2_1-.Ltmp0, $4  }
0xc: {  	s9 =	sadd.s32 s7, s5;
	s12 =	sadd.s32 s11, s5;
	s13 =	ssub.s32 s6, s31  }
0xd: {  	v1 =	vimm.s32 $0x0;
	v2 =	vor.u32 $0x1, v0;
	s10 =	sadd.s32 s10, s11;
	s5 =	sadd.s32 $0x2600, s9;
	s6 =	sadd.s32 $0x2800, s9  }
0xe: {  	v3 =	vor.u32 $0x20, v0;
	v4 =	vor.u32 $0x21, v0;
	v5 =	vor.u32 $0x40, v0;
	s7 =	sadd.s32 $0x2A00, s9;
	s8 =	sadd.s32 $0x3000, s9;
	s9 =	sadd.s32 $0x3200, s9  }
0xf: {  	v6 =	vor.u32 $0x41, v0;
	v7 =	vor.u32 $0x60, v0;
	v8 =	vor.u32 $0x61, v0;
	s11 =	sadd.s32 $0x2E00, s12;
	s12 =	smax.u32 s13, $0x1;
	s13 =	simm.s32 $0x1  }
.LBB2_2:
0x10: {  	v9 =	vimm.s32 $0x0  }
0x11: {  	[tilespmem:$0x1000] =	vst v9  }
0x12: {  	[tilespmem:$0x1010] =	vst v9  }
0x13: {  	[tilespmem:$0x1020] =	vst v9  }
.LBB2_12:
0x14: {  	v10 =	vld [tilespmem:$0x1080];
	_ =	sdelay $0x6  }
0x15: {  	[tilespmem:$0x1030] =	vst v9;
	v11 =	vld [tilespmem:$0x1180]  }
0x16: {  	v9 =	vld.idx.msk [tilespmem:v10+s17+$0x0], $0xffff;
	_ =	sdelay $0x1  }
0x17: {  	v12 =	vld [tilespmem:$0x1100]  }
0x18: {  	v13 =	vld [tilespmem:$0x1090];
	_ =	sdelay $0x1  }
0x19: {  	v10 =	vshll.u32 v10, $0x7;
	v9 =	vadd.s32 v9, v11  }
0x1a: {  	vm0 =	vlt.s32 v9, $0x80;
	v9 =	vadd.s32 v10, v9  }
0x1b: {  	v11 =	vsel vm0, $0x3F800000, v1;
	v10 =	vsel vm0, v9, v10  }
0x1c: {  	v9 =	vnsel vm0, $0x2000, v9;
	v11 =	vmul.f32 v11, v12;
	[tilespmem:$0x1200] =	vst v10  }
0x1d: {  	[tilespmem:$0x1300] =	vst v9  }
0x1e: {  	v10 =	vld [tilespmem:$0x1190];
	[tilespmem:$0x1280] =	vst v11  }
0x1f: {  	v9 =	vld.idx.msk [tilespmem:v13+s17+$0x0], $0xffff;
	_ =	sdelay $0x1  }
0x20: {  	v51 =	vld [tilespmem:$0x10A0]  }
0x21: {  	v11 =	vld [tilespmem:$0x1110];
	_ =	sdelay $0x1  }
0x22: {  	v9 =	vadd.s32 v9, v10;
	v10 =	vshll.u32 v13, $0x7  }
0x23: {  	vm9 =	vlt.s32 v9, $0x80;
	v9 =	vadd.s32 v10, v9  }
0x24: {  	v52 =	vsel vm9, $0x3F800000, v1;
	v10 =	vsel vm9, v9, v10  }
0x25: {  	v9 =	vnsel vm9, $0x2000, v9;
	v11 =	vmul.f32 v52, v11;
	[tilespmem:$0x1210] =	vst v10  }
0x26: {  	[tilespmem:$0x1310] =	vst v9  }
0x27: {  	v10 =	vld [tilespmem:$0x11A0];
	[tilespmem:$0x1290] =	vst v11  }
0x28: {  	v9 =	vld.idx.msk [tilespmem:v51+s17+$0x0], $0xffff;
	_ =	sdelay $0x1  }
0x29: {  	v53 =	vld [tilespmem:$0x10B0]  }
0x2a: {  	v11 =	vld [tilespmem:$0x1120];
	_ =	sdelay $0x1  }
0x2b: {  	v9 =	vadd.s32 v9, v10;
	v10 =	vshll.u32 v51, $0x7  }
0x2c: {  	vm10 =	vlt.s32 v9, $0x80;
	v9 =	vadd.s32 v10, v9  }
0x2d: {  	v54 =	vsel vm10, $0x3F800000, v1;
	v10 =	vsel vm10, v9, v10  }
0x2e: {  	v9 =	vnsel vm10, $0x2000, v9;
	v11 =	vmul.f32 v54, v11;
	[tilespmem:$0x1220] =	vst v10  }
0x2f: {  	[tilespmem:$0x1320] =	vst v9  }
0x30: {  	v10 =	vld [tilespmem:$0x11B0];
	[tilespmem:$0x12A0] =	vst v11  }
0x31: {  	v9 =	vld.idx.msk [tilespmem:v53+s17+$0x0], $0xffff;
	_ =	sdelay $0x1  }
0x32: {  	v55 =	vld [tilespmem:$0x10C0]  }
0x33: {  	v11 =	vld [tilespmem:$0x1130];
	_ =	sdelay $0x1  }
0x34: {  	v9 =	vadd.s32 v9, v10;
	v10 =	vshll.u32 v53, $0x7  }
0x35: {  	vm11 =	vlt.s32 v9, $0x80;
	v9 =	vadd.s32 v10, v9  }
0x36: {  	v56 =	vsel vm11, $0x3F800000, v1;
	v10 =	vsel vm11, v9, v10  }
0x37: {  	v9 =	vnsel vm11, $0x2000, v9;
	v11 =	vmul.f32 v56, v11;
	[tilespmem:$0x1230] =	vst v10  }
0x38: {  	[tilespmem:$0x1330] =	vst v9  }
0x39: {  	v10 =	vld [tilespmem:$0x11C0];
	[tilespmem:$0x12B0] =	vst v11  }
0x3a: {  	v9 =	vld.idx.msk [tilespmem:v55+s17+$0x0], $0xffff;
	_ =	sdelay $0x1  }
0x3b: {  	v57 =	vld [tilespmem:$0x10D0]  }
0x3c: {  	v11 =	vld [tilespmem:$0x1140];
	_ =	sdelay $0x1  }
0x3d: {  	v9 =	vadd.s32 v9, v10;
	v10 =	vshll.u32 v55, $0x7  }
0x3e: {  	vm12 =	vlt.s32 v9, $0x80;
	v9 =	vadd.s32 v10, v9  }
0x3f: {  	v58 =	vsel vm12, $0x3F800000, v1;
	v10 =	vsel vm12, v9, v10  }
0x40: {  	v9 =	vnsel vm12, $0x2000, v9;
	v11 =	vmul.f32 v58, v11;
	[tilespmem:$0x1240] =	vst v10  }
0x41: {  	[tilespmem:$0x1340] =	vst v9  }
0x42: {  	v10 =	vld [tilespmem:$0x11D0];
	[tilespmem:$0x12C0] =	vst v11  }
0x43: {  	v9 =	vld.idx.msk [tilespmem:v57+s17+$0x0], $0xffff;
	_ =	sdelay $0x1  }
0x44: {  	v59 =	vld [tilespmem:$0x10E0]  }
0x45: {  	v11 =	vld [tilespmem:$0x1150];
	_ =	sdelay $0x1  }
0x46: {  	v9 =	vadd.s32 v9, v10;
	v10 =	vshll.u32 v57, $0x7  }
0x47: {  	vm13 =	vlt.s32 v9, $0x80;
	v9 =	vadd.s32 v10, v9  }
0x48: {  	v60 =	vsel vm13, $0x3F800000, v1;
	v10 =	vsel vm13, v9, v10  }
0x49: {  	v9 =	vnsel vm13, $0x2000, v9;
	v11 =	vmul.f32 v60, v11;
	[tilespmem:$0x1250] =	vst v10  }
0x4a: {  	[tilespmem:$0x1350] =	vst v9  }
0x4b: {  	v10 =	vld [tilespmem:$0x11E0];
	[tilespmem:$0x12D0] =	vst v11  }
0x4c: {  	v9 =	vld.idx.msk [tilespmem:v59+s17+$0x0], $0xffff;
	_ =	sdelay $0x1  }
0x4d: {  	v61 =	vld [tilespmem:$0x10F0]  }
0x4e: {  	v11 =	vld [tilespmem:$0x1160];
	_ =	sdelay $0x1  }
0x4f: {  	v9 =	vadd.s32 v9, v10;
	v10 =	vshll.u32 v59, $0x7  }
0x50: {  	vm14 =	vlt.s32 v9, $0x80;
	v9 =	vadd.s32 v10, v9  }
0x51: {  	v62 =	vsel vm14, $0x3F800000, v1;
	v10 =	vsel vm14, v9, v10  }
0x52: {  	v9 =	vnsel vm14, $0x2000, v9;
	v11 =	vmul.f32 v62, v11;
	[tilespmem:$0x1260] =	vst v10  }
0x53: {  	[tilespmem:$0x1360] =	vst v9  }
0x54: {  	v10 =	vld [tilespmem:$0x11F0];
	[tilespmem:$0x12E0] =	vst v11  }
0x55: {  	v9 =	vld.idx.msk [tilespmem:v61+s17+$0x0], $0xffff;
	_ =	sdelay $0x2  }
0x56: {  	v11 =	vld [tilespmem:$0x1170];
	_ =	sdelay $0x1  }
0x57: {  	v9 =	vadd.s32 v9, v10;
	v10 =	vshll.u32 v61, $0x7  }
0x58: {  	vm15 =	vlt.s32 v9, $0x80;
	v9 =	vadd.s32 v10, v9  }
0x59: {  	v63 =	vsel vm15, $0x3F800000, v1;
	v10 =	vsel vm15, v9, v10  }
0x5a: {  	v9 =	vnsel vm15, $0x2000, v9;
	v11 =	vmul.f32 v63, v11;
	[tilespmem:$0x1270] =	vst v10  }
0x5b: {  	[tilespmem:$0x1370] =	vst v9  }
0x5c: {  	[tilespmem:$0x12F0] =	vst v11  }
0x5d: {  	v9 =	vld.idx.msk [tilespmem:v0+s18+$0x0], $0xffff;
	_ =	sdelay $0x4  }
0x5e: {  	[tilespmem:$0x1380] =	vst v9  }
0x5f: {  	v9 =	vld.idx.msk [tilespmem:v2+s18+$0x0], $0xffff;
	_ =	sdelay $0x4  }
0x60: {  	[tilespmem:$0x13C0] =	vst v9  }
0x61: {  	v9 =	vld.idx.msk [tilespmem:v3+s18+$0x0], $0xffff;
	_ =	sdelay $0x4  }
0x62: {  	[tilespmem:$0x1390] =	vst v9  }
0x63: {  	v9 =	vld.idx.msk [tilespmem:v4+s18+$0x0], $0xffff;
	_ =	sdelay $0x4  }
0x64: {  	[tilespmem:$0x13D0] =	vst v9  }
0x65: {  	v9 =	vld.idx.msk [tilespmem:v5+s18+$0x0], $0xffff;
	_ =	sdelay $0x4  }
0x66: {  	[tilespmem:$0x13A0] =	vst v9  }
0x67: {  	v9 =	vld.idx.msk [tilespmem:v6+s18+$0x0], $0xffff;
	_ =	sdelay $0x4  }
0x68: {  	[tilespmem:$0x13E0] =	vst v9  }
0x69: {  	v9 =	vld.idx.msk [tilespmem:v7+s18+$0x0], $0xffff;
	_ =	sdelay $0x4  }
0x6a: {  	[tilespmem:$0x13B0] =	vst v9  }
0x6b: {  	v9 =	vld.idx.msk [tilespmem:v8+s18+$0x0], $0xffff;
	_ =	sdelay $0x4  }
0x6c: {  	[tilespmem:$0x13F0] =	vst v9  }
0x6d: {  	[hbm4b:s8+s2] =	stream.linear.scatter [tilespmem:s19], [sflag:$0x1], $0x80, $0x38;
	[tilespmem:$0x1400] =	vst v63  }
0x6e: {  	_ =	swait.ge [sflag:s13], $0x80  }
0x6f: {  	[sflag:s13] =	ssyncset.done $0x0  }
0x70: {  	[sflag:s13] =	ssyncadd.s32 $0xFFFFFF80  }
0x71: {  	[hbm4b:s9+s2] =	stream.linear.scatter [tilespmem:s20], [sflag:$0x1], $0x80, $0x38;
	[tilespmem:$0x1400] =	vst v63  }
0x72: {  	_ =	swait.ge [sflag:s13], $0x80  }
0x73: {  	[sflag:s13] =	ssyncset.done $0x0  }
0x74: {  	[sflag:s13] =	ssyncadd.s32 $0xFFFFFF80  }
0x75: {  	[hbm4b:s10+s2] =	stream.linear.scatter [tilespmem:s21], [sflag:$0x1], $0x40, $0x38;
	[tilespmem:$0x1400] =	vst v63  }
0x76: {  	s23 =	sadd.s32 $0x1, s23;
	_ =	swait.ge [sflag:s13], $0x40  }
0x77: {  	p1 =	sne.s32 s23, s12;
	[sflag:s13] =	ssyncset.done $0x0  }
.Ltmp1:
0x78: {  	[sflag:s13] =	ssyncadd.s32 $0xFFFFFFC0;
	(pc) =	sbr.rel @!p1 .LBB2_13-.Ltmp1, $4  }
0x79: {  	[hbm4b:s11+s2] =	stream.linear.scatter [tilespmem:s22], [sflag:$0x1], $0x40, $0x38;
	[tilespmem:$0x1400] =	vst v63  }
0x7a: {  	_ =	swait.ge [sflag:s13], $0x40  }
0x7b: {  	[sflag:s13] =	ssyncset.done $0x0  }
0x7c: {  	[sflag:s13] =	ssyncadd.s32 $0xFFFFFFC0  }
.LBB2_1:
0x7d: {  	[tilespmem:s2], [sflag:$0x1] =	stream.linear.gather [hbm4b:s3+s2], $0x1000, $0x38;
	[tilespmem:$0x1400] =	vst v63  }
0x7e: {  	_ =	swait.ge [sflag:s13], $0x1000  }
0x7f: {  	[sflag:s13] =	ssyncset.done $0x0  }
0x80: {  	[sflag:s13] =	ssyncadd.s32 $0xFFFFF000  }
0x81: {  	[tilespmem:s14], [sflag:$0x1] =	stream.linear.gather [hbm4b:s5+s2], $0x80, $0x38;
	[tilespmem:$0x1400] =	vst v63  }
0x82: {  	_ =	swait.ge [sflag:s13], $0x80  }
0x83: {  	[sflag:s13] =	ssyncset.done $0x0  }
0x84: {  	[sflag:s13] =	ssyncadd.s32 $0xFFFFFF80  }
0x85: {  	[tilespmem:s15], [sflag:$0x1] =	stream.linear.gather [hbm4b:s6+s2], $0x80, $0x38;
	[tilespmem:$0x1400] =	vst v63  }
0x86: {  	_ =	swait.ge [sflag:s13], $0x80  }
0x87: {  	[sflag:s13] =	ssyncset.done $0x0  }
.Ltmp2:
0x88: {  	[sflag:s13] =	ssyncadd.s32 $0xFFFFFF80;
	(pc) =	sbr.rel @!p0 .LBB2_2-.Ltmp2, $4  }
0x89: {  	[tilespmem:s16], [sflag:$0x1] =	stream.linear.gather [hbm4b:s7+s2], $0x80, $0x38;
	[tilespmem:$0x1400] =	vst v63  }
0x8a: {  	_ =	swait.ge [sflag:s13], $0x80  }
0x8b: {  	[sflag:s13] =	ssyncset.done $0x0  }
0x8c: {  	[sflag:s13] =	ssyncadd.s32 $0xFFFFFF80  }
0x8d: {  	p1 =	sne.s32 s4, $0x1  }
.Ltmp3:
0x8e: {  	_ = 	snop;
	(pc) =	sbr.rel @!p1 .LBB2_5-.Ltmp3, $2  }
0x8f: {  	_ =	sdelay $0x2  }
0x90: {  	s24 =	sadd.s32 $0xFFFFFFFF, s4;
	v10 =	vld [tilespmem:s2+$0x0];
	v9 =	vimm.s32 $0x0;
	s25 =	simm.s32 $0x0  }
.LBB2_4:
0x91: {  	p1 =	sne.s32 s24, $0x1  }
.Ltmp4:
0x92: {  	_ = 	snop;
	(pc) =	sbr.rel @p1 .LBB2_4-.Ltmp4, $3  }
0x93: {  	_ =	sdelay $0x1  }
0x94: {  	s24 =	sadd.s32 $0xFFFFFFFF, s24;
	s25 =	sadd.s32 $0x80, s25;
	v9 =	vadd.s32 v9, v10  }
0x95: {  	v10 =	vld [tilespmem:s25+$0x0]  }
.LBB2_5:
0x96: {  	_ = 	snop  }
0x97: {  	p1 =	sne.s32 s4, $0x1  }
.Ltmp5:
0x98: {  	_ = 	snop;
	(pc) =	sbr.rel @!p1 .LBB2_7-.Ltmp5, $4  }
0x99: {  	_ = 	snop  }
0x9a: {  	v9 =	vadd.s32 v9, v10  }
0x9b: {  	s24 =	simm.s32 $0x10;
	[tilespmem:$0x1000] =	vst v9  }
0x9c: {  	s25 =	sadd.s32 $0xFFFFFFFF, s4;
	v10 =	vimm.s32 $0x0;
	v9 =	vimm.s32 $0x0;
	v11 =	vld [tilespmem:s24+$0x0]  }
.LBB2_6:
0x9d: {  	p2 =	sne.s32 s25, $0x1  }
.Ltmp6:
0x9e: {  	_ = 	snop;
	(pc) =	sbr.rel @p2 .LBB2_6-.Ltmp6, $3  }
0x9f: {  	_ =	sdelay $0x1  }
0xa0: {  	s25 =	sadd.s32 $0xFFFFFFFF, s25;
	s24 =	sadd.s32 $0x80, s24;
	v10 =	vadd.s32 v10, v11  }
0xa1: {  	v11 =	vld [tilespmem:s24+$0x0]  }
.LBB2_7:
0xa2: {  	_ =	sdelay $0x1  }
.Ltmp7:
0xa3: {  	_ = 	snop;
	(pc) =	sbr.rel @!p1 .LBB2_9-.Ltmp7, $4  }
0xa4: {  	_ = 	snop  }
0xa5: {  	v10 =	vadd.s32 v10, v11  }
0xa6: {  	s24 =	simm.s32 $0x20;
	[tilespmem:$0x1010] =	vst v10  }
0xa7: {  	s25 =	sadd.s32 $0xFFFFFFFF, s4;
	v10 =	vld [tilespmem:s24+$0x0]  }
.LBB2_8:
0xa8: {  	p2 =	sne.s32 s25, $0x1  }
.Ltmp8:
0xa9: {  	_ = 	snop;
	(pc) =	sbr.rel @p2 .LBB2_8-.Ltmp8, $3  }
0xaa: {  	_ =	sdelay $0x1  }
0xab: {  	s25 =	sadd.s32 $0xFFFFFFFF, s25;
	s24 =	sadd.s32 $0x80, s24;
	v9 =	vadd.s32 v9, v10  }
0xac: {  	v10 =	vld [tilespmem:s24+$0x0]  }
.LBB2_9:
0xad: {  	_ =	sdelay $0x1  }
.Ltmp9:
0xae: {  	_ = 	snop;
	(pc) =	sbr.rel @!p1 .LBB2_11-.Ltmp9, $4  }
0xaf: {  	_ = 	snop  }
0xb0: {  	v9 =	vadd.s32 v9, v10  }
0xb1: {  	s24 =	simm.s32 $0x30;
	[tilespmem:$0x1020] =	vst v9  }
0xb2: {  	s25 =	sadd.s32 $0xFFFFFFFF, s4;
	v9 =	vimm.s32 $0x0;
	v10 =	vld [tilespmem:s24+$0x0]  }
.LBB2_10:
0xb3: {  	p1 =	sne.s32 s25, $0x1  }
.Ltmp10:
0xb4: {  	_ = 	snop;
	(pc) =	sbr.rel @p1 .LBB2_10-.Ltmp10, $3  }
0xb5: {  	_ =	sdelay $0x1  }
0xb6: {  	s25 =	sadd.s32 $0xFFFFFFFF, s25;
	s24 =	sadd.s32 $0x80, s24;
	v9 =	vadd.s32 v9, v10  }
0xb7: {  	v10 =	vld [tilespmem:s24+$0x0]  }
.LBB2_11:
.Ltmp11:
0xb8: {  	_ = 	snop;
	(pc) =	sbr.rel .LBB2_12-.Ltmp11, $2  }
0xb9: {  	_ =	sdelay $0x2  }
0xba: {  	v9 =	vadd.s32 v9, v10  }
.LBB2_13:
0xbb: {  	_ =	sfence.sel $0x180000  }
0xbc: {  	[bflag:$0x0] =	sbarrier.arrive $0xFFFF  }
0xbd: {  	p0 =	sne.s32 s1, $0x0;
	_ =	strace $0x9000004A  }
0xbe: {  	s0 =	sadd.s32 @!p0 $0x100000, s0;
	[bflag:$0x2] =	sbarrier.arrive $0xFFFF  }
0xbf: {  	[sflag:s0] =	ssyncadd.tile.s32 @!p0 $0x1;
	_ =	shalt  }
.Lfunc_end2:
_tile_overlayer_lowered:
.L_overlay_start_2:
0xc0: {  	(tag) =	ssettag $0x2  }
0xc1: {  	s0 =	rddreg [dreg:$0x0];
	s2 =	stileid.u32  }
0xc2: {  	s1 =	rddreg [dreg:$0x1];
	p0 =	sne.s32 s2, $0x0  }
0xc3: {  	s3 =	rddreg [dreg:$0x2];
	[bflag:$0x3] =	sbarrier.arrive $0xFFFF;
	s2 =	simm.s32 @!p0 $0x1C01  }
0xc4: {  	[timem:s3], [sflag:s2] =	dma.local @!p0 [hbm:s0], s1  }
0xc5: {  	s0 =	simm.s32 @!p0 $0x1  }
0xc6: {  	_ =	swait.ge @!p0 [sflag:s0], s1  }
0xc7: {  	s1 =	ssub.s32 @!p0 $0x0, s1;
	[sflag:s0] =	ssyncset.done @!p0 $0x0  }
0xc8: {  	[sflag:s0] =	ssyncadd.s32 @!p0 s1  }
0xc9: {  	[bflag:$0x3] =	sbarrier.arrive $0xFFFF  }
0xca: {  	_ =	shalt  }

// kernel: kernel.15.cloned.1.call-start
scs
__scs_entry_jumppad:
0x0: {  	(pc) =	sbr.rel $0x88, $3  }
0x1: {  	(tag) =	ssettag $0x0;
	lr =	simm.s32 $0x1  }
0x2: {  	[smem:$0x3F99] =	sst lr;
	_ =	strace $0xD0000000  }
0x3: {  	_ = 	snop  }
0x4: {  	_ = 	snop  }
0x5: {  	_ = 	snop  }
0x6: {  	_ = 	snop  }
0x7: {  	_ = 	snop  }
__scs_overlays_trampoline_lowered:
0x8: {  	[smem:$0x3FA8] =	sst s0  }
0x9: {  	[smem:$0x3FA9] =	sst s1  }
0xa: {  	[smem:$0x3FAA] =	sst s2  }
0xb: {  	[smem:$0x3FAB] =	sst s3  }
0xc: {  	[smem:$0x3FAC] =	sst s4  }
0xd: {  	[smem:$0x3FAD] =	sst s5  }
0xe: {  	[smem:$0x3FAE] =	sst s6  }
0xf: {  	[smem:$0x3FAF] =	sst s7  }
0x10: {  	[smem:$0x3FB0] =	sst s8  }
0x11: {  	[smem:$0x3FB1] =	sst s9;
	s0 =	simm.s32 @!p0 $0x0  }
0x12: {  	s1 =	sld [smem:$0x3F97];
	s0 =	simm.s32 @p0 $0x1  }
0x13: {  	[smem:$0x3FB2] =	sst s0;
	s0 =	simm.s32 @!p1 $0x0  }
0x14: {  	s2 =	sld [smem:$0x3F96];
	s0 =	simm.s32 @p1 $0x1  }
0x15: {  	[smem:$0x3FB3] =	sst s0;
	s0 =	simm.s32 @!p2 $0x0  }
0x16: {  	s3 =	sld [smem:$0x3FDB];
	s0 =	simm.s32 @p2 $0x1  }
0x17: {  	s4 =	simm.s32 $0x1BF5;
	[smem:$0x3FB5] =	sst s0  }
0x18: {  	s0 =	sld [smem:$0x3F98];
	_ =	swait.ge [sflag:s4], $0x0  }
0x19: {  	s7 =	sld [smem:$0x3F99]  }
0x1a: {  	s8 =	sadd.s32 $0xFFFFE003, lr  }
0x1b: {  	s9 =	sadd.s32 $0xFFFFFEF7, lr;
	s5 =	simm.s32 $0xFFFFFFFF;
	p2 =	slt.u32 s8, $0xFFFFF086  }
0x1c: {  	p1 =	slt.u32 s9, $0xF7A;
	s5 =	simm.s32 @!p2 $0x0  }
0x1d: {  	s5 =	simm.s32 @p1 $0x1;
	p0 =	seq.s32 s7, s2  }
0x1e: {  	s7 =	smul.u32 @!p0 $0xF7A, s2;
	p2 =	seq.s32 @!p0 s5, $0x0  }
0x1f: {  	s9 =	smul.u32 $0xF7A, s1;
	s8 =	simm.s32 @!p0 $0x1BF5;
	p2 =	por !p2, p0  }
0x20: {  	[sflag:s8] =	ssyncset.s32 @!p0 $0xFFFFF086;
	s6 =	sadd.s32 @!p0 s3, s7;
	s7 =	simm.s32 @!p0 $0x108  }
0x21: {  	s3 =	sadd.s32 s3, s9;
	s6 =	sadd.s32 @!p0 $0x88, s6;
	s7 =	simm.s32 @p2 $0x1082  }
0x22: {  	[simem:s7], [sflag:s8] =	dma.local @!p0 [hbm:s6], $0xF7A  }
0x23: {  	s9 =	sor.u32 $0xD0000000, s2;
	s6 =	simm.s32 $0x108;
	_ =	swait.ge @!p0 [sflag:s8], $0x0  }
0x24: {  	s3 =	sadd.s32 $0x88, s3;
	s6 =	simm.s32 @!p1 $0x1082;
	[sflag:s4] =	ssyncset.s32 $0xFFFFF086  }
0x25: {  	[simem:s6], [sflag:s4] =	dma.local [hbm:s3], $0xF7A  }
0x26: {  	[smem:$0x3F99] =	sst s1;
	(tag) =	ssettag s2;
	_ =	strace s9  }
0x27: {  	s1 =	sld [smem:$0x3FA9]  }
0x28: {  	s2 =	sld [smem:$0x3FAA]  }
0x29: {  	s4 =	sld [smem:$0x3FAC]  }
0x2a: {  	p0 =	seq.s32 s5, $0x0;
	s5 =	sld [smem:$0x3FAD]  }
0x2b: {  	s6 =	sld [smem:$0x3FAE]  }
0x2c: {  	s7 =	sld [smem:$0x3FAF]  }
0x2d: {  	s3 =	simm.s32 $0x108;
	s8 =	sld [smem:$0x3FB0]  }
0x2e: {  	s3 =	simm.s32 @!p0 $0x1082;
	s9 =	sld [smem:$0x3FB1]  }
0x2f: {  	lr =	sadd.s32 s0, s3;
	s0 =	sld [smem:$0x3FA8]  }
0x30: {  	s3 =	sld [smem:$0x3FAB]  }
0x31: {  	[smem:$0x3FB4] =	sst s10  }
0x32: {  	s10 =	sld [smem:$0x3FB2];
	_ =	sdelay $0x3  }
0x33: {  	p0 =	seq.s32 s10, $0x1;
	s10 =	sld [smem:$0x3FB4];
	_ =	sdelay $0x3  }
0x34: {  	[smem:$0x3FB4] =	sst s10  }
0x35: {  	s10 =	sld [smem:$0x3FB3];
	_ =	sdelay $0x3  }
0x36: {  	p1 =	seq.s32 s10, $0x1;
	s10 =	sld [smem:$0x3FB4];
	_ =	sdelay $0x3  }
0x37: {  	[smem:$0x3FB4] =	sst s10  }
0x38: {  	s10 =	sld [smem:$0x3FB5]  }
0x39: {  	_ = 	snop;
	(pc) =	sbr.ind lr, $3  }
0x3a: {  	_ = 	snop  }
0x3b: {  	_ = 	snop  }
0x3c: {  	p2 =	seq.s32 s10, $0x1;
	s10 =	sld [smem:$0x3FB4]  }
0x3d: {  	_ =	shalt  }
0x3e: {  	_ =	shalt  }
0x3f: {  	_ =	shalt  }
0x40: {  	_ =	shalt  }
0x41: {  	_ =	shalt  }
0x42: {  	_ =	shalt  }
0x43: {  	_ =	shalt  }
0x44: {  	_ =	shalt  }
0x45: {  	_ =	shalt  }
0x46: {  	_ =	shalt  }
0x47: {  	_ =	shalt  }
0x48: {  	_ =	shalt  }
0x49: {  	_ =	shalt  }
0x4a: {  	_ =	shalt  }
0x4b: {  	_ =	shalt  }
0x4c: {  	_ =	shalt  }
0x4d: {  	_ =	shalt  }
0x4e: {  	_ =	shalt  }
0x4f: {  	_ =	shalt  }
0x50: {  	_ =	shalt  }
0x51: {  	_ =	shalt  }
0x52: {  	_ =	shalt  }
0x53: {  	_ =	shalt  }
0x54: {  	_ =	shalt  }
0x55: {  	_ =	shalt  }
0x56: {  	_ =	shalt  }
0x57: {  	_ =	shalt  }
0x58: {  	_ =	shalt  }
0x59: {  	_ =	shalt  }
0x5a: {  	_ =	shalt  }
0x5b: {  	_ =	shalt  }
0x5c: {  	_ =	shalt  }
0x5d: {  	_ =	shalt  }
0x5e: {  	_ =	shalt  }
0x5f: {  	_ =	shalt  }
0x60: {  	_ =	shalt  }
0x61: {  	_ =	shalt  }
0x62: {  	_ =	shalt  }
0x63: {  	_ =	shalt  }
0x64: {  	_ =	shalt  }
0x65: {  	_ =	shalt  }
0x66: {  	_ =	shalt  }
0x67: {  	_ =	shalt  }
0x68: {  	_ =	shalt  }
0x69: {  	_ =	shalt  }
0x6a: {  	_ =	shalt  }
0x6b: {  	_ =	shalt  }
0x6c: {  	_ =	shalt  }
0x6d: {  	_ =	shalt  }
0x6e: {  	_ =	shalt  }
0x6f: {  	_ =	shalt  }
0x70: {  	_ =	shalt  }
0x71: {  	_ =	shalt  }
0x72: {  	_ =	shalt  }
0x73: {  	_ =	shalt  }
0x74: {  	_ =	shalt  }
0x75: {  	_ =	shalt  }
0x76: {  	_ =	shalt  }
0x77: {  	_ =	shalt  }
0x78: {  	_ =	shalt  }
0x79: {  	_ =	shalt  }
0x7a: {  	_ =	shalt  }
0x7b: {  	_ =	shalt  }
0x7c: {  	_ =	shalt  }
0x7d: {  	_ =	shalt  }
0x7e: {  	_ =	shalt  }
0x7f: {  	_ =	shalt  }
0x80: {  	_ =	shalt  }
0x81: {  	_ =	shalt  }
0x82: {  	_ =	shalt  }
0x83: {  	_ =	shalt  }
0x84: {  	_ =	shalt  }
0x85: {  	_ =	shalt  }
0x86: {  	_ =	shalt  }
0x87: {  	_ =	shalt  }
.Lfunc_end0:
.L_simem_size_0:
called_computation.2_lowered:
.L_overlay_start_0:
0x88: {  	s2 =	sld [smem:$0x3FD9]  }
0x89: {  	s3 =	sld [smem:$0x3FFE];
	_ =	sdelay $0x1  }
0x8a: {  	s1 =	srdreg.scid  }
0x8b: {  	s0 =	sand.u32 $0x1, s1  }
0x8c: {  	s17 =	sshll.u32 s0, $0xA;
	s2 =	sadd.s32 s3, s2  }
0x8d: {  	s2 =	sadd.s32 s2, s17  }
0x8e: {  	[smem:$0x3FC0] =	sst s2  }
0x8f: {  	_ = 	snop  }
0x90: {  	s2 =	sld [smem:$0x3FC9]  }
0x91: {  	s18 =	sld [smem:$0x3FD0];
	(tm) =	ssettm $0x1  }
0x92: {  	s4 =	sld [smem:$0x3FFB];
	_ =	sdelay $0x3  }
0x93: {  	_ =	strace s4  }
0x94: {  	s4 =	sld [smem:$0x3FFC];
	_ =	sdelay $0x3  }
0x95: {  	_ =	strace s4  }
0x96: {  	s4 =	sld [smem:$0x3FFD];
	_ =	sdelay $0x3  }
0x97: {  	_ =	strace s4  }
0x98: {  	_ =	strace $0x8FFFFFFF  }
0x99: {  	s19 =	sld [smem:$0x3FDB];
	_ =	sdelay $0x1  }
0x9a: {  	s5 =	simm.s32 $_scs_section_size  }
0x9b: {  	s6 =	simm.s32 $_size__tile_overlayer_lowered;
	s7 =	simm.s32 $_tile_overlayer_lowered  }
0x9c: {  	s22 =	simm.s32 $0x1BFF;
	s21 =	sshll.u32 s7, $0x1;
	s4 =	sadd.s32 s5, s19  }
0x9d: {  	s8 =	simm.s32 $0x0;
	s20 =	sshll.u32 s6, $0x1;
	s6 =	sadd.s32 s21, s4  }
0x9e: {  	[timem:s8], [sflag:s22] =	dma.local [hbm:s6], s20  }
0x9f: {  	_ =	swait.ge [sflag:s22], s20  }
0xa0: {  	s5 =	ssub.s32 $0x0, s20;
	[sflag:s22] =	ssyncset.done $0x0  }
0xa1: {  	[sflag:s22] =	ssyncadd.s32 s5;
	_ =	sdelay $0x1  }
0xa2: {  	s23 =	simm.s32 $0x1B8B  }
0xa3: {  	_ =	swait.ge [sflag:s23], $0x1  }
0xa4: {  	[sflag:s23] =	ssyncset.done $0x0  }
0xa5: {  	s25 =	simm.s32 $0x1B8E;
	s24 =	sld [smem:$0x3FFE];
	[sflag:s23] =	ssyncadd.s32 $0xFFFFFFFF  }
0xa6: {  	s26 =	simm.s32 $execute0_lowered;
	[smem:$0x3FD2] =	sst s25  }
0xa7: {  	s6 =	sshll.u32 s26, $0x1;
	_ =	strace $0x8000004C;
	[dreg:$0x1] =	wrdreg $0xFFFFFFFF  }
0xa8: {  	s28 =	simm.s32 $_size_execute0_lowered;
	s4 =	sadd.s32 s4, s6;
	[dreg:$0x0] =	wrdreg $0x0  }
0xa9: {  	s6 =	sshll.u32 s28, $0x1;
	[dreg:$0x2] =	wrdreg s4  }
0xaa: {  	[dreg:$0x3] =	wrdreg s6  }
0xab: {  	[dreg:$0x4] =	wrdreg $0xC0  }
0xac: {  	_ =	task [dreg:s8], $0x5FFFF  }
0xad: {  	[dreg:$0x1] =	wrdreg $0xFFFFFFFF  }
0xae: {  	[dreg:$0x0] =	wrdreg $0x60  }
0xaf: {  	[dreg:$0x2] =	wrdreg s18  }
0xb0: {  	[dreg:$0x3] =	wrdreg s24  }
0xb1: {  	[dreg:$0x4] =	wrdreg s2  }
0xb2: {  	[dreg:$0x5] =	wrdreg $0x9  }
0xb3: {  	_ =	task.clear_ibuf [dreg:s8], $0x6FFFF;
	_ =	strace $0x9000004C  }
0xb4: {  	s29 =	simm.s32 $0x9;
	_ =	strace $0x8000004E  }
0xb5: {  	_ =	swait.ge [sflag:s29], $0x1  }
0xb6: {  	[sflag:s29] =	ssyncadd.s32 $0xFFFFFFFF  }
0xb7: {  	_ =	strace $0x9000004E  }
0xb8: {  	_ =	sfence  }
0xb9: {  	s30 =	sld [smem:$0x0];
	_ =	sdelay $0x2  }
0xba: {  	s31 =	sshll.u32 s1, $0xD;
	s1 =	sshrl.u32 s1, $0x2  }
0xbb: {  	s3 =	sand.u32 $0x4000, s31;
	s1 =	sadd.s32 s1, s30  }
0xbc: {  	s0 =	sor.u32 s3, s0;
	s1 =	sshll.u32 s1, $0x11  }
0xbd: {  	s0 =	sor.u32 s1, s0  }
0xbe: {  	s0 =	sadd.s32 $0x8F2B, s0  }
0xbf: {  	[sflag:s0] =	ssyncadd.remote.s32 $0x1  }
0xc0: {  	_ =	sfence.sel $0xFFFF  }
0xc1: {  	[dreg:$0x0] =	wrdreg $0xFFFFFFFF;
	(pc) =	sbr.abs _section_cstart, $3  }
0xc2: {  	[dreg:$0x1] =	wrdreg $0xFFFFFFFF  }
0xc3: {  	_ =	task.clear_ibuf [dreg:s8], $0x2FFFF;
	_ =	strace $0x9FFFFFFF  }
0xc4: {  	(tm) =	ssettm $0x7FFFFFFF  }
0xc5: {  	_ =	shalt  }
tec
execute0_lowered:
.L_overlay_start_1:
0x0: {  	(tag) =	ssettag $0x1  }
0x1: {  	s0 =	rddreg [dreg:$0x0];
	s1 =	srdreg.scid  }
0x2: {  	s6 =	rddreg [dreg:$0x1];
	s2 =	stileid.u32  }
0x3: {  	s4 =	rddreg [dreg:$0x2];
	s26 =	simm.s32 $0x80;
	s18 =	simm.s32 $0x100  }
0x4: {  	s22 =	simm.s32 $0x1900;
	s23 =	simm.s32 $0x2100;
	s28 =	simm.s32 $0x4100  }
0x5: {  	s29 =	simm.s32 $0x4900;
	s30 =	simm.s32 $0x5100;
	s31 =	simm.s32 $0x5900  }
0x6: {  	s10 =	simm.s32 $0x7100;
	s11 =	simm.s32 $0x7900;
	s12 =	simm.s32 $0x8100  }
0x7: {  	s13 =	simm.s32 $0x8900;
	s14 =	simm.s32 $0x9100;
	s15 =	simm.s32 $0x9900  }
0x8: {  	s16 =	simm.s32 $0xA100;
	s17 =	simm.s32 $0xA900;
	s19 =	simm.s32 $0xB900  }
0x9: {  	s1 =	sand.u32 $0x1, s1;
	s3 =	sshll.u32 s2, $0x7;
	s2 =	simm.s32 $0x0  }
0xa: {  	s5 =	sshll.u32 s1, $0x6;
	[smem:$0x7FF] =	sst s2;
	s1 =	ssub.s32 $0x2, s1  }
0xb: {  	s5 =	sor.u32 s5, s3;
	_ =	strace $0x8000004D;
	s3 =	sadd.s32 $0x3400, s6  }
0xc: {  	s9 =	sshrl.u32 s1, $0x1;
	[dreg:$0x7] =	wrdreg s26;
	s26 =	simm.s32 $0x3900  }
0xd: {  	s7 =	sshrl.u32 s5, $0x3;
	s5 =	sshll.u32 s5, $0x7;
	s1 =	ssub.s32 s1, s9  }
0xe: {  	s9 =	simm.s32 $0xB100;
	s8 =	sadd.s32 s7, s6;
	s0 =	sadd.s32 s0, s7  }
0xf: {  	s25 =	sadd.s32 s4, s5;
	s4 =	sadd.s32 $0x3500, s6;
	s5 =	sadd.s32 $0x3600, s6  }
0x10: {  	v2 =	vlaneseq.u32;
	s6 =	sadd.s32 $0x3700, s6;
	s7 =	smax.u32 s1, $0x1;
	[dreg:$0x4] =	wrdreg s0  }
0x11: {  	vm0 =	vmmov $0xffff;
	v1 =	vshrl.u32 v2, $0x3;
	s24 =	sadd.s32 $0x2E00, s8;
	[dreg:$0x6] =	wrdreg s25;
	s8 =	simm.s32 $0x3  }
0x12: {  	v0 =	vand.u32 $0x7, v2;
	v2 =	vor.u32 $0x8, v2;
	v1 =	vmul.u32 $0x8, v1;
	s25 =	simm.s32 $0x3100;
	[dreg:$0x5] =	wrdreg s24;
	s24 =	simm.s32 $0x2900  }
.LBB2_1:
0x13: {  	s20 =	rddreg [dreg:$0x4]  }
0x14: {  	[tilespmem:s2], [sflag:$0x3] =	stream.linear.gather [hbm4b:s20+s2], $0x40, $0x38;
	[tilespmem:$0x10100] =	vst v63  }
0x15: {  	_ =	swait.ge [sflag:s8], $0x40  }
0x16: {  	s0 =	rddreg [dreg:$0x5];
	[sflag:s8] =	ssyncset.done $0x0  }
0x17: {  	s21 =	rddreg [dreg:$0x7];
	[sflag:s8] =	ssyncadd.s32 $0xFFFFFFC0  }
0x18: {  	[tilespmem:s21], [sflag:$0x3] =	stream.linear.gather [hbm4b:s0+s2], $0x40, $0x38;
	[tilespmem:$0x10100] =	vst v63  }
0x19: {  	_ =	swait.ge [sflag:s8], $0x40  }
0x1a: {  	[sflag:s8] =	ssyncset.done $0x0  }
0x1b: {  	s1 =	rddreg [dreg:$0x6];
	[sflag:s8] =	ssyncadd.s32 $0xFFFFFFC0  }
0x1c: {  	[tilespmem:s18], [sflag:$0x3] =	stream.linear.gather [hbm4b:s1+s2], $0x10000, $0x38;
	[tilespmem:$0x10100] =	vst v63  }
0x1d: {  	_ =	swait.ge [sflag:s8], $0x10000  }
0x1e: {  	[sflag:s8] =	ssyncset.done $0x0  }
0x1f: {  	[sflag:s8] =	ssyncadd.s32 $0xFFFF0000  }
0x20: {  	v3 =	vld [tilespmem:$0x0];
	_ =	sdelay $0x4  }
0x21: {  	v4 =	vshll.u32 v3, $0x3  }
0x22: {  	v3 =	vand.u32 $0x7, v3;
	v4 =	vand.u32 $0xFFFFFFC0, v4  }
0x23: {  	v3 =	vor.u32 v3, v4  }
0x24: {  	v4 =	vperm.xlane v3, v0;
	_ =	sdelay $0x1  }
0x25: {  	v4 =	vadd.s32 v1, v4;
	_ =	sdelay $0x4  }
0x26: {  	[hbm4b:s3+s2] =	stream.indirect_vreg.scatter [tilespmem:s18], [sflag:$0x1], $0x80, v4, vm0, $0xb8;
	[tilespmem:$0x10100] =	vst v63  }
0x27: {  	s20 =	simm.s32 $0x900;
	v3 =	vperm.xlane v3, v2  }
0x28: {  	[hbm4b:s4+s2] =	stream.indirect_vreg.scatter [tilespmem:s20], [sflag:$0x1], $0x80, v4, vm0, $0xb8;
	[tilespmem:$0x10100] =	vst v63  }
0x29: {  	s21 =	simm.s32 $0x1100;
	v3 =	vadd.s32 v1, v3  }
0x2a: {  	[hbm4b:s5+s2] =	stream.indirect_vreg.scatter [tilespmem:s21], [sflag:$0x1], $0x80, v4, vm0, $0xb8;
	[tilespmem:$0x10100] =	vst v63  }
0x2b: {  	_ = 	snop  }
0x2c: {  	[hbm4b:s6+s2] =	stream.indirect_vreg.scatter [tilespmem:s22], [sflag:$0x1], $0x80, v4, vm0, $0xb8;
	[tilespmem:$0x10100] =	vst v63  }
0x2d: {  	_ = 	snop  }
0x2e: {  	[hbm4b:s3+s2] =	stream.indirect_vreg.scatter [tilespmem:s23], [sflag:$0x1], $0x80, v3, vm0, $0xb8;
	[tilespmem:$0x10100] =	vst v63  }
0x2f: {  	_ = 	snop  }
0x30: {  	[hbm4b:s4+s2] =	stream.indirect_vreg.scatter [tilespmem:s24], [sflag:$0x1], $0x80, v3, vm0, $0xb8;
	[tilespmem:$0x10100] =	vst v63  }
0x31: {  	_ = 	snop  }
0x32: {  	[hbm4b:s5+s2] =	stream.indirect_vreg.scatter [tilespmem:s25], [sflag:$0x1], $0x80, v3, vm0, $0xb8;
	[tilespmem:$0x10100] =	vst v63  }
0x33: {  	_ = 	snop  }
0x34: {  	[hbm4b:s6+s2] =	stream.indirect_vreg.scatter [tilespmem:s26], [sflag:$0x1], $0x80, v3, vm0, $0xb8;
	[tilespmem:$0x10100] =	vst v63  }
0x35: {  	v3 =	vld [tilespmem:$0x10];
	_ =	sdelay $0x4  }
0x36: {  	v57 =	vshll.u32 v3, $0x3  }
0x37: {  	v3 =	vand.u32 $0x7, v3;
	v4 =	vand.u32 $0xFFFFFFC0, v57  }
0x38: {  	v3 =	vor.u32 v3, v4  }
0x39: {  	v4 =	vperm.xlane v3, v0;
	_ =	sdelay $0x1  }
0x3a: {  	v4 =	vadd.s32 v1, v4;
	_ =	sdelay $0x4  }
0x3b: {  	[hbm4b:s3+s2] =	stream.indirect_vreg.scatter [tilespmem:s28], [sflag:$0x1], $0x80, v4, vm0, $0xb8;
	[tilespmem:$0x10100] =	vst v63  }
0x3c: {  	v3 =	vperm.xlane v3, v2  }
0x3d: {  	[hbm4b:s4+s2] =	stream.indirect_vreg.scatter [tilespmem:s29], [sflag:$0x1], $0x80, v4, vm0, $0xb8;
	[tilespmem:$0x10100] =	vst v63  }
0x3e: {  	v3 =	vadd.s32 v1, v3  }
0x3f: {  	[hbm4b:s5+s2] =	stream.indirect_vreg.scatter [tilespmem:s30], [sflag:$0x1], $0x80, v4, vm0, $0xb8;
	[tilespmem:$0x10100] =	vst v63  }
0x40: {  	_ = 	snop  }
0x41: {  	[hbm4b:s6+s2] =	stream.indirect_vreg.scatter [tilespmem:s31], [sflag:$0x1], $0x80, v4, vm0, $0xb8;
	[tilespmem:$0x10100] =	vst v63  }
0x42: {  	s1 =	simm.s32 $0x6100  }
0x43: {  	[hbm4b:s3+s2] =	stream.indirect_vreg.scatter [tilespmem:s1], [sflag:$0x1], $0x80, v3, vm0, $0xb8;
	[tilespmem:$0x10100] =	vst v63  }
0x44: {  	s0 =	simm.s32 $0x6900  }
0x45: {  	[hbm4b:s4+s2] =	stream.indirect_vreg.scatter [tilespmem:s0], [sflag:$0x1], $0x80, v3, vm0, $0xb8;
	[tilespmem:$0x10100] =	vst v63  }
0x46: {  	_ = 	snop  }
0x47: {  	[hbm4b:s5+s2] =	stream.indirect_vreg.scatter [tilespmem:s10], [sflag:$0x1], $0x80, v3, vm0, $0xb8;
	[tilespmem:$0x10100] =	vst v63  }
0x48: {  	_ = 	snop  }
0x49: {  	[hbm4b:s6+s2] =	stream.indirect_vreg.scatter [tilespmem:s11], [sflag:$0x1], $0x80, v3, vm0, $0xb8;
	[tilespmem:$0x10100] =	vst v63  }
0x4a: {  	v3 =	vld [tilespmem:$0x20];
	_ =	sdelay $0x4  }
0x4b: {  	v58 =	vshll.u32 v3, $0x3  }
0x4c: {  	v3 =	vand.u32 $0x7, v3;
	v4 =	vand.u32 $0xFFFFFFC0, v58  }
0x4d: {  	v3 =	vor.u32 v3, v4  }
0x4e: {  	v4 =	vperm.xlane v3, v0;
	_ =	sdelay $0x1  }
0x4f: {  	v4 =	vadd.s32 v1, v4;
	_ =	sdelay $0x4  }
0x50: {  	[hbm4b:s3+s2] =	stream.indirect_vreg.scatter [tilespmem:s12], [sflag:$0x1], $0x80, v4, vm0, $0xb8;
	[tilespmem:$0x10100] =	vst v63  }
0x51: {  	v3 =	vperm.xlane v3, v2  }
0x52: {  	[hbm4b:s4+s2] =	stream.indirect_vreg.scatter [tilespmem:s13], [sflag:$0x1], $0x80, v4, vm0, $0xb8;
	[tilespmem:$0x10100] =	vst v63  }
0x53: {  	v3 =	vadd.s32 v1, v3  }
0x54: {  	[hbm4b:s5+s2] =	stream.indirect_vreg.scatter [tilespmem:s14], [sflag:$0x1], $0x80, v4, vm0, $0xb8;
	[tilespmem:$0x10100] =	vst v63  }
0x55: {  	_ = 	snop  }
0x56: {  	[hbm4b:s6+s2] =	stream.indirect_vreg.scatter [tilespmem:s15], [sflag:$0x1], $0x80, v4, vm0, $0xb8;
	[tilespmem:$0x10100] =	vst v63  }
0x57: {  	_ = 	snop  }
0x58: {  	[hbm4b:s3+s2] =	stream.indirect_vreg.scatter [tilespmem:s16], [sflag:$0x1], $0x80, v3, vm0, $0xb8;
	[tilespmem:$0x10100] =	vst v63  }
0x59: {  	_ = 	snop  }
0x5a: {  	[hbm4b:s4+s2] =	stream.indirect_vreg.scatter [tilespmem:s17], [sflag:$0x1], $0x80, v3, vm0, $0xb8;
	[tilespmem:$0x10100] =	vst v63  }
0x5b: {  	_ = 	snop  }
0x5c: {  	[hbm4b:s5+s2] =	stream.indirect_vreg.scatter [tilespmem:s9], [sflag:$0x1], $0x80, v3, vm0, $0xb8;
	[tilespmem:$0x10100] =	vst v63  }
0x5d: {  	_ = 	snop  }
0x5e: {  	[hbm4b:s6+s2] =	stream.indirect_vreg.scatter [tilespmem:s19], [sflag:$0x1], $0x80, v3, vm0, $0xb8;
	[tilespmem:$0x10100] =	vst v63  }
0x5f: {  	v3 =	vld [tilespmem:$0x30];
	_ =	sdelay $0x4  }
0x60: {  	v59 =	vshll.u32 v3, $0x3  }
0x61: {  	v3 =	vand.u32 $0x7, v3;
	v4 =	vand.u32 $0xFFFFFFC0, v59  }
0x62: {  	v3 =	vor.u32 v3, v4  }
0x63: {  	v4 =	vperm.xlane v3, v0;
	_ =	sdelay $0x1  }
0x64: {  	v4 =	vadd.s32 v1, v4;
	_ =	sdelay $0x3  }
0x65: {  	s0 =	simm.s32 $0xC100  }
0x66: {  	[hbm4b:s3+s2] =	stream.indirect_vreg.scatter [tilespmem:s0], [sflag:$0x1], $0x80, v4, vm0, $0xb8;
	[tilespmem:$0x10100] =	vst v63  }
0x67: {  	v3 =	vperm.xlane v3, v2;
	s0 =	simm.s32 $0xC900  }
0x68: {  	[hbm4b:s4+s2] =	stream.indirect_vreg.scatter [tilespmem:s0], [sflag:$0x1], $0x80, v4, vm0, $0xb8;
	[tilespmem:$0x10100] =	vst v63  }
0x69: {  	v3 =	vadd.s32 v1, v3;
	s0 =	simm.s32 $0xD100  }
0x6a: {  	[hbm4b:s5+s2] =	stream.indirect_vreg.scatter [tilespmem:s0], [sflag:$0x1], $0x80, v4, vm0, $0xb8;
	[tilespmem:$0x10100] =	vst v63  }
0x6b: {  	s0 =	simm.s32 $0xD900  }
0x6c: {  	[hbm4b:s6+s2] =	stream.indirect_vreg.scatter [tilespmem:s0], [sflag:$0x1], $0x80, v4, vm0, $0xb8;
	[tilespmem:$0x10100] =	vst v63  }
0x6d: {  	s0 =	simm.s32 $0xE100  }
0x6e: {  	[hbm4b:s3+s2] =	stream.indirect_vreg.scatter [tilespmem:s0], [sflag:$0x1], $0x80, v3, vm0, $0xb8;
	[tilespmem:$0x10100] =	vst v63  }
0x6f: {  	s0 =	simm.s32 $0xE900  }
0x70: {  	[hbm4b:s4+s2] =	stream.indirect_vreg.scatter [tilespmem:s0], [sflag:$0x1], $0x80, v3, vm0, $0xb8;
	[tilespmem:$0x10100] =	vst v63  }
0x71: {  	s0 =	simm.s32 $0xF100  }
0x72: {  	[hbm4b:s5+s2] =	stream.indirect_vreg.scatter [tilespmem:s0], [sflag:$0x1], $0x80, v3, vm0, $0xb8;
	[tilespmem:$0x10100] =	vst v63  }
0x73: {  	s0 =	simm.s32 $0xF900  }
0x74: {  	[hbm4b:s6+s2] =	stream.indirect_vreg.scatter [tilespmem:s0], [sflag:$0x1], $0x80, v3, vm0, $0xb8;
	[tilespmem:$0x10100] =	vst v63  }
0x75: {  	v3 =	vld [tilespmem:$0x80];
	_ =	sdelay $0x4  }
0x76: {  	v60 =	vshll.u32 v3, $0x3  }
0x77: {  	v3 =	vand.u32 $0x7, v3;
	v4 =	vand.u32 $0xFFFFFFC0, v60  }
0x78: {  	v3 =	vor.u32 v3, v4  }
0x79: {  	v4 =	vperm.xlane v3, v0;
	_ =	sdelay $0x1  }
0x7a: {  	v4 =	vadd.s32 v1, v4;
	_ =	sdelay $0x4  }
0x7b: {  	[hbm4b:s3+s2] =	stream.indirect_vreg.scatter [tilespmem:s18], [sflag:$0x2], $0x80, v4, vm0, $0xb8;
	[tilespmem:$0x10100] =	vst v63  }
0x7c: {  	v3 =	vperm.xlane v3, v2  }
0x7d: {  	[hbm4b:s4+s2] =	stream.indirect_vreg.scatter [tilespmem:s20], [sflag:$0x2], $0x80, v4, vm0, $0xb8;
	[tilespmem:$0x10100] =	vst v63  }
0x7e: {  	v3 =	vadd.s32 v1, v3  }
0x7f: {  	[hbm4b:s5+s2] =	stream.indirect_vreg.scatter [tilespmem:s21], [sflag:$0x2], $0x80, v4, vm0, $0xb8;
	[tilespmem:$0x10100] =	vst v63  }
0x80: {  	_ = 	snop  }
0x81: {  	[hbm4b:s6+s2] =	stream.indirect_vreg.scatter [tilespmem:s22], [sflag:$0x2], $0x80, v4, vm0, $0xb8;
	[tilespmem:$0x10100] =	vst v63  }
0x82: {  	_ = 	snop  }
0x83: {  	[hbm4b:s3+s2] =	stream.indirect_vreg.scatter [tilespmem:s23], [sflag:$0x2], $0x80, v3, vm0, $0xb8;
	[tilespmem:$0x10100] =	vst v63  }
0x84: {  	_ = 	snop  }
0x85: {  	[hbm4b:s4+s2] =	stream.indirect_vreg.scatter [tilespmem:s24], [sflag:$0x2], $0x80, v3, vm0, $0xb8;
	[tilespmem:$0x10100] =	vst v63  }
0x86: {  	_ = 	snop  }
0x87: {  	[hbm4b:s5+s2] =	stream.indirect_vreg.scatter [tilespmem:s25], [sflag:$0x2], $0x80, v3, vm0, $0xb8;
	[tilespmem:$0x10100] =	vst v63  }
0x88: {  	_ = 	snop  }
0x89: {  	[hbm4b:s6+s2] =	stream.indirect_vreg.scatter [tilespmem:s26], [sflag:$0x2], $0x80, v3, vm0, $0xb8;
	[tilespmem:$0x10100] =	vst v63  }
0x8a: {  	v3 =	vld [tilespmem:$0x90];
	_ =	sdelay $0x4  }
0x8b: {  	v61 =	vshll.u32 v3, $0x3  }
0x8c: {  	v3 =	vand.u32 $0x7, v3;
	v4 =	vand.u32 $0xFFFFFFC0, v61  }
0x8d: {  	v3 =	vor.u32 v3, v4  }
0x8e: {  	v4 =	vperm.xlane v3, v0;
	_ =	sdelay $0x1  }
0x8f: {  	v4 =	vadd.s32 v1, v4;
	_ =	sdelay $0x4  }
0x90: {  	[hbm4b:s3+s2] =	stream.indirect_vreg.scatter [tilespmem:s28], [sflag:$0x2], $0x80, v4, vm0, $0xb8;
	[tilespmem:$0x10100] =	vst v63  }
0x91: {  	v3 =	vperm.xlane v3, v2  }
0x92: {  	[hbm4b:s4+s2] =	stream.indirect_vreg.scatter [tilespmem:s29], [sflag:$0x2], $0x80, v4, vm0, $0xb8;
	[tilespmem:$0x10100] =	vst v63  }
0x93: {  	v3 =	vadd.s32 v1, v3  }
0x94: {  	[hbm4b:s5+s2] =	stream.indirect_vreg.scatter [tilespmem:s30], [sflag:$0x2], $0x80, v4, vm0, $0xb8;
	[tilespmem:$0x10100] =	vst v63  }
0x95: {  	_ = 	snop  }
0x96: {  	[hbm4b:s6+s2] =	stream.indirect_vreg.scatter [tilespmem:s31], [sflag:$0x2], $0x80, v4, vm0, $0xb8;
	[tilespmem:$0x10100] =	vst v63  }
0x97: {  	_ = 	snop  }
0x98: {  	[hbm4b:s3+s2] =	stream.indirect_vreg.scatter [tilespmem:s1], [sflag:$0x2], $0x80, v3, vm0, $0xb8;
	[tilespmem:$0x10100] =	vst v63  }
0x99: {  	s20 =	simm.s32 $0x6900  }
0x9a: {  	[hbm4b:s4+s2] =	stream.indirect_vreg.scatter [tilespmem:s20], [sflag:$0x2], $0x80, v3, vm0, $0xb8;
	[tilespmem:$0x10100] =	vst v63  }
0x9b: {  	_ = 	snop  }
0x9c: {  	[hbm4b:s5+s2] =	stream.indirect_vreg.scatter [tilespmem:s10], [sflag:$0x2], $0x80, v3, vm0, $0xb8;
	[tilespmem:$0x10100] =	vst v63  }
0x9d: {  	_ = 	snop  }
0x9e: {  	[hbm4b:s6+s2] =	stream.indirect_vreg.scatter [tilespmem:s11], [sflag:$0x2], $0x80, v3, vm0, $0xb8;
	[tilespmem:$0x10100] =	vst v63  }
0x9f: {  	v3 =	vld [tilespmem:$0xA0];
	_ =	sdelay $0x4  }
0xa0: {  	v62 =	vshll.u32 v3, $0x3  }
0xa1: {  	v3 =	vand.u32 $0x7, v3;
	v4 =	vand.u32 $0xFFFFFFC0, v62  }
0xa2: {  	v3 =	vor.u32 v3, v4  }
0xa3: {  	v4 =	vperm.xlane v3, v0;
	_ =	sdelay $0x1  }
0xa4: {  	v4 =	vadd.s32 v1, v4;
	_ =	sdelay $0x4  }
0xa5: {  	[hbm4b:s3+s2] =	stream.indirect_vreg.scatter [tilespmem:s12], [sflag:$0x2], $0x80, v4, vm0, $0xb8;
	[tilespmem:$0x10100] =	vst v63  }
0xa6: {  	v3 =	vperm.xlane v3, v2  }
0xa7: {  	[hbm4b:s4+s2] =	stream.indirect_vreg.scatter [tilespmem:s13], [sflag:$0x2], $0x80, v4, vm0, $0xb8;
	[tilespmem:$0x10100] =	vst v63  }
0xa8: {  	v3 =	vadd.s32 v1, v3  }
0xa9: {  	[hbm4b:s5+s2] =	stream.indirect_vreg.scatter [tilespmem:s14], [sflag:$0x2], $0x80, v4, vm0, $0xb8;
	[tilespmem:$0x10100] =	vst v63  }
0xaa: {  	_ = 	snop  }
0xab: {  	[hbm4b:s6+s2] =	stream.indirect_vreg.scatter [tilespmem:s15], [sflag:$0x2], $0x80, v4, vm0, $0xb8;
	[tilespmem:$0x10100] =	vst v63  }
0xac: {  	_ = 	snop  }
0xad: {  	[hbm4b:s3+s2] =	stream.indirect_vreg.scatter [tilespmem:s16], [sflag:$0x2], $0x80, v3, vm0, $0xb8;
	[tilespmem:$0x10100] =	vst v63  }
0xae: {  	_ = 	snop  }
0xaf: {  	[hbm4b:s4+s2] =	stream.indirect_vreg.scatter [tilespmem:s17], [sflag:$0x2], $0x80, v3, vm0, $0xb8;
	[tilespmem:$0x10100] =	vst v63  }
0xb0: {  	_ = 	snop  }
0xb1: {  	[hbm4b:s5+s2] =	stream.indirect_vreg.scatter [tilespmem:s9], [sflag:$0x2], $0x80, v3, vm0, $0xb8;
	[tilespmem:$0x10100] =	vst v63  }
0xb2: {  	_ = 	snop  }
0xb3: {  	[hbm4b:s6+s2] =	stream.indirect_vreg.scatter [tilespmem:s19], [sflag:$0x2], $0x80, v3, vm0, $0xb8;
	[tilespmem:$0x10100] =	vst v63  }
0xb4: {  	v3 =	vld [tilespmem:$0xB0];
	_ =	sdelay $0x4  }
0xb5: {  	v63 =	vshll.u32 v3, $0x3  }
0xb6: {  	v3 =	vand.u32 $0x7, v3;
	v4 =	vand.u32 $0xFFFFFFC0, v63  }
0xb7: {  	v3 =	vor.u32 v3, v4  }
0xb8: {  	v4 =	vperm.xlane v3, v0;
	_ =	sdelay $0x1  }
0xb9: {  	v4 =	vadd.s32 v1, v4;
	_ =	sdelay $0x3  }
0xba: {  	s21 =	simm.s32 $0xC100  }
0xbb: {  	[hbm4b:s3+s2] =	stream.indirect_vreg.scatter [tilespmem:s21], [sflag:$0x2], $0x80, v4, vm0, $0xb8;
	[tilespmem:$0x10100] =	vst v63  }
0xbc: {  	s20 =	simm.s32 $0xC900;
	v3 =	vperm.xlane v3, v2  }
0xbd: {  	[hbm4b:s4+s2] =	stream.indirect_vreg.scatter [tilespmem:s20], [sflag:$0x2], $0x80, v4, vm0, $0xb8;
	[tilespmem:$0x10100] =	vst v63  }
0xbe: {  	v3 =	vadd.s32 v1, v3;
	s21 =	simm.s32 $0xD100  }
0xbf: {  	[hbm4b:s5+s2] =	stream.indirect_vreg.scatter [tilespmem:s21], [sflag:$0x2], $0x80, v4, vm0, $0xb8;
	[tilespmem:$0x10100] =	vst v63  }
0xc0: {  	s20 =	simm.s32 $0xD900  }
0xc1: {  	[hbm4b:s6+s2] =	stream.indirect_vreg.scatter [tilespmem:s20], [sflag:$0x2], $0x80, v4, vm0, $0xb8;
	[tilespmem:$0x10100] =	vst v63  }
0xc2: {  	s21 =	simm.s32 $0xE100  }
0xc3: {  	[hbm4b:s3+s2] =	stream.indirect_vreg.scatter [tilespmem:s21], [sflag:$0x2], $0x80, v3, vm0, $0xb8;
	[tilespmem:$0x10100] =	vst v63  }
0xc4: {  	s20 =	simm.s32 $0xE900  }
0xc5: {  	[hbm4b:s4+s2] =	stream.indirect_vreg.scatter [tilespmem:s20], [sflag:$0x2], $0x80, v3, vm0, $0xb8;
	[tilespmem:$0x10100] =	vst v63  }
0xc6: {  	s21 =	simm.s32 $0xF100  }
0xc7: {  	[hbm4b:s5+s2] =	stream.indirect_vreg.scatter [tilespmem:s21], [sflag:$0x2], $0x80, v3, vm0, $0xb8;
	[tilespmem:$0x10100] =	vst v63  }
0xc8: {  	s20 =	simm.s32 $0x1  }
0xc9: {  	[hbm4b:s6+s2] =	stream.indirect_vreg.scatter [tilespmem:s0], [sflag:$0x2], $0x80, v3, vm0, $0xb8;
	[tilespmem:$0x10100] =	vst v63  }
0xca: {  	p0 =	sne.s32 s7, $0x1;
	_ =	swait.ge [sflag:s20], $0x10000  }
.Ltmp0:
0xcb: {  	[sflag:s20] =	ssyncset.done $0x0;
	(pc) =	sbr.rel @p0 .LBB2_1-.Ltmp0, $4  }
0xcc: {  	s21 =	simm.s32 $0x2;
	[sflag:s20] =	ssyncadd.s32 $0xFFFF0000  }
0xcd: {  	_ =	swait.ge [sflag:s21], $0x10000  }
0xce: {  	[sflag:s21] =	ssyncset.done $0x0  }
0xcf: {  	s7 =	sadd.s32 $0xFFFFFFFF, s7;
	[sflag:s21] =	ssyncadd.s32 $0xFFFF0000  }
0xd0: {  	_ =	sfence.sel $0x180000  }
0xd1: {  	[bflag:$0x0] =	sbarrier.arrive $0xFFFF  }
0xd2: {  	_ =	strace $0x9000004D  }
0xd3: {  	s0 =	stileid.u32;
	[bflag:$0x2] =	sbarrier.arrive $0xFFFF  }
0xd4: {  	p0 =	sne.s32 s0, $0x0;
	s0 =	rddreg [dreg:$0x3]  }
0xd5: {  	s0 =	sadd.s32 @!p0 $0x100000, s0  }
0xd6: {  	[sflag:s0] =	ssyncadd.tile.s32 @!p0 $0x1;
	_ =	shalt  }
.Lfunc_end2:
_tile_overlayer_lowered:
.L_overlay_start_2:
0xd7: {  	(tag) =	ssettag $0x2  }
0xd8: {  	s0 =	rddreg [dreg:$0x0];
	s2 =	stileid.u32  }
0xd9: {  	s1 =	rddreg [dreg:$0x1];
	p0 =	sne.s32 s2, $0x0  }
0xda: {  	s3 =	rddreg [dreg:$0x2];
	[bflag:$0x3] =	sbarrier.arrive $0xFFFF;
	s2 =	simm.s32 @!p0 $0x1C03  }
0xdb: {  	[timem:s3], [sflag:s2] =	dma.local @!p0 [hbm:s0], s1  }
0xdc: {  	s0 =	simm.s32 @!p0 $0x3  }
0xdd: {  	_ =	swait.ge @!p0 [sflag:s0], s1  }
0xde: {  	s1 =	ssub.s32 @!p0 $0x0, s1;
	[sflag:s0] =	ssyncset.done @!p0 $0x0  }
0xdf: {  	[sflag:s0] =	ssyncadd.s32 @!p0 s1  }
0xe0: {  	[bflag:$0x3] =	sbarrier.arrive $0xFFFF  }
0xe1: {  	_ =	shalt  }

// kernel: kernel.18.cloned.1.call-start
scs
__scs_entry_jumppad:
0x0: {  	(pc) =	sbr.rel $0x88, $3  }
0x1: {  	(tag) =	ssettag $0x0;
	lr =	simm.s32 $0x1  }
0x2: {  	[smem:$0x3F99] =	sst lr;
	_ =	strace $0xD0000000  }
0x3: {  	_ = 	snop  }
0x4: {  	_ = 	snop  }
0x5: {  	_ = 	snop  }
0x6: {  	_ = 	snop  }
0x7: {  	_ = 	snop  }
__scs_overlays_trampoline_lowered:
0x8: {  	[smem:$0x3FA8] =	sst s0  }
0x9: {  	[smem:$0x3FA9] =	sst s1  }
0xa: {  	[smem:$0x3FAA] =	sst s2  }
0xb: {  	[smem:$0x3FAB] =	sst s3  }
0xc: {  	[smem:$0x3FAC] =	sst s4  }
0xd: {  	[smem:$0x3FAD] =	sst s5  }
0xe: {  	[smem:$0x3FAE] =	sst s6  }
0xf: {  	[smem:$0x3FAF] =	sst s7  }
0x10: {  	[smem:$0x3FB0] =	sst s8  }
0x11: {  	[smem:$0x3FB1] =	sst s9;
	s0 =	simm.s32 @!p0 $0x0  }
0x12: {  	s1 =	sld [smem:$0x3F97];
	s0 =	simm.s32 @p0 $0x1  }
0x13: {  	[smem:$0x3FB2] =	sst s0;
	s0 =	simm.s32 @!p1 $0x0  }
0x14: {  	s2 =	sld [smem:$0x3F96];
	s0 =	simm.s32 @p1 $0x1  }
0x15: {  	[smem:$0x3FB3] =	sst s0;
	s0 =	simm.s32 @!p2 $0x0  }
0x16: {  	s3 =	sld [smem:$0x3FDB];
	s0 =	simm.s32 @p2 $0x1  }
0x17: {  	s4 =	simm.s32 $0x1BF5;
	[smem:$0x3FB5] =	sst s0  }
0x18: {  	s0 =	sld [smem:$0x3F98];
	_ =	swait.ge [sflag:s4], $0x0  }
0x19: {  	s7 =	sld [smem:$0x3F99]  }
0x1a: {  	s8 =	sadd.s32 $0xFFFFE003, lr  }
0x1b: {  	s9 =	sadd.s32 $0xFFFFFEF7, lr;
	s5 =	simm.s32 $0xFFFFFFFF;
	p2 =	slt.u32 s8, $0xFFFFF086  }
0x1c: {  	p1 =	slt.u32 s9, $0xF7A;
	s5 =	simm.s32 @!p2 $0x0  }
0x1d: {  	s5 =	simm.s32 @p1 $0x1;
	p0 =	seq.s32 s7, s2  }
0x1e: {  	s7 =	smul.u32 @!p0 $0xF7A, s2;
	p2 =	seq.s32 @!p0 s5, $0x0  }
0x1f: {  	s9 =	smul.u32 $0xF7A, s1;
	s8 =	simm.s32 @!p0 $0x1BF5;
	p2 =	por !p2, p0  }
0x20: {  	[sflag:s8] =	ssyncset.s32 @!p0 $0xFFFFF086;
	s6 =	sadd.s32 @!p0 s3, s7;
	s7 =	simm.s32 @!p0 $0x108  }
0x21: {  	s3 =	sadd.s32 s3, s9;
	s6 =	sadd.s32 @!p0 $0x88, s6;
	s7 =	simm.s32 @p2 $0x1082  }
0x22: {  	[simem:s7], [sflag:s8] =	dma.local @!p0 [hbm:s6], $0xF7A  }
0x23: {  	s9 =	sor.u32 $0xD0000000, s2;
	s6 =	simm.s32 $0x108;
	_ =	swait.ge @!p0 [sflag:s8], $0x0  }
0x24: {  	s3 =	sadd.s32 $0x88, s3;
	s6 =	simm.s32 @!p1 $0x1082;
	[sflag:s4] =	ssyncset.s32 $0xFFFFF086  }
0x25: {  	[simem:s6], [sflag:s4] =	dma.local [hbm:s3], $0xF7A  }
0x26: {  	[smem:$0x3F99] =	sst s1;
	(tag) =	ssettag s2;
	_ =	strace s9  }
0x27: {  	s1 =	sld [smem:$0x3FA9]  }
0x28: {  	s2 =	sld [smem:$0x3FAA]  }
0x29: {  	s4 =	sld [smem:$0x3FAC]  }
0x2a: {  	p0 =	seq.s32 s5, $0x0;
	s5 =	sld [smem:$0x3FAD]  }
0x2b: {  	s6 =	sld [smem:$0x3FAE]  }
0x2c: {  	s7 =	sld [smem:$0x3FAF]  }
0x2d: {  	s3 =	simm.s32 $0x108;
	s8 =	sld [smem:$0x3FB0]  }
0x2e: {  	s3 =	simm.s32 @!p0 $0x1082;
	s9 =	sld [smem:$0x3FB1]  }
0x2f: {  	lr =	sadd.s32 s0, s3;
	s0 =	sld [smem:$0x3FA8]  }
0x30: {  	s3 =	sld [smem:$0x3FAB]  }
0x31: {  	[smem:$0x3FB4] =	sst s10  }
0x32: {  	s10 =	sld [smem:$0x3FB2];
	_ =	sdelay $0x3  }
0x33: {  	p0 =	seq.s32 s10, $0x1;
	s10 =	sld [smem:$0x3FB4];
	_ =	sdelay $0x3  }
0x34: {  	[smem:$0x3FB4] =	sst s10  }
0x35: {  	s10 =	sld [smem:$0x3FB3];
	_ =	sdelay $0x3  }
0x36: {  	p1 =	seq.s32 s10, $0x1;
	s10 =	sld [smem:$0x3FB4];
	_ =	sdelay $0x3  }
0x37: {  	[smem:$0x3FB4] =	sst s10  }
0x38: {  	s10 =	sld [smem:$0x3FB5]  }
0x39: {  	_ = 	snop;
	(pc) =	sbr.ind lr, $3  }
0x3a: {  	_ = 	snop  }
0x3b: {  	_ = 	snop  }
0x3c: {  	p2 =	seq.s32 s10, $0x1;
	s10 =	sld [smem:$0x3FB4]  }
0x3d: {  	_ =	shalt  }
0x3e: {  	_ =	shalt  }
0x3f: {  	_ =	shalt  }
0x40: {  	_ =	shalt  }
0x41: {  	_ =	shalt  }
0x42: {  	_ =	shalt  }
0x43: {  	_ =	shalt  }
0x44: {  	_ =	shalt  }
0x45: {  	_ =	shalt  }
0x46: {  	_ =	shalt  }
0x47: {  	_ =	shalt  }
0x48: {  	_ =	shalt  }
0x49: {  	_ =	shalt  }
0x4a: {  	_ =	shalt  }
0x4b: {  	_ =	shalt  }
0x4c: {  	_ =	shalt  }
0x4d: {  	_ =	shalt  }
0x4e: {  	_ =	shalt  }
0x4f: {  	_ =	shalt  }
0x50: {  	_ =	shalt  }
0x51: {  	_ =	shalt  }
0x52: {  	_ =	shalt  }
0x53: {  	_ =	shalt  }
0x54: {  	_ =	shalt  }
0x55: {  	_ =	shalt  }
0x56: {  	_ =	shalt  }
0x57: {  	_ =	shalt  }
0x58: {  	_ =	shalt  }
0x59: {  	_ =	shalt  }
0x5a: {  	_ =	shalt  }
0x5b: {  	_ =	shalt  }
0x5c: {  	_ =	shalt  }
0x5d: {  	_ =	shalt  }
0x5e: {  	_ =	shalt  }
0x5f: {  	_ =	shalt  }
0x60: {  	_ =	shalt  }
0x61: {  	_ =	shalt  }
0x62: {  	_ =	shalt  }
0x63: {  	_ =	shalt  }
0x64: {  	_ =	shalt  }
0x65: {  	_ =	shalt  }
0x66: {  	_ =	shalt  }
0x67: {  	_ =	shalt  }
0x68: {  	_ =	shalt  }
0x69: {  	_ =	shalt  }
0x6a: {  	_ =	shalt  }
0x6b: {  	_ =	shalt  }
0x6c: {  	_ =	shalt  }
0x6d: {  	_ =	shalt  }
0x6e: {  	_ =	shalt  }
0x6f: {  	_ =	shalt  }
0x70: {  	_ =	shalt  }
0x71: {  	_ =	shalt  }
0x72: {  	_ =	shalt  }
0x73: {  	_ =	shalt  }
0x74: {  	_ =	shalt  }
0x75: {  	_ =	shalt  }
0x76: {  	_ =	shalt  }
0x77: {  	_ =	shalt  }
0x78: {  	_ =	shalt  }
0x79: {  	_ =	shalt  }
0x7a: {  	_ =	shalt  }
0x7b: {  	_ =	shalt  }
0x7c: {  	_ =	shalt  }
0x7d: {  	_ =	shalt  }
0x7e: {  	_ =	shalt  }
0x7f: {  	_ =	shalt  }
0x80: {  	_ =	shalt  }
0x81: {  	_ =	shalt  }
0x82: {  	_ =	shalt  }
0x83: {  	_ =	shalt  }
0x84: {  	_ =	shalt  }
0x85: {  	_ =	shalt  }
0x86: {  	_ =	shalt  }
0x87: {  	_ =	shalt  }
.Lfunc_end0:
.L_simem_size_0:
called_computation.3_lowered:
.L_overlay_start_0:
0x88: {  	s2 =	sld [smem:$0x3FD9]  }
0x89: {  	s3 =	sld [smem:$0x3FFE];
	_ =	sdelay $0x1  }
0x8a: {  	s1 =	srdreg.scid  }
0x8b: {  	s0 =	sand.u32 $0x1, s1  }
0x8c: {  	s17 =	sshll.u32 s0, $0xA;
	s2 =	sadd.s32 s3, s2  }
0x8d: {  	s2 =	sadd.s32 s2, s17  }
0x8e: {  	[smem:$0x3FC0] =	sst s2  }
0x8f: {  	_ = 	snop  }
0x90: {  	s2 =	sld [smem:$0x3FD0];
	(tm) =	ssettm $0x1  }
0x91: {  	s18 =	sld [smem:$0x3FFB];
	_ =	sdelay $0x3  }
0x92: {  	_ =	strace s18  }
0x93: {  	s3 =	sld [smem:$0x3FFC];
	_ =	sdelay $0x3  }
0x94: {  	_ =	strace s3  }
0x95: {  	s3 =	sld [smem:$0x3FFD];
	_ =	sdelay $0x3  }
0x96: {  	_ =	strace s3  }
0x97: {  	_ =	strace $0x8FFFFFFF  }
0x98: {  	s19 =	sld [smem:$0x3FDB];
	_ =	sdelay $0x1  }
0x99: {  	s4 =	simm.s32 $_scs_section_size  }
0x9a: {  	s5 =	simm.s32 $_size__tile_overlayer_lowered;
	s6 =	simm.s32 $_tile_overlayer_lowered  }
0x9b: {  	s22 =	simm.s32 $0x1BFF;
	s21 =	sshll.u32 s6, $0x1;
	s3 =	sadd.s32 s4, s19  }
0x9c: {  	s7 =	simm.s32 $0x0;
	s20 =	sshll.u32 s5, $0x1;
	s5 =	sadd.s32 s21, s3  }
0x9d: {  	[timem:s7], [sflag:s22] =	dma.local [hbm:s5], s20  }
0x9e: {  	_ =	swait.ge [sflag:s22], s20  }
0x9f: {  	s4 =	ssub.s32 $0x0, s20;
	[sflag:s22] =	ssyncset.done $0x0  }
0xa0: {  	[sflag:s22] =	ssyncadd.s32 s4;
	_ =	sdelay $0x1  }
0xa1: {  	s23 =	simm.s32 $0x1B8B  }
0xa2: {  	_ =	swait.ge [sflag:s23], $0x1  }
0xa3: {  	[sflag:s23] =	ssyncset.done $0x0  }
0xa4: {  	s25 =	simm.s32 $0x1B8E;
	s24 =	sld [smem:$0x3FFE];
	[sflag:s23] =	ssyncadd.s32 $0xFFFFFFFF  }
0xa5: {  	s26 =	simm.s32 $execute0_lowered;
	[smem:$0x3FD2] =	sst s25  }
0xa6: {  	s5 =	sshll.u32 s26, $0x1;
	_ =	strace $0x8000004F;
	[dreg:$0x1] =	wrdreg $0xFFFFFFFF  }
0xa7: {  	s28 =	simm.s32 $_size_execute0_lowered;
	s3 =	sadd.s32 s3, s5;
	[dreg:$0x0] =	wrdreg $0x0  }
0xa8: {  	s5 =	sshll.u32 s28, $0x1;
	[dreg:$0x2] =	wrdreg s3  }
0xa9: {  	[dreg:$0x3] =	wrdreg s5  }
0xaa: {  	[dreg:$0x4] =	wrdreg $0xC0  }
0xab: {  	_ =	task [dreg:s7], $0x5FFFF  }
0xac: {  	[dreg:$0x1] =	wrdreg $0xFFFFFFFF  }
0xad: {  	[dreg:$0x0] =	wrdreg $0x60  }
0xae: {  	[dreg:$0x2] =	wrdreg s24  }
0xaf: {  	[dreg:$0x3] =	wrdreg s2  }
0xb0: {  	[dreg:$0x4] =	wrdreg $0x9  }
0xb1: {  	_ =	task.clear_ibuf [dreg:s7], $0x5FFFF;
	_ =	strace $0x9000004F  }
0xb2: {  	s29 =	simm.s32 $0x9;
	_ =	strace $0x80000051  }
0xb3: {  	_ =	swait.ge [sflag:s29], $0x1  }
0xb4: {  	[sflag:s29] =	ssyncadd.s32 $0xFFFFFFFF  }
0xb5: {  	_ =	strace $0x90000051  }
0xb6: {  	_ =	sfence  }
0xb7: {  	s30 =	sld [smem:$0x0];
	_ =	sdelay $0x2  }
0xb8: {  	s31 =	sshll.u32 s1, $0xD;
	s1 =	sshrl.u32 s1, $0x2  }
0xb9: {  	s3 =	sand.u32 $0x4000, s31;
	s1 =	sadd.s32 s1, s30  }
0xba: {  	s0 =	sor.u32 s3, s0;
	s1 =	sshll.u32 s1, $0x11  }
0xbb: {  	s0 =	sor.u32 s1, s0  }
0xbc: {  	s0 =	sadd.s32 $0x8F2B, s0  }
0xbd: {  	[sflag:s0] =	ssyncadd.remote.s32 $0x1  }
0xbe: {  	_ =	sfence.sel $0xFFFF  }
0xbf: {  	[dreg:$0x0] =	wrdreg $0xFFFFFFFF;
	(pc) =	sbr.abs _section_cstart, $3  }
0xc0: {  	[dreg:$0x1] =	wrdreg $0xFFFFFFFF  }
0xc1: {  	_ =	task.clear_ibuf [dreg:s7], $0x2FFFF;
	_ =	strace $0x9FFFFFFF  }
0xc2: {  	(tm) =	ssettm $0x7FFFFFFF  }
0xc3: {  	_ =	shalt  }
tec
execute0_lowered:
.L_overlay_start_1:
0x0: {  	(tag) =	ssettag $0x1  }
0x1: {  	s0 =	rddreg [dreg:$0x0];
	s1 =	srdreg.scid  }
0x2: {  	s2 =	stileid.u32;
	s4 =	rddreg [dreg:$0x1]  }
0x3: {  	s11 =	simm.s32 $0x1;
	s16 =	simm.s32 $0xD100;
	s28 =	simm.s32 $0xE900  }
0x4: {  	s29 =	simm.s32 $0xF100;
	s30 =	simm.s32 $0xF900;
	s31 =	simm.s32 $0x2  }
0x5: {  	s1 =	sand.u32 $0x1, s1;
	s3 =	sshll.u32 s2, $0x1;
	s2 =	simm.s32 $0x0  }
0x6: {  	s9 =	sadd.s32 $0x107400, s0;
	s8 =	sadd.s32 $0x147700, s0;
	s6 =	sor.u32 s1, s3  }
0x7: {  	[smem:$0x7FF] =	sst s2;
	s1 =	ssub.s32 $0x2, s1;
	s3 =	sshll.u32 s6, $0x4  }
0x8: {  	_ =	strace $0x80000050;
	s5 =	sshrl.u32 s1, $0x1;
	s6 =	sshll.u32 s6, $0xD  }
0x9: {  	s7 =	sadd.s32 s3, s0;
	s3 =	sadd.s32 $0x147400, s0;
	s18 =	sadd.s32 s9, s6  }
0xa: {  	s1 =	ssub.s32 s1, s5;
	s10 =	sadd.s32 s4, s6;
	[dreg:$0x5] =	wrdreg s18  }
0xb: {  	s5 =	sadd.s32 $0x147500, s0;
	s17 =	sadd.s32 $0x3000, s7;
	[dreg:$0x6] =	wrdreg s10  }
0xc: {  	s19 =	sor.u32 $0x800, s6;
	s7 =	sadd.s32 $0x3200, s7;
	[dreg:$0x3] =	wrdreg s17  }
0xd: {  	s21 =	sor.u32 $0x1000, s6;
	s20 =	sadd.s32 s9, s19;
	[dreg:$0x4] =	wrdreg s7  }
0xe: {  	s23 =	sor.u32 $0x1800, s6;
	s22 =	sadd.s32 s9, s21;
	[dreg:$0x7] =	wrdreg s20  }
0xf: {  	s24 =	sadd.s32 s4, s21;
	s25 =	sadd.s32 s9, s23;
	[dreg:$0x9] =	wrdreg s22  }
0x10: {  	s26 =	smax.u32 s1, $0x1;
	s18 =	simm.s32 $0x3;
	[dreg:$0xa] =	wrdreg s24  }
0x11: {  	s10 =	simm.s32 $0x10100;
	s1 =	simm.s32 $0x0;
	[dreg:$0xb] =	wrdreg s25  }
0x12: {  	s7 =	sadd.s32 $0x147600, s0;
	s0 =	sadd.s32 s4, s19;
	[dreg:$0xd] =	wrdreg s26  }
0x13: {  	v2 =	vlaneseq.u32;
	s19 =	simm.s32 $0x80;
	s24 =	simm.s32 $0x900;
	s25 =	simm.s32 $0xC900  }
0x14: {  	vm0 =	vmmov $0xffff;
	v1 =	vshrl.u32 v2, $0x3;
	s26 =	simm.s32 $0xD900;
	[dreg:$0x8] =	wrdreg s0;
	s0 =	sadd.s32 s4, s23  }
0x15: {  	v0 =	vand.u32 $0x7, v2;
	v2 =	vor.u32 $0x8, v2;
	v1 =	vmul.u32 $0x8, v1;
	s17 =	simm.s32 $0xE100;
	s23 =	simm.s32 $0x100;
	[dreg:$0xc] =	wrdreg s0  }
.LBB2_1:
0x16: {  	s0 =	rddreg [dreg:$0x3]  }
0x17: {  	[tilespmem:s2], [sflag:$0x3] =	stream.linear.gather [hbm4b:s0+s2], $0x80, $0x38;
	[tilespmem:$0x14100] =	vst v63  }
0x18: {  	_ =	swait.ge [sflag:s18], $0x80  }
0x19: {  	[sflag:s18] =	ssyncset.done $0x0  }
0x1a: {  	s22 =	rddreg [dreg:$0x4];
	[sflag:s18] =	ssyncadd.s32 $0xFFFFFF80  }
0x1b: {  	[tilespmem:s19], [sflag:$0x3] =	stream.linear.gather [hbm4b:s22+s2], $0x80, $0x38;
	[tilespmem:$0x14100] =	vst v63  }
0x1c: {  	_ =	swait.ge [sflag:s18], $0x80  }
0x1d: {  	[sflag:s18] =	ssyncset.done $0x0  }
0x1e: {  	[sflag:s18] =	ssyncadd.s32 $0xFFFFFF80  }
0x1f: {  	v3 =	vld [tilespmem:$0x0];
	_ =	sdelay $0x4  }
0x20: {  	v4 =	vshll.u32 v3, $0x3  }
0x21: {  	v3 =	vand.u32 $0x7, v3;
	v4 =	vand.u32 $0xFFFFFFC0, v4  }
0x22: {  	v3 =	vor.u32 v3, v4  }
0x23: {  	v4 =	vperm.xlane v3, v0;
	_ =	sdelay $0x1  }
0x24: {  	v4 =	vadd.s32 v1, v4;
	_ =	sdelay $0x4  }
0x25: {  	[tilespmem:s23], [sflag:$0x1] =	stream.indirect_vreg.gather [hbm4b:s3+s2], $0x80, v4, vm0, $0xb8;
	[tilespmem:$0x14100] =	vst v63  }
0x26: {  	v3 =	vperm.xlane v3, v2  }
0x27: {  	[tilespmem:s24], [sflag:$0x1] =	stream.indirect_vreg.gather [hbm4b:s5+s2], $0x80, v4, vm0, $0xb8;
	[tilespmem:$0x14100] =	vst v63  }
0x28: {  	s4 =	simm.s32 $0x1100;
	v3 =	vadd.s32 v1, v3  }
0x29: {  	[tilespmem:s4], [sflag:$0x1] =	stream.indirect_vreg.gather [hbm4b:s7+s2], $0x80, v4, vm0, $0xb8;
	[tilespmem:$0x14100] =	vst v63  }
0x2a: {  	s6 =	simm.s32 $0x1900  }
0x2b: {  	[tilespmem:s6], [sflag:$0x1] =	stream.indirect_vreg.gather [hbm4b:s8+s2], $0x80, v4, vm0, $0xb8;
	[tilespmem:$0x14100] =	vst v63  }
0x2c: {  	s9 =	simm.s32 $0x2100  }
0x2d: {  	[tilespmem:s9], [sflag:$0x1] =	stream.indirect_vreg.gather [hbm4b:s3+s2], $0x80, v3, vm0, $0xb8;
	[tilespmem:$0x14100] =	vst v63  }
0x2e: {  	s12 =	simm.s32 $0x2900  }
0x2f: {  	[tilespmem:s12], [sflag:$0x1] =	stream.indirect_vreg.gather [hbm4b:s5+s2], $0x80, v3, vm0, $0xb8;
	[tilespmem:$0x14100] =	vst v63  }
0x30: {  	s13 =	simm.s32 $0x3100  }
0x31: {  	[tilespmem:s13], [sflag:$0x1] =	stream.indirect_vreg.gather [hbm4b:s7+s2], $0x80, v3, vm0, $0xb8;
	[tilespmem:$0x14100] =	vst v63  }
0x32: {  	s14 =	simm.s32 $0x3900  }
0x33: {  	[tilespmem:s14], [sflag:$0x1] =	stream.indirect_vreg.gather [hbm4b:s8+s2], $0x80, v3, vm0, $0xb8;
	[tilespmem:$0x14100] =	vst v63  }
0x34: {  	v3 =	vld [tilespmem:$0x10];
	_ =	sdelay $0x4  }
0x35: {  	v61 =	vshll.u32 v3, $0x3  }
0x36: {  	v3 =	vand.u32 $0x7, v3;
	v4 =	vand.u32 $0xFFFFFFC0, v61  }
0x37: {  	v3 =	vor.u32 v3, v4  }
0x38: {  	v4 =	vperm.xlane v3, v0;
	_ =	sdelay $0x1  }
0x39: {  	v4 =	vadd.s32 v1, v4;
	_ =	sdelay $0x3  }
0x3a: {  	s15 =	simm.s32 $0x4100  }
0x3b: {  	[tilespmem:s15], [sflag:$0x1] =	stream.indirect_vreg.gather [hbm4b:s3+s2], $0x80, v4, vm0, $0xb8;
	[tilespmem:$0x14100] =	vst v63  }
0x3c: {  	s20 =	simm.s32 $0x4900;
	v3 =	vperm.xlane v3, v2  }
0x3d: {  	[tilespmem:s20], [sflag:$0x1] =	stream.indirect_vreg.gather [hbm4b:s5+s2], $0x80, v4, vm0, $0xb8;
	[tilespmem:$0x14100] =	vst v63  }
0x3e: {  	s21 =	simm.s32 $0x5100;
	v3 =	vadd.s32 v1, v3  }
0x3f: {  	[tilespmem:s21], [sflag:$0x1] =	stream.indirect_vreg.gather [hbm4b:s7+s2], $0x80, v4, vm0, $0xb8;
	[tilespmem:$0x14100] =	vst v63  }
0x40: {  	s22 =	simm.s32 $0x5900  }
0x41: {  	[tilespmem:s22], [sflag:$0x1] =	stream.indirect_vreg.gather [hbm4b:s8+s2], $0x80, v4, vm0, $0xb8;
	[tilespmem:$0x14100] =	vst v63  }
0x42: {  	s23 =	simm.s32 $0x6100  }
0x43: {  	[tilespmem:s23], [sflag:$0x1] =	stream.indirect_vreg.gather [hbm4b:s3+s2], $0x80, v3, vm0, $0xb8;
	[tilespmem:$0x14100] =	vst v63  }
0x44: {  	s24 =	simm.s32 $0x6900  }
0x45: {  	[tilespmem:s24], [sflag:$0x1] =	stream.indirect_vreg.gather [hbm4b:s5+s2], $0x80, v3, vm0, $0xb8;
	[tilespmem:$0x14100] =	vst v63  }
0x46: {  	s4 =	simm.s32 $0x7100  }
0x47: {  	[tilespmem:s4], [sflag:$0x1] =	stream.indirect_vreg.gather [hbm4b:s7+s2], $0x80, v3, vm0, $0xb8;
	[tilespmem:$0x14100] =	vst v63  }
0x48: {  	s6 =	simm.s32 $0x7900  }
0x49: {  	[tilespmem:s6], [sflag:$0x1] =	stream.indirect_vreg.gather [hbm4b:s8+s2], $0x80, v3, vm0, $0xb8;
	[tilespmem:$0x14100] =	vst v63  }
0x4a: {  	s9 =	rddreg [dreg:$0x5]  }
0x4b: {  	[tilespmem:s10], [sflag:$0x3] =	stream.linear.gather [hbm4b:s9+s2], $0x4000, $0x38;
	[tilespmem:$0x14100] =	vst v63  }
0x4c: {  	_ =	swait.ge [sflag:s18], $0x4000  }
0x4d: {  	[sflag:s18] =	ssyncset.done $0x0  }
0x4e: {  	[sflag:s18] =	ssyncadd.s32 $0xFFFFC000  }
0x4f: {  	_ =	swait.ge [sflag:s11], $0x8000  }
0x50: {  	[sflag:s11] =	ssyncset.done $0x0  }
0x51: {  	[sflag:s11] =	ssyncadd.s32 $0xFFFF8000  }
0x52: {  	v3 =	vld [tilespmem:$0x20];
	_ =	sdelay $0x4  }
0x53: {  	v62 =	vshll.u32 v3, $0x3  }
0x54: {  	v3 =	vand.u32 $0x7, v3;
	v4 =	vand.u32 $0xFFFFFFC0, v62  }
0x55: {  	v3 =	vor.u32 v3, v4  }
0x56: {  	v4 =	vperm.xlane v3, v0;
	_ =	sdelay $0x1  }
0x57: {  	v4 =	vadd.s32 v1, v4;
	_ =	sdelay $0x3  }
0x58: {  	s12 =	simm.s32 $0x8100  }
0x59: {  	[tilespmem:s12], [sflag:$0x2] =	stream.indirect_vreg.gather [hbm4b:s3+s2], $0x80, v4, vm0, $0xb8;
	[tilespmem:$0x14100] =	vst v63  }
0x5a: {  	s13 =	simm.s32 $0x8900;
	v3 =	vperm.xlane v3, v2  }
0x5b: {  	[tilespmem:s13], [sflag:$0x2] =	stream.indirect_vreg.gather [hbm4b:s5+s2], $0x80, v4, vm0, $0xb8;
	[tilespmem:$0x14100] =	vst v63  }
0x5c: {  	s14 =	simm.s32 $0x9100;
	v3 =	vadd.s32 v1, v3  }
0x5d: {  	[tilespmem:s14], [sflag:$0x2] =	stream.indirect_vreg.gather [hbm4b:s7+s2], $0x80, v4, vm0, $0xb8;
	[tilespmem:$0x14100] =	vst v63  }
0x5e: {  	s15 =	simm.s32 $0x9900  }
0x5f: {  	[tilespmem:s15], [sflag:$0x2] =	stream.indirect_vreg.gather [hbm4b:s8+s2], $0x80, v4, vm0, $0xb8;
	[tilespmem:$0x14100] =	vst v63  }
0x60: {  	s20 =	simm.s32 $0xA100  }
0x61: {  	[tilespmem:s20], [sflag:$0x2] =	stream.indirect_vreg.gather [hbm4b:s3+s2], $0x80, v3, vm0, $0xb8;
	[tilespmem:$0x14100] =	vst v63  }
0x62: {  	s21 =	simm.s32 $0xA900  }
0x63: {  	[tilespmem:s21], [sflag:$0x2] =	stream.indirect_vreg.gather [hbm4b:s5+s2], $0x80, v3, vm0, $0xb8;
	[tilespmem:$0x14100] =	vst v63  }
0x64: {  	s22 =	simm.s32 $0xB100  }
0x65: {  	[tilespmem:s22], [sflag:$0x2] =	stream.indirect_vreg.gather [hbm4b:s7+s2], $0x80, v3, vm0, $0xb8;
	[tilespmem:$0x14100] =	vst v63  }
0x66: {  	s23 =	simm.s32 $0xB900  }
0x67: {  	[tilespmem:s23], [sflag:$0x2] =	stream.indirect_vreg.gather [hbm4b:s8+s2], $0x80, v3, vm0, $0xb8;
	[tilespmem:$0x14100] =	vst v63  }
0x68: {  	v3 =	vld [tilespmem:$0x30];
	_ =	sdelay $0x4  }
0x69: {  	v63 =	vshll.u32 v3, $0x3  }
0x6a: {  	v3 =	vand.u32 $0x7, v3;
	v4 =	vand.u32 $0xFFFFFFC0, v63  }
0x6b: {  	v3 =	vor.u32 v3, v4  }
0x6c: {  	v4 =	vperm.xlane v3, v0;
	_ =	sdelay $0x1  }
0x6d: {  	v4 =	vadd.s32 v1, v4;
	_ =	sdelay $0x3  }
0x6e: {  	s24 =	simm.s32 $0xC100  }
0x6f: {  	[tilespmem:s24], [sflag:$0x2] =	stream.indirect_vreg.gather [hbm4b:s3+s2], $0x80, v4, vm0, $0xb8;
	[tilespmem:$0x14100] =	vst v63  }
0x70: {  	v3 =	vperm.xlane v3, v2  }
0x71: {  	[tilespmem:s25], [sflag:$0x2] =	stream.indirect_vreg.gather [hbm4b:s5+s2], $0x80, v4, vm0, $0xb8;
	[tilespmem:$0x14100] =	vst v63  }
0x72: {  	v3 =	vadd.s32 v1, v3  }
0x73: {  	[tilespmem:s16], [sflag:$0x2] =	stream.indirect_vreg.gather [hbm4b:s7+s2], $0x80, v4, vm0, $0xb8;
	[tilespmem:$0x14100] =	vst v63  }
0x74: {  	_ = 	snop  }
0x75: {  	[tilespmem:s26], [sflag:$0x2] =	stream.indirect_vreg.gather [hbm4b:s8+s2], $0x80, v4, vm0, $0xb8;
	[tilespmem:$0x14100] =	vst v63  }
0x76: {  	_ = 	snop  }
0x77: {  	[tilespmem:s17], [sflag:$0x2] =	stream.indirect_vreg.gather [hbm4b:s3+s2], $0x80, v3, vm0, $0xb8;
	[tilespmem:$0x14100] =	vst v63  }
0x78: {  	_ = 	snop  }
0x79: {  	[tilespmem:s28], [sflag:$0x2] =	stream.indirect_vreg.gather [hbm4b:s5+s2], $0x80, v3, vm0, $0xb8;
	[tilespmem:$0x14100] =	vst v63  }
0x7a: {  	_ = 	snop  }
0x7b: {  	[tilespmem:s29], [sflag:$0x2] =	stream.indirect_vreg.gather [hbm4b:s7+s2], $0x80, v3, vm0, $0xb8;
	[tilespmem:$0x14100] =	vst v63  }
0x7c: {  	s0 =	simm.s32 $0x0  }
0x7d: {  	[tilespmem:s30], [sflag:$0x2] =	stream.indirect_vreg.gather [hbm4b:s8+s2], $0x80, v3, vm0, $0xb8;
	[tilespmem:$0x14100] =	vst v63  }
.LBB2_2:
0x7e: {  	s4 =	sshll.u32 s0, $0x1;
	s9 =	sshllo.u32 s0, $0x1  }
0x7f: {  	s6 =	sshll.u32 s0, $0xB;
	s12 =	sshll.u32 s0, $0x8;
	s13 =	sshll.u32 s0, $0x7;
	v3 =	vmov s4;
	v4 =	vmov s9  }
0x80: {  	s20 =	simm.s32 $0x0;
	s6 =	sand.u32 $0x6000, s6;
	s4 =	sand.u32 $0x300, s12;
	v3 =	vbroadcast v3, $0x0  }
0x81: {  	s12 =	sshll.u32 s0, $0xA;
	s21 =	sand.u32 $0x1C00, s20;
	s6 =	sor.u32 $0x100, s6  }
0x82: {  	s13 =	sand.u32 $0x380, s13;
	s22 =	sshll.u32 s9, $0x7;
	s14 =	sadd.s32 s21, s6  }
0x83: {  	s15 =	sand.u32 $0x70, s20;
	s12 =	sand.u32 $0x2000, s12;
	s23 =	sadd.s32 s4, s14  }
0x84: {  	s20 =	sand.u32 $0x380, s22;
	s13 =	sor.u32 s13, s12;
	s23 =	sadd.s32 s15, s23;
	v4 =	vld.idx.msk [tilespmem:v4+s19+$0x0], $0xffff  }
0x85: {  	s9 =	sadd.s32 $0x10100, s13;
	s24 =	sadd.s32 s20, s14;
	v5 =	vld [tilespmem:s23+$0x0]  }
0x86: {  	s21 =	sadd.s32 s21, s9;
	s13 =	sadd.s32 s15, s24;
	v3 =	vld.idx.msk [tilespmem:v3+s19+$0x0], $0xffff  }
0x87: {  	s12 =	sadd.s32 s15, s21;
	v7 =	vld [tilespmem:s13+$0x0]  }
0x88: {  	v6 =	vld [tilespmem:s12+$0x0];
	_ =	sdelay $0x2  }
0x89: {  	v5 =	vmul.f32 v5, v3;
	_ =	sdelay $0x1  }
0x8a: {  	s13 =	simm.s32 $0x80;
	v5 =	vadd.f32 v6, v5;
	v6 =	vmul.f32 v7, v4  }
0x8b: {  	s22 =	simm.s32 $0x20;
	s21 =	simm.s32 $0x10;
	s23 =	sand.u32 $0x1C00, s13  }
.LBB2_3:
0x8c: {  	p0 =	sne.s32 s22, $0x3F0;
	s14 =	sadd.s32 s23, s6;
	v5 =	vadd.f32 v5, v6  }
0x8d: {  	s24 =	sand.u32 $0x70, s21;
	s21 =	smov.u32 s22;
	s15 =	sadd.s32 s4, s14  }
0x8e: {  	s23 =	sadd.s32 s23, s9;
	s15 =	sadd.s32 s24, s15;
	[tilespmem:s12+$0x0] =	vst v5  }
0x8f: {  	s14 =	sadd.s32 s20, s14;
	s12 =	sadd.s32 s24, s23;
	v5 =	vld [tilespmem:s15+$0x0]  }
0x90: {  	s14 =	sadd.s32 s24, s14;
	v6 =	vld [tilespmem:s12+$0x0]  }
0x91: {  	v7 =	vld [tilespmem:s14+$0x0];
	_ =	sdelay $0x1  }
.Ltmp0:
0x92: {  	(pc) =	sbr.rel @p0 .LBB2_3-.Ltmp0, $3  }
0x93: {  	v5 =	vmul.f32 v5, v3;
	_ =	sdelay $0x1  }
0x94: {  	s13 =	sadd.s32 $0x80, s13;
	v5 =	vadd.f32 v6, v5;
	v6 =	vmul.f32 v7, v4  }
0x95: {  	s22 =	sadd.s32 $0x10, s22;
	s23 =	sand.u32 $0x1C00, s13  }
0x96: {  	s6 =	sadd.s32 s23, s6;
	v5 =	vadd.f32 v5, v6  }
0x97: {  	s13 =	sand.u32 $0x70, s21;
	s4 =	sadd.s32 s4, s6  }
0x98: {  	s9 =	sadd.s32 s23, s9;
	s4 =	sadd.s32 s13, s4;
	[tilespmem:s12+$0x0] =	vst v5  }
0x99: {  	s23 =	sadd.s32 s20, s6;
	s24 =	sadd.s32 s13, s9;
	v5 =	vld [tilespmem:s4+$0x0]  }
0x9a: {  	s4 =	sadd.s32 s13, s23;
	v63 =	vld [tilespmem:s24+$0x0]  }
0x9b: {  	v7 =	vld [tilespmem:s4+$0x0];
	_ =	sdelay $0x2  }
0x9c: {  	s0 =	sadd.s32 $0x1, s0;
	v3 =	vmul.f32 v5, v3  }
0x9d: {  	p0 =	sne.s32 s0, $0x10  }
.Ltmp1:
0x9e: {  	v4 =	vmul.f32 v7, v4;
	v3 =	vadd.f32 v63, v3;
	(pc) =	sbr.rel @p0 .LBB2_2-.Ltmp1, $3  }
0x9f: {  	_ = 	snop  }
0xa0: {  	v3 =	vadd.f32 v3, v4;
	_ =	sdelay $0x1  }
0xa1: {  	[tilespmem:s24+$0x0] =	vst v3  }
0xa2: {  	s0 =	simm.s32 $0x0;
	s4 =	rddreg [dreg:$0x6]  }
0xa3: {  	[hbm4b:s4+s0] =	stream.linear.scatter [tilespmem:s10], [sflag:$0x3], $0x4000, $0x38;
	[tilespmem:$0x14100] =	vst v63  }
0xa4: {  	_ =	swait.ge [sflag:s18], $0x4000  }
0xa5: {  	[sflag:s18] =	ssyncset.done $0x0  }
0xa6: {  	s13 =	rddreg [dreg:$0x7];
	[sflag:s18] =	ssyncadd.s32 $0xFFFFC000  }
0xa7: {  	[tilespmem:s10], [sflag:$0x3] =	stream.linear.gather [hbm4b:s13+s0], $0x4000, $0x38;
	[tilespmem:$0x14100] =	vst v63  }
0xa8: {  	_ =	swait.ge [sflag:s18], $0x4000  }
0xa9: {  	[sflag:s18] =	ssyncset.done $0x0  }
0xaa: {  	[sflag:s18] =	ssyncadd.s32 $0xFFFFC000  }
0xab: {  	_ =	swait.ge [sflag:s31], $0x8000  }
0xac: {  	[sflag:s31] =	ssyncset.done $0x0  }
0xad: {  	[sflag:s31] =	ssyncadd.s32 $0xFFFF8000  }
0xae: {  	v3 =	vld [tilespmem:$0x40];
	_ =	sdelay $0x4  }
0xaf: {  	v4 =	vshll.u32 v3, $0x3  }
0xb0: {  	v3 =	vand.u32 $0x7, v3;
	v4 =	vand.u32 $0xFFFFFFC0, v4  }
0xb1: {  	v3 =	vor.u32 v3, v4  }
0xb2: {  	v4 =	vperm.xlane v3, v0;
	_ =	sdelay $0x1  }
0xb3: {  	v4 =	vadd.s32 v1, v4;
	_ =	sdelay $0x3  }
0xb4: {  	s23 =	simm.s32 $0x100  }
0xb5: {  	[tilespmem:s23], [sflag:$0x1] =	stream.indirect_vreg.gather [hbm4b:s3+s0], $0x80, v4, vm0, $0xb8;
	[tilespmem:$0x14100] =	vst v63  }
0xb6: {  	s24 =	simm.s32 $0x900;
	v3 =	vperm.xlane v3, v2  }
0xb7: {  	[tilespmem:s24], [sflag:$0x1] =	stream.indirect_vreg.gather [hbm4b:s5+s0], $0x80, v4, vm0, $0xb8;
	[tilespmem:$0x14100] =	vst v63  }
0xb8: {  	s14 =	simm.s32 $0x1100;
	v3 =	vadd.s32 v1, v3  }
0xb9: {  	[tilespmem:s14], [sflag:$0x1] =	stream.indirect_vreg.gather [hbm4b:s7+s0], $0x80, v4, vm0, $0xb8;
	[tilespmem:$0x14100] =	vst v63  }
0xba: {  	s15 =	simm.s32 $0x1900  }
0xbb: {  	[tilespmem:s15], [sflag:$0x1] =	stream.indirect_vreg.gather [hbm4b:s8+s0], $0x80, v4, vm0, $0xb8;
	[tilespmem:$0x14100] =	vst v63  }
0xbc: {  	s20 =	simm.s32 $0x2100  }
0xbd: {  	[tilespmem:s20], [sflag:$0x1] =	stream.indirect_vreg.gather [hbm4b:s3+s0], $0x80, v3, vm0, $0xb8;
	[tilespmem:$0x14100] =	vst v63  }
0xbe: {  	s21 =	simm.s32 $0x2900  }
0xbf: {  	[tilespmem:s21], [sflag:$0x1] =	stream.indirect_vreg.gather [hbm4b:s5+s0], $0x80, v3, vm0, $0xb8;
	[tilespmem:$0x14100] =	vst v63  }
0xc0: {  	s22 =	simm.s32 $0x3100  }
0xc1: {  	[tilespmem:s22], [sflag:$0x1] =	stream.indirect_vreg.gather [hbm4b:s7+s0], $0x80, v3, vm0, $0xb8;
	[tilespmem:$0x14100] =	vst v63  }
0xc2: {  	s6 =	simm.s32 $0x3900  }
0xc3: {  	[tilespmem:s6], [sflag:$0x1] =	stream.indirect_vreg.gather [hbm4b:s8+s0], $0x80, v3, vm0, $0xb8;
	[tilespmem:$0x14100] =	vst v63  }
0xc4: {  	v3 =	vld [tilespmem:$0x50];
	_ =	sdelay $0x4  }
0xc5: {  	v63 =	vshll.u32 v3, $0x3  }
0xc6: {  	v3 =	vand.u32 $0x7, v3;
	v4 =	vand.u32 $0xFFFFFFC0, v63  }
0xc7: {  	v3 =	vor.u32 v3, v4  }
0xc8: {  	v4 =	vperm.xlane v3, v0;
	_ =	sdelay $0x1  }
0xc9: {  	v4 =	vadd.s32 v1, v4;
	_ =	sdelay $0x3  }
0xca: {  	s9 =	simm.s32 $0x4100  }
0xcb: {  	[tilespmem:s9], [sflag:$0x1] =	stream.indirect_vreg.gather [hbm4b:s3+s0], $0x80, v4, vm0, $0xb8;
	[tilespmem:$0x14100] =	vst v63  }
0xcc: {  	s12 =	simm.s32 $0x4900;
	v3 =	vperm.xlane v3, v2  }
0xcd: {  	[tilespmem:s12], [sflag:$0x1] =	stream.indirect_vreg.gather [hbm4b:s5+s0], $0x80, v4, vm0, $0xb8;
	[tilespmem:$0x14100] =	vst v63  }
0xce: {  	s13 =	simm.s32 $0x5100;
	v3 =	vadd.s32 v1, v3  }
0xcf: {  	[tilespmem:s13], [sflag:$0x1] =	stream.indirect_vreg.gather [hbm4b:s7+s0], $0x80, v4, vm0, $0xb8;
	[tilespmem:$0x14100] =	vst v63  }
0xd0: {  	s14 =	simm.s32 $0x5900  }
0xd1: {  	[tilespmem:s14], [sflag:$0x1] =	stream.indirect_vreg.gather [hbm4b:s8+s0], $0x80, v4, vm0, $0xb8;
	[tilespmem:$0x14100] =	vst v63  }
0xd2: {  	s15 =	simm.s32 $0x6100  }
0xd3: {  	[tilespmem:s15], [sflag:$0x1] =	stream.indirect_vreg.gather [hbm4b:s3+s0], $0x80, v3, vm0, $0xb8;
	[tilespmem:$0x14100] =	vst v63  }
0xd4: {  	s20 =	simm.s32 $0x6900  }
0xd5: {  	[tilespmem:s20], [sflag:$0x1] =	stream.indirect_vreg.gather [hbm4b:s5+s0], $0x80, v3, vm0, $0xb8;
	[tilespmem:$0x14100] =	vst v63  }
0xd6: {  	s21 =	simm.s32 $0x7100  }
0xd7: {  	[tilespmem:s21], [sflag:$0x1] =	stream.indirect_vreg.gather [hbm4b:s7+s0], $0x80, v3, vm0, $0xb8;
	[tilespmem:$0x14100] =	vst v63  }
0xd8: {  	s4 =	simm.s32 $0x0;
	s22 =	simm.s32 $0x7900  }
0xd9: {  	[tilespmem:s22], [sflag:$0x1] =	stream.indirect_vreg.gather [hbm4b:s8+s0], $0x80, v3, vm0, $0xb8;
	[tilespmem:$0x14100] =	vst v63  }
.LBB2_6:
0xda: {  	s6 =	sshll.u32 s4, $0x1  }
0xdb: {  	s9 =	sor.u32 $0x20, s6;
	s6 =	sor.u32 $0x21, s6  }
0xdc: {  	s21 =	sshll.u32 s4, $0xB;
	s14 =	sshll.u32 s4, $0x8;
	v3 =	vmov s9;
	v4 =	vmov s6  }
0xdd: {  	s12 =	sshll.u32 s4, $0xA;
	s22 =	sand.u32 $0x6000, s21;
	s9 =	sand.u32 $0x300, s14;
	v3 =	vbroadcast v3, $0x0  }
0xde: {  	s13 =	sshll.u32 s4, $0x7;
	s15 =	sand.u32 $0x2000, s12;
	s6 =	sor.u32 s9, s22  }
0xdf: {  	s20 =	sand.u32 $0x380, s13;
	s21 =	sand.u32 $0x1C00, s0;
	s6 =	sadd.s32 $0x8100, s6  }
0xe0: {  	s9 =	sor.u32 s20, s15;
	s22 =	sand.u32 $0x70, s0;
	s14 =	sadd.s32 s21, s6  }
0xe1: {  	s9 =	sadd.s32 $0x10100, s9;
	s14 =	sadd.s32 s22, s14;
	v4 =	vld.idx.msk [tilespmem:v4+s19+$0x0], $0xffff  }
0xe2: {  	s12 =	sadd.s32 s21, s9;
	v5 =	vld [tilespmem:s14+$0x0]  }
0xe3: {  	s12 =	sadd.s32 s22, s12;
	v3 =	vld.idx.msk [tilespmem:v3+s19+$0x0], $0xffff  }
0xe4: {  	v6 =	vld [tilespmem:s12+$0x0]  }
0xe5: {  	v7 =	vld [tilespmem:s14+$0x80];
	_ =	sdelay $0x2  }
0xe6: {  	v5 =	vmul.f32 v5, v3;
	_ =	sdelay $0x1  }
0xe7: {  	v5 =	vadd.f32 v6, v5;
	v6 =	vmul.f32 v7, v4  }
0xe8: {  	s13 =	simm.s32 $0x80  }
0xe9: {  	s20 =	simm.s32 $0x20;
	s21 =	simm.s32 $0x10;
	s22 =	sand.u32 $0x1C00, s13;
	v5 =	vadd.f32 v5, v6  }
.LBB2_7:
0xea: {  	p0 =	sne.s32 s20, $0x3F0;
	s14 =	sand.u32 $0x70, s21;
	s15 =	sadd.s32 s22, s6  }
0xeb: {  	s22 =	sadd.s32 s22, s9;
	s21 =	smov.u32 s20;
	s15 =	sadd.s32 s14, s15;
	[tilespmem:s12+$0x0] =	vst v5  }
0xec: {  	s12 =	sadd.s32 s14, s22;
	v5 =	vld [tilespmem:s15+$0x0]  }
0xed: {  	v6 =	vld [tilespmem:s12+$0x0]  }
0xee: {  	v7 =	vld [tilespmem:s15+$0x80];
	_ =	sdelay $0x2  }
.Ltmp2:
0xef: {  	v5 =	vmul.f32 v5, v3;
	(pc) =	sbr.rel @p0 .LBB2_7-.Ltmp2, $4  }
0xf0: {  	_ = 	snop  }
0xf1: {  	v5 =	vadd.f32 v6, v5;
	v6 =	vmul.f32 v7, v4  }
0xf2: {  	s13 =	sadd.s32 $0x80, s13  }
0xf3: {  	s20 =	sadd.s32 $0x10, s20;
	s22 =	sand.u32 $0x1C00, s13;
	v5 =	vadd.f32 v5, v6  }
0xf4: {  	s13 =	sand.u32 $0x70, s21;
	s6 =	sadd.s32 s22, s6  }
0xf5: {  	s9 =	sadd.s32 s22, s9;
	s6 =	sadd.s32 s13, s6;
	[tilespmem:s12+$0x0] =	vst v5  }
0xf6: {  	s9 =	sadd.s32 s13, s9;
	v5 =	vld [tilespmem:s6+$0x0]  }
0xf7: {  	v6 =	vld [tilespmem:s9+$0x0]  }
0xf8: {  	v7 =	vld [tilespmem:s6+$0x80];
	_ =	sdelay $0x2  }
0xf9: {  	s4 =	sadd.s32 $0x1, s4;
	v3 =	vmul.f32 v5, v3  }
0xfa: {  	p0 =	sne.s32 s4, $0x10  }
.Ltmp3:
0xfb: {  	v4 =	vmul.f32 v7, v4;
	v3 =	vadd.f32 v6, v3;
	(pc) =	sbr.rel @p0 .LBB2_6-.Ltmp3, $3  }
0xfc: {  	_ = 	snop  }
0xfd: {  	v3 =	vadd.f32 v3, v4;
	_ =	sdelay $0x1  }
0xfe: {  	[tilespmem:s9+$0x0] =	vst v3  }
0xff: {  	s0 =	simm.s32 $0x0;
	s4 =	rddreg [dreg:$0x8]  }
0x100: {  	[hbm4b:s4+s0] =	stream.linear.scatter [tilespmem:s10], [sflag:$0x3], $0x4000, $0x38;
	[tilespmem:$0x14100] =	vst v63  }
0x101: {  	_ =	swait.ge [sflag:s18], $0x4000  }
0x102: {  	[sflag:s18] =	ssyncset.done $0x0  }
0x103: {  	s22 =	rddreg [dreg:$0x9];
	[sflag:s18] =	ssyncadd.s32 $0xFFFFC000  }
0x104: {  	[tilespmem:s10], [sflag:$0x3] =	stream.linear.gather [hbm4b:s22+s0], $0x4000, $0x38;
	[tilespmem:$0x14100] =	vst v63  }
0x105: {  	_ =	swait.ge [sflag:s18], $0x4000  }
0x106: {  	[sflag:s18] =	ssyncset.done $0x0  }
0x107: {  	[sflag:s18] =	ssyncadd.s32 $0xFFFFC000  }
0x108: {  	_ =	swait.ge [sflag:s11], $0x8000  }
0x109: {  	[sflag:s11] =	ssyncset.done $0x0  }
0x10a: {  	[sflag:s11] =	ssyncadd.s32 $0xFFFF8000  }
0x10b: {  	v3 =	vld [tilespmem:$0x60];
	_ =	sdelay $0x4  }
0x10c: {  	v4 =	vshll.u32 v3, $0x3  }
0x10d: {  	v3 =	vand.u32 $0x7, v3;
	v4 =	vand.u32 $0xFFFFFFC0, v4  }
0x10e: {  	v3 =	vor.u32 v3, v4  }
0x10f: {  	v4 =	vperm.xlane v3, v0;
	_ =	sdelay $0x1  }
0x110: {  	v4 =	vadd.s32 v1, v4;
	_ =	sdelay $0x3  }
0x111: {  	s6 =	simm.s32 $0x8100  }
0x112: {  	[tilespmem:s6], [sflag:$0x2] =	stream.indirect_vreg.gather [hbm4b:s3+s0], $0x80, v4, vm0, $0xb8;
	[tilespmem:$0x14100] =	vst v63  }
0x113: {  	s9 =	simm.s32 $0x8900;
	v3 =	vperm.xlane v3, v2  }
0x114: {  	[tilespmem:s9], [sflag:$0x2] =	stream.indirect_vreg.gather [hbm4b:s5+s0], $0x80, v4, vm0, $0xb8;
	[tilespmem:$0x14100] =	vst v63  }
0x115: {  	s12 =	simm.s32 $0x9100;
	v3 =	vadd.s32 v1, v3  }
0x116: {  	[tilespmem:s12], [sflag:$0x2] =	stream.indirect_vreg.gather [hbm4b:s7+s0], $0x80, v4, vm0, $0xb8;
	[tilespmem:$0x14100] =	vst v63  }
0x117: {  	s13 =	simm.s32 $0x9900  }
0x118: {  	[tilespmem:s13], [sflag:$0x2] =	stream.indirect_vreg.gather [hbm4b:s8+s0], $0x80, v4, vm0, $0xb8;
	[tilespmem:$0x14100] =	vst v63  }
0x119: {  	s14 =	simm.s32 $0xA100  }
0x11a: {  	[tilespmem:s14], [sflag:$0x2] =	stream.indirect_vreg.gather [hbm4b:s3+s0], $0x80, v3, vm0, $0xb8;
	[tilespmem:$0x14100] =	vst v63  }
0x11b: {  	s15 =	simm.s32 $0xA900  }
0x11c: {  	[tilespmem:s15], [sflag:$0x2] =	stream.indirect_vreg.gather [hbm4b:s5+s0], $0x80, v3, vm0, $0xb8;
	[tilespmem:$0x14100] =	vst v63  }
0x11d: {  	s20 =	simm.s32 $0xB100  }
0x11e: {  	[tilespmem:s20], [sflag:$0x2] =	stream.indirect_vreg.gather [hbm4b:s7+s0], $0x80, v3, vm0, $0xb8;
	[tilespmem:$0x14100] =	vst v63  }
0x11f: {  	s21 =	simm.s32 $0xB900  }
0x120: {  	[tilespmem:s21], [sflag:$0x2] =	stream.indirect_vreg.gather [hbm4b:s8+s0], $0x80, v3, vm0, $0xb8;
	[tilespmem:$0x14100] =	vst v63  }
0x121: {  	v3 =	vld [tilespmem:$0x70];
	_ =	sdelay $0x4  }
0x122: {  	v63 =	vshll.u32 v3, $0x3  }
0x123: {  	v3 =	vand.u32 $0x7, v3;
	v4 =	vand.u32 $0xFFFFFFC0, v63  }
0x124: {  	v3 =	vor.u32 v3, v4  }
0x125: {  	v4 =	vperm.xlane v3, v0;
	_ =	sdelay $0x1  }
0x126: {  	v4 =	vadd.s32 v1, v4;
	_ =	sdelay $0x3  }
0x127: {  	s22 =	simm.s32 $0xC100  }
0x128: {  	[tilespmem:s22], [sflag:$0x2] =	stream.indirect_vreg.gather [hbm4b:s3+s0], $0x80, v4, vm0, $0xb8;
	[tilespmem:$0x14100] =	vst v63  }
0x129: {  	v3 =	vperm.xlane v3, v2  }
0x12a: {  	[tilespmem:s25], [sflag:$0x2] =	stream.indirect_vreg.gather [hbm4b:s5+s0], $0x80, v4, vm0, $0xb8;
	[tilespmem:$0x14100] =	vst v63  }
0x12b: {  	v3 =	vadd.s32 v1, v3  }
0x12c: {  	[tilespmem:s16], [sflag:$0x2] =	stream.indirect_vreg.gather [hbm4b:s7+s0], $0x80, v4, vm0, $0xb8;
	[tilespmem:$0x14100] =	vst v63  }
0x12d: {  	_ = 	snop  }
0x12e: {  	[tilespmem:s26], [sflag:$0x2] =	stream.indirect_vreg.gather [hbm4b:s8+s0], $0x80, v4, vm0, $0xb8;
	[tilespmem:$0x14100] =	vst v63  }
0x12f: {  	_ = 	snop  }
0x130: {  	[tilespmem:s17], [sflag:$0x2] =	stream.indirect_vreg.gather [hbm4b:s3+s0], $0x80, v3, vm0, $0xb8;
	[tilespmem:$0x14100] =	vst v63  }
0x131: {  	_ = 	snop  }
0x132: {  	[tilespmem:s28], [sflag:$0x2] =	stream.indirect_vreg.gather [hbm4b:s5+s0], $0x80, v3, vm0, $0xb8;
	[tilespmem:$0x14100] =	vst v63  }
0x133: {  	_ = 	snop  }
0x134: {  	[tilespmem:s29], [sflag:$0x2] =	stream.indirect_vreg.gather [hbm4b:s7+s0], $0x80, v3, vm0, $0xb8;
	[tilespmem:$0x14100] =	vst v63  }
0x135: {  	s4 =	simm.s32 $0x0  }
0x136: {  	[tilespmem:s30], [sflag:$0x2] =	stream.indirect_vreg.gather [hbm4b:s8+s0], $0x80, v3, vm0, $0xb8;
	[tilespmem:$0x14100] =	vst v63  }
.LBB2_10:
0x137: {  	s6 =	sshll.u32 s4, $0x1  }
0x138: {  	s9 =	sor.u32 $0x40, s6;
	s6 =	sor.u32 $0x41, s6  }
0x139: {  	s21 =	sshll.u32 s4, $0xB;
	s14 =	sshll.u32 s4, $0x8;
	v3 =	vmov s9;
	v4 =	vmov s6  }
0x13a: {  	s12 =	sshll.u32 s4, $0xA;
	s22 =	sand.u32 $0x6000, s21;
	s9 =	sand.u32 $0x300, s14;
	v3 =	vbroadcast v3, $0x0  }
0x13b: {  	s13 =	sshll.u32 s4, $0x7;
	s15 =	sand.u32 $0x2000, s12;
	s6 =	sor.u32 s9, s22  }
0x13c: {  	s20 =	sand.u32 $0x380, s13;
	s21 =	sand.u32 $0x1C00, s0;
	s6 =	sadd.s32 $0x100, s6  }
0x13d: {  	s9 =	sor.u32 s20, s15;
	s22 =	sand.u32 $0x70, s0;
	s14 =	sadd.s32 s21, s6  }
0x13e: {  	s9 =	sadd.s32 $0x10100, s9;
	s14 =	sadd.s32 s22, s14;
	v4 =	vld.idx.msk [tilespmem:v4+s19+$0x0], $0xffff  }
0x13f: {  	s12 =	sadd.s32 s21, s9;
	v5 =	vld [tilespmem:s14+$0x0]  }
0x140: {  	s12 =	sadd.s32 s22, s12;
	v3 =	vld.idx.msk [tilespmem:v3+s19+$0x0], $0xffff  }
0x141: {  	v6 =	vld [tilespmem:s12+$0x0]  }
0x142: {  	v7 =	vld [tilespmem:s14+$0x80];
	_ =	sdelay $0x2  }
0x143: {  	v5 =	vmul.f32 v5, v3;
	_ =	sdelay $0x1  }
0x144: {  	v5 =	vadd.f32 v6, v5;
	v6 =	vmul.f32 v7, v4  }
0x145: {  	s13 =	simm.s32 $0x80  }
0x146: {  	s20 =	simm.s32 $0x20;
	s21 =	simm.s32 $0x10;
	s22 =	sand.u32 $0x1C00, s13;
	v5 =	vadd.f32 v5, v6  }
.LBB2_11:
0x147: {  	p0 =	sne.s32 s20, $0x3F0;
	s14 =	sand.u32 $0x70, s21;
	s15 =	sadd.s32 s22, s6  }
0x148: {  	s22 =	sadd.s32 s22, s9;
	s21 =	smov.u32 s20;
	s15 =	sadd.s32 s14, s15;
	[tilespmem:s12+$0x0] =	vst v5  }
0x149: {  	s12 =	sadd.s32 s14, s22;
	v5 =	vld [tilespmem:s15+$0x0]  }
0x14a: {  	v6 =	vld [tilespmem:s12+$0x0]  }
0x14b: {  	v7 =	vld [tilespmem:s15+$0x80];
	_ =	sdelay $0x2  }
.Ltmp4:
0x14c: {  	v5 =	vmul.f32 v5, v3;
	(pc) =	sbr.rel @p0 .LBB2_11-.Ltmp4, $4  }
0x14d: {  	_ = 	snop  }
0x14e: {  	v5 =	vadd.f32 v6, v5;
	v6 =	vmul.f32 v7, v4  }
0x14f: {  	s13 =	sadd.s32 $0x80, s13  }
0x150: {  	s20 =	sadd.s32 $0x10, s20;
	s22 =	sand.u32 $0x1C00, s13;
	v5 =	vadd.f32 v5, v6  }
0x151: {  	s13 =	sand.u32 $0x70, s21;
	s6 =	sadd.s32 s22, s6  }
0x152: {  	s9 =	sadd.s32 s22, s9;
	s6 =	sadd.s32 s13, s6;
	[tilespmem:s12+$0x0] =	vst v5  }
0x153: {  	s9 =	sadd.s32 s13, s9;
	v5 =	vld [tilespmem:s6+$0x0]  }
0x154: {  	v6 =	vld [tilespmem:s9+$0x0]  }
0x155: {  	v7 =	vld [tilespmem:s6+$0x80];
	_ =	sdelay $0x2  }
0x156: {  	s4 =	sadd.s32 $0x1, s4;
	v3 =	vmul.f32 v5, v3  }
0x157: {  	p0 =	sne.s32 s4, $0x10  }
.Ltmp5:
0x158: {  	v4 =	vmul.f32 v7, v4;
	v3 =	vadd.f32 v6, v3;
	(pc) =	sbr.rel @p0 .LBB2_10-.Ltmp5, $3  }
0x159: {  	_ = 	snop  }
0x15a: {  	v3 =	vadd.f32 v3, v4;
	_ =	sdelay $0x1  }
0x15b: {  	[tilespmem:s9+$0x0] =	vst v3  }
0x15c: {  	s0 =	simm.s32 $0x0;
	s4 =	rddreg [dreg:$0xa]  }
0x15d: {  	[hbm4b:s4+s0] =	stream.linear.scatter [tilespmem:s10], [sflag:$0x3], $0x4000, $0x38;
	[tilespmem:$0x14100] =	vst v63  }
0x15e: {  	_ =	swait.ge [sflag:s18], $0x4000  }
0x15f: {  	[sflag:s18] =	ssyncset.done $0x0  }
0x160: {  	s22 =	rddreg [dreg:$0xb];
	[sflag:s18] =	ssyncadd.s32 $0xFFFFC000  }
0x161: {  	[tilespmem:s10], [sflag:$0x3] =	stream.linear.gather [hbm4b:s22+s0], $0x4000, $0x38;
	[tilespmem:$0x14100] =	vst v63  }
0x162: {  	_ =	swait.ge [sflag:s18], $0x4000  }
0x163: {  	[sflag:s18] =	ssyncset.done $0x0  }
0x164: {  	[sflag:s18] =	ssyncadd.s32 $0xFFFFC000  }
0x165: {  	_ =	swait.ge [sflag:s31], $0x8000  }
0x166: {  	[sflag:s31] =	ssyncset.done $0x0  }
0x167: {  	s4 =	simm.s32 $0x0;
	[sflag:s31] =	ssyncadd.s32 $0xFFFF8000  }
.LBB2_14:
0x168: {  	s6 =	sshll.u32 s4, $0x1  }
0x169: {  	s9 =	sor.u32 $0x60, s6;
	s6 =	sor.u32 $0x61, s6  }
0x16a: {  	s21 =	sshll.u32 s4, $0xB;
	s14 =	sshll.u32 s4, $0x8;
	v3 =	vmov s9;
	v4 =	vmov s6  }
0x16b: {  	s12 =	sshll.u32 s4, $0xA;
	s22 =	sand.u32 $0x6000, s21;
	s9 =	sand.u32 $0x300, s14;
	v3 =	vbroadcast v3, $0x0  }
0x16c: {  	s13 =	sshll.u32 s4, $0x7;
	s15 =	sand.u32 $0x2000, s12;
	s6 =	sor.u32 s9, s22  }
0x16d: {  	s20 =	sand.u32 $0x380, s13;
	s21 =	sand.u32 $0x1C00, s0;
	s6 =	sadd.s32 $0x8100, s6  }
0x16e: {  	s9 =	sor.u32 s20, s15;
	s22 =	sand.u32 $0x70, s0;
	s14 =	sadd.s32 s21, s6  }
0x16f: {  	s9 =	sadd.s32 $0x10100, s9;
	s14 =	sadd.s32 s22, s14;
	v4 =	vld.idx.msk [tilespmem:v4+s19+$0x0], $0xffff  }
0x170: {  	s12 =	sadd.s32 s21, s9;
	v5 =	vld [tilespmem:s14+$0x0]  }
0x171: {  	s12 =	sadd.s32 s22, s12;
	v3 =	vld.idx.msk [tilespmem:v3+s19+$0x0], $0xffff  }
0x172: {  	v6 =	vld [tilespmem:s12+$0x0]  }
0x173: {  	v7 =	vld [tilespmem:s14+$0x80];
	_ =	sdelay $0x2  }
0x174: {  	v5 =	vmul.f32 v5, v3;
	_ =	sdelay $0x1  }
0x175: {  	v5 =	vadd.f32 v6, v5;
	v6 =	vmul.f32 v7, v4  }
0x176: {  	s13 =	simm.s32 $0x80  }
0x177: {  	s20 =	simm.s32 $0x20;
	s21 =	simm.s32 $0x10;
	s22 =	sand.u32 $0x1C00, s13;
	v5 =	vadd.f32 v5, v6  }
.LBB2_15:
0x178: {  	p0 =	sne.s32 s20, $0x3F0;
	s14 =	sand.u32 $0x70, s21;
	s15 =	sadd.s32 s22, s6  }
0x179: {  	s22 =	sadd.s32 s22, s9;
	s21 =	smov.u32 s20;
	s15 =	sadd.s32 s14, s15;
	[tilespmem:s12+$0x0] =	vst v5  }
0x17a: {  	s12 =	sadd.s32 s14, s22;
	v5 =	vld [tilespmem:s15+$0x0]  }
0x17b: {  	v6 =	vld [tilespmem:s12+$0x0]  }
0x17c: {  	v7 =	vld [tilespmem:s15+$0x80];
	_ =	sdelay $0x2  }
.Ltmp6:
0x17d: {  	v5 =	vmul.f32 v5, v3;
	(pc) =	sbr.rel @p0 .LBB2_15-.Ltmp6, $4  }
0x17e: {  	_ = 	snop  }
0x17f: {  	v5 =	vadd.f32 v6, v5;
	v6 =	vmul.f32 v7, v4  }
0x180: {  	s13 =	sadd.s32 $0x80, s13  }
0x181: {  	s20 =	sadd.s32 $0x10, s20;
	s22 =	sand.u32 $0x1C00, s13;
	v5 =	vadd.f32 v5, v6  }
0x182: {  	s13 =	sand.u32 $0x70, s21;
	s6 =	sadd.s32 s22, s6  }
0x183: {  	s9 =	sadd.s32 s22, s9;
	s6 =	sadd.s32 s13, s6;
	[tilespmem:s12+$0x0] =	vst v5  }
0x184: {  	s9 =	sadd.s32 s13, s9;
	v5 =	vld [tilespmem:s6+$0x0]  }
0x185: {  	v6 =	vld [tilespmem:s9+$0x0]  }
0x186: {  	v7 =	vld [tilespmem:s6+$0x80];
	_ =	sdelay $0x2  }
0x187: {  	s4 =	sadd.s32 $0x1, s4;
	v3 =	vmul.f32 v5, v3  }
0x188: {  	p0 =	sne.s32 s4, $0x10  }
.Ltmp7:
0x189: {  	v4 =	vmul.f32 v7, v4;
	v3 =	vadd.f32 v6, v3;
	(pc) =	sbr.rel @p0 .LBB2_14-.Ltmp7, $3  }
0x18a: {  	_ = 	snop  }
0x18b: {  	v3 =	vadd.f32 v3, v4;
	_ =	sdelay $0x1  }
0x18c: {  	[tilespmem:s9+$0x0] =	vst v3  }
0x18d: {  	s0 =	rddreg [dreg:$0xc]  }
0x18e: {  	[hbm4b:s0+s2] =	stream.linear.scatter [tilespmem:s10], [sflag:$0x3], $0x4000, $0x38;
	[tilespmem:$0x14100] =	vst v63  }
0x18f: {  	_ =	swait.ge [sflag:s18], $0x4000  }
0x190: {  	s1 =	sadd.s32 $0x1, s1;
	s22 =	rddreg [dreg:$0xd]  }
0x191: {  	p0 =	sne.s32 s1, s22  }
.Ltmp8:
0x192: {  	_ = 	snop;
	(pc) =	sbr.rel @p0 .LBB2_1-.Ltmp8, $3  }
0x193: {  	_ =	sdelay $0x1  }
0x194: {  	[sflag:s18] =	ssyncset.done $0x0  }
0x195: {  	[sflag:s18] =	ssyncadd.s32 $0xFFFFC000  }
0x196: {  	_ =	sfence.sel $0x180000  }
0x197: {  	[bflag:$0x0] =	sbarrier.arrive $0xFFFF  }
0x198: {  	_ =	strace $0x90000050  }
0x199: {  	s0 =	stileid.u32;
	[bflag:$0x2] =	sbarrier.arrive $0xFFFF  }
0x19a: {  	p0 =	sne.s32 s0, $0x0;
	s0 =	rddreg [dreg:$0x2]  }
0x19b: {  	s0 =	sadd.s32 @!p0 $0x100000, s0  }
0x19c: {  	[sflag:s0] =	ssyncadd.tile.s32 @!p0 $0x1;
	_ =	shalt  }
.Lfunc_end2:
_tile_overlayer_lowered:
.L_overlay_start_2:
0x19d: {  	(tag) =	ssettag $0x2  }
0x19e: {  	s0 =	rddreg [dreg:$0x0];
	s2 =	stileid.u32  }
0x19f: {  	s1 =	rddreg [dreg:$0x1];
	p0 =	sne.s32 s2, $0x0  }
0x1a0: {  	s3 =	rddreg [dreg:$0x2];
	[bflag:$0x3] =	sbarrier.arrive $0xFFFF;
	s2 =	simm.s32 @!p0 $0x1C03  }
0x1a1: {  	[timem:s3], [sflag:s2] =	dma.local @!p0 [hbm:s0], s1  }
0x1a2: {  	s0 =	simm.s32 @!p0 $0x3  }
0x1a3: {  	_ =	swait.ge @!p0 [sflag:s0], s1  }
0x1a4: {  	s1 =	ssub.s32 @!p0 $0x0, s1;
	[sflag:s0] =	ssyncset.done @!p0 $0x0  }
0x1a5: {  	[sflag:s0] =	ssyncadd.s32 @!p0 s1  }
0x1a6: {  	[bflag:$0x3] =	sbarrier.arrive $0xFFFF  }
0x1a7: {  	_ =	shalt  }

// kernel: kernel.9.cloned.1.call-start
scs
__scs_entry_jumppad:
0x0: {  	(pc) =	sbr.rel $0x88, $3  }
0x1: {  	(tag) =	ssettag $0x0;
	lr =	simm.s32 $0x1  }
0x2: {  	[smem:$0x3F99] =	sst lr;
	_ =	strace $0xD0000000  }
0x3: {  	_ = 	snop  }
0x4: {  	_ = 	snop  }
0x5: {  	_ = 	snop  }
0x6: {  	_ = 	snop  }
0x7: {  	_ = 	snop  }
__scs_overlays_trampoline_lowered:
0x8: {  	[smem:$0x3FA8] =	sst s0  }
0x9: {  	[smem:$0x3FA9] =	sst s1  }
0xa: {  	[smem:$0x3FAA] =	sst s2  }
0xb: {  	[smem:$0x3FAB] =	sst s3  }
0xc: {  	[smem:$0x3FAC] =	sst s4  }
0xd: {  	[smem:$0x3FAD] =	sst s5  }
0xe: {  	[smem:$0x3FAE] =	sst s6  }
0xf: {  	[smem:$0x3FAF] =	sst s7  }
0x10: {  	[smem:$0x3FB0] =	sst s8  }
0x11: {  	[smem:$0x3FB1] =	sst s9;
	s0 =	simm.s32 @!p0 $0x0  }
0x12: {  	s1 =	sld [smem:$0x3F97];
	s0 =	simm.s32 @p0 $0x1  }
0x13: {  	[smem:$0x3FB2] =	sst s0;
	s0 =	simm.s32 @!p1 $0x0  }
0x14: {  	s2 =	sld [smem:$0x3F96];
	s0 =	simm.s32 @p1 $0x1  }
0x15: {  	[smem:$0x3FB3] =	sst s0;
	s0 =	simm.s32 @!p2 $0x0  }
0x16: {  	s3 =	sld [smem:$0x3FDB];
	s0 =	simm.s32 @p2 $0x1  }
0x17: {  	s4 =	simm.s32 $0x1BF5;
	[smem:$0x3FB5] =	sst s0  }
0x18: {  	s0 =	sld [smem:$0x3F98];
	_ =	swait.ge [sflag:s4], $0x0  }
0x19: {  	s7 =	sld [smem:$0x3F99]  }
0x1a: {  	s8 =	sadd.s32 $0xFFFFE003, lr  }
0x1b: {  	s9 =	sadd.s32 $0xFFFFFEF7, lr;
	s5 =	simm.s32 $0xFFFFFFFF;
	p2 =	slt.u32 s8, $0xFFFFF086  }
0x1c: {  	p1 =	slt.u32 s9, $0xF7A;
	s5 =	simm.s32 @!p2 $0x0  }
0x1d: {  	s5 =	simm.s32 @p1 $0x1;
	p0 =	seq.s32 s7, s2  }
0x1e: {  	s7 =	smul.u32 @!p0 $0xF7A, s2;
	p2 =	seq.s32 @!p0 s5, $0x0  }
0x1f: {  	s9 =	smul.u32 $0xF7A, s1;
	s8 =	simm.s32 @!p0 $0x1BF5;
	p2 =	por !p2, p0  }
0x20: {  	[sflag:s8] =	ssyncset.s32 @!p0 $0xFFFFF086;
	s6 =	sadd.s32 @!p0 s3, s7;
	s7 =	simm.s32 @!p0 $0x108  }
0x21: {  	s3 =	sadd.s32 s3, s9;
	s6 =	sadd.s32 @!p0 $0x88, s6;
	s7 =	simm.s32 @p2 $0x1082  }
0x22: {  	[simem:s7], [sflag:s8] =	dma.local @!p0 [hbm:s6], $0xF7A  }
0x23: {  	s9 =	sor.u32 $0xD0000000, s2;
	s6 =	simm.s32 $0x108;
	_ =	swait.ge @!p0 [sflag:s8], $0x0  }
0x24: {  	s3 =	sadd.s32 $0x88, s3;
	s6 =	simm.s32 @!p1 $0x1082;
	[sflag:s4] =	ssyncset.s32 $0xFFFFF086  }
0x25: {  	[simem:s6], [sflag:s4] =	dma.local [hbm:s3], $0xF7A  }
0x26: {  	[smem:$0x3F99] =	sst s1;
	(tag) =	ssettag s2;
	_ =	strace s9  }
0x27: {  	s1 =	sld [smem:$0x3FA9]  }
0x28: {  	s2 =	sld [smem:$0x3FAA]  }
0x29: {  	s4 =	sld [smem:$0x3FAC]  }
0x2a: {  	p0 =	seq.s32 s5, $0x0;
	s5 =	sld [smem:$0x3FAD]  }
0x2b: {  	s6 =	sld [smem:$0x3FAE]  }
0x2c: {  	s7 =	sld [smem:$0x3FAF]  }
0x2d: {  	s3 =	simm.s32 $0x108;
	s8 =	sld [smem:$0x3FB0]  }
0x2e: {  	s3 =	simm.s32 @!p0 $0x1082;
	s9 =	sld [smem:$0x3FB1]  }
0x2f: {  	lr =	sadd.s32 s0, s3;
	s0 =	sld [smem:$0x3FA8]  }
0x30: {  	s3 =	sld [smem:$0x3FAB]  }
0x31: {  	[smem:$0x3FB4] =	sst s10  }
0x32: {  	s10 =	sld [smem:$0x3FB2];
	_ =	sdelay $0x3  }
0x33: {  	p0 =	seq.s32 s10, $0x1;
	s10 =	sld [smem:$0x3FB4];
	_ =	sdelay $0x3  }
0x34: {  	[smem:$0x3FB4] =	sst s10  }
0x35: {  	s10 =	sld [smem:$0x3FB3];
	_ =	sdelay $0x3  }
0x36: {  	p1 =	seq.s32 s10, $0x1;
	s10 =	sld [smem:$0x3FB4];
	_ =	sdelay $0x3  }
0x37: {  	[smem:$0x3FB4] =	sst s10  }
0x38: {  	s10 =	sld [smem:$0x3FB5]  }
0x39: {  	_ = 	snop;
	(pc) =	sbr.ind lr, $3  }
0x3a: {  	_ = 	snop  }
0x3b: {  	_ = 	snop  }
0x3c: {  	p2 =	seq.s32 s10, $0x1;
	s10 =	sld [smem:$0x3FB4]  }
0x3d: {  	_ =	shalt  }
0x3e: {  	_ =	shalt  }
0x3f: {  	_ =	shalt  }
0x40: {  	_ =	shalt  }
0x41: {  	_ =	shalt  }
0x42: {  	_ =	shalt  }
0x43: {  	_ =	shalt  }
0x44: {  	_ =	shalt  }
0x45: {  	_ =	shalt  }
0x46: {  	_ =	shalt  }
0x47: {  	_ =	shalt  }
0x48: {  	_ =	shalt  }
0x49: {  	_ =	shalt  }
0x4a: {  	_ =	shalt  }
0x4b: {  	_ =	shalt  }
0x4c: {  	_ =	shalt  }
0x4d: {  	_ =	shalt  }
0x4e: {  	_ =	shalt  }
0x4f: {  	_ =	shalt  }
0x50: {  	_ =	shalt  }
0x51: {  	_ =	shalt  }
0x52: {  	_ =	shalt  }
0x53: {  	_ =	shalt  }
0x54: {  	_ =	shalt  }
0x55: {  	_ =	shalt  }
0x56: {  	_ =	shalt  }
0x57: {  	_ =	shalt  }
0x58: {  	_ =	shalt  }
0x59: {  	_ =	shalt  }
0x5a: {  	_ =	shalt  }
0x5b: {  	_ =	shalt  }
0x5c: {  	_ =	shalt  }
0x5d: {  	_ =	shalt  }
0x5e: {  	_ =	shalt  }
0x5f: {  	_ =	shalt  }
0x60: {  	_ =	shalt  }
0x61: {  	_ =	shalt  }
0x62: {  	_ =	shalt  }
0x63: {  	_ =	shalt  }
0x64: {  	_ =	shalt  }
0x65: {  	_ =	shalt  }
0x66: {  	_ =	shalt  }
0x67: {  	_ =	shalt  }
0x68: {  	_ =	shalt  }
0x69: {  	_ =	shalt  }
0x6a: {  	_ =	shalt  }
0x6b: {  	_ =	shalt  }
0x6c: {  	_ =	shalt  }
0x6d: {  	_ =	shalt  }
0x6e: {  	_ =	shalt  }
0x6f: {  	_ =	shalt  }
0x70: {  	_ =	shalt  }
0x71: {  	_ =	shalt  }
0x72: {  	_ =	shalt  }
0x73: {  	_ =	shalt  }
0x74: {  	_ =	shalt  }
0x75: {  	_ =	shalt  }
0x76: {  	_ =	shalt  }
0x77: {  	_ =	shalt  }
0x78: {  	_ =	shalt  }
0x79: {  	_ =	shalt  }
0x7a: {  	_ =	shalt  }
0x7b: {  	_ =	shalt  }
0x7c: {  	_ =	shalt  }
0x7d: {  	_ =	shalt  }
0x7e: {  	_ =	shalt  }
0x7f: {  	_ =	shalt  }
0x80: {  	_ =	shalt  }
0x81: {  	_ =	shalt  }
0x82: {  	_ =	shalt  }
0x83: {  	_ =	shalt  }
0x84: {  	_ =	shalt  }
0x85: {  	_ =	shalt  }
0x86: {  	_ =	shalt  }
0x87: {  	_ =	shalt  }
.Lfunc_end0:
.L_simem_size_0:
called_computation_lowered:
.L_overlay_start_0:
0x88: {  	s2 =	sld [smem:$0x3FD9]  }
0x89: {  	s3 =	sld [smem:$0x3FFE];
	_ =	sdelay $0x1  }
0x8a: {  	s1 =	srdreg.scid  }
0x8b: {  	s0 =	sand.u32 $0x1, s1  }
0x8c: {  	s17 =	sshll.u32 s0, $0xA;
	s2 =	sadd.s32 s3, s2  }
0x8d: {  	s2 =	sadd.s32 s2, s17  }
0x8e: {  	[smem:$0x3FC0] =	sst s2  }
0x8f: {  	_ = 	snop  }
0x90: {  	s2 =	sld [smem:$0x3FD0];
	(tm) =	ssettm $0x1  }
0x91: {  	s18 =	sld [smem:$0x3FFB];
	_ =	sdelay $0x3  }
0x92: {  	_ =	strace s18  }
0x93: {  	s3 =	sld [smem:$0x3FFC];
	_ =	sdelay $0x3  }
0x94: {  	_ =	strace s3  }
0x95: {  	s3 =	sld [smem:$0x3FFD];
	_ =	sdelay $0x3  }
0x96: {  	_ =	strace s3  }
0x97: {  	_ =	strace $0x8FFFFFFF  }
0x98: {  	s19 =	sld [smem:$0x3FDB];
	_ =	sdelay $0x1  }
0x99: {  	s4 =	simm.s32 $_scs_section_size  }
0x9a: {  	s5 =	simm.s32 $_size__tile_overlayer_lowered;
	s6 =	simm.s32 $_tile_overlayer_lowered  }
0x9b: {  	s22 =	simm.s32 $0x1BFF;
	s21 =	sshll.u32 s6, $0x1;
	s3 =	sadd.s32 s4, s19  }
0x9c: {  	s7 =	simm.s32 $0x0;
	s20 =	sshll.u32 s5, $0x1;
	s5 =	sadd.s32 s21, s3  }
0x9d: {  	[timem:s7], [sflag:s22] =	dma.local [hbm:s5], s20  }
0x9e: {  	_ =	swait.ge [sflag:s22], s20  }
0x9f: {  	s4 =	ssub.s32 $0x0, s20;
	[sflag:s22] =	ssyncset.done $0x0  }
0xa0: {  	[sflag:s22] =	ssyncadd.s32 s4;
	_ =	sdelay $0x1  }
0xa1: {  	s23 =	simm.s32 $0x1B8B  }
0xa2: {  	_ =	swait.ge [sflag:s23], $0x1  }
0xa3: {  	[sflag:s23] =	ssyncset.done $0x0  }
0xa4: {  	s25 =	simm.s32 $0x1B8E;
	s24 =	sld [smem:$0x3FFE];
	[sflag:s23] =	ssyncadd.s32 $0xFFFFFFFF  }
0xa5: {  	s26 =	simm.s32 $execute0_lowered;
	[smem:$0x3FD2] =	sst s25  }
0xa6: {  	s5 =	sshll.u32 s26, $0x1;
	_ =	strace $0x80000046;
	[dreg:$0x1] =	wrdreg $0xFFFFFFFF  }
0xa7: {  	s28 =	simm.s32 $_size_execute0_lowered;
	s3 =	sadd.s32 s3, s5;
	[dreg:$0x0] =	wrdreg $0x0  }
0xa8: {  	s5 =	sshll.u32 s28, $0x1;
	[dreg:$0x2] =	wrdreg s3  }
0xa9: {  	[dreg:$0x3] =	wrdreg s5  }
0xaa: {  	[dreg:$0x4] =	wrdreg $0xC0  }
0xab: {  	_ =	task [dreg:s7], $0x5FFFF  }
0xac: {  	[dreg:$0x1] =	wrdreg $0xFFFFFFFF  }
0xad: {  	[dreg:$0x0] =	wrdreg $0x60  }
0xae: {  	[dreg:$0x2] =	wrdreg s2  }
0xaf: {  	[dreg:$0x3] =	wrdreg s24  }
0xb0: {  	[dreg:$0x4] =	wrdreg $0x9  }
0xb1: {  	_ =	task.clear_ibuf [dreg:s7], $0x5FFFF;
	_ =	strace $0x90000046  }
0xb2: {  	s29 =	simm.s32 $0x9;
	_ =	strace $0x80000048  }
0xb3: {  	_ =	swait.ge [sflag:s29], $0x1  }
0xb4: {  	[sflag:s29] =	ssyncadd.s32 $0xFFFFFFFF  }
0xb5: {  	_ =	strace $0x90000048  }
0xb6: {  	_ =	sfence  }
0xb7: {  	s30 =	sld [smem:$0x0];
	_ =	sdelay $0x2  }
0xb8: {  	s31 =	sshll.u32 s1, $0xD;
	s1 =	sshrl.u32 s1, $0x2  }
0xb9: {  	s3 =	sand.u32 $0x4000, s31;
	s1 =	sadd.s32 s1, s30  }
0xba: {  	s0 =	sor.u32 s3, s0;
	s1 =	sshll.u32 s1, $0x11  }
0xbb: {  	s0 =	sor.u32 s1, s0  }
0xbc: {  	s0 =	sadd.s32 $0x8F2B, s0  }
0xbd: {  	[sflag:s0] =	ssyncadd.remote.s32 $0x1  }
0xbe: {  	_ =	sfence.sel $0xFFFF  }
0xbf: {  	[dreg:$0x0] =	wrdreg $0xFFFFFFFF;
	(pc) =	sbr.abs _section_cstart, $3  }
0xc0: {  	[dreg:$0x1] =	wrdreg $0xFFFFFFFF  }
0xc1: {  	_ =	task.clear_ibuf [dreg:s7], $0x2FFFF;
	_ =	strace $0x9FFFFFFF  }
0xc2: {  	(tm) =	ssettm $0x7FFFFFFF  }
0xc3: {  	_ =	shalt  }
tec
execute0_lowered:
.L_overlay_start_1:
0x0: {  	(tag) =	ssettag $0x1  }
0x1: {  	s3 =	rddreg [dreg:$0x0]  }
0x2: {  	s4 =	rddreg [dreg:$0x1]  }
0x3: {  	v0 =	vlaneseq.u32;
	s0 =	rddreg [dreg:$0x2];
	v1 =	vimm.s32 $0x0  }
0x4: {  	v3 =	vimm.s32 $0x10;
	s5 =	srdreg.scid;
	s1 =	stileid.u32;
	vm3 =	vcmask $0x3F04;
	v4 =	vimm.s32 $0x11  }
0x5: {  	s2 =	simm.s32 $0x0;
	v5 =	vimm.s32 $0x12;
	vm4 =	vcmask $0x3F0C;
	v6 =	vimm.s32 $0x13;
	s9 =	simm.s32 $0x1;
	s10 =	simm.s32 $0x2000  }
0x6: {  	vm2 =	vcmask $0x3F10;
	v7 =	vimm.s32 $0x14;
	vm5 =	vcmask $0x3F14;
	s11 =	simm.s32 $0x2080;
	s12 =	simm.s32 $0x2100;
	s13 =	simm.s32 $0x2300  }
0x7: {  	v8 =	vimm.s32 $0x15;
	vm6 =	vcmask $0x3F18;
	v9 =	vimm.s32 $0x16;
	s14 =	simm.s32 $0x2180;
	s15 =	simm.s32 $0x2200;
	s16 =	simm.s32 $0x2280  }
0x8: {  	vm9 =	vcmask $0x3F1C;
	v10 =	vimm.s32 $0x17;
	vm10 =	vcmask $0x3F20;
	s17 =	simm.s32 $0x0;
	s5 =	sand.u32 $0x1, s5;
	s6 =	sshll.u32 s1, $0x1  }
0x9: {  	v11 =	vimm.s32 $0x18;
	vm11 =	vcmask $0x3F24;
	v12 =	vimm.s32 $0x19;
	[smem:$0x7FF] =	sst s2;
	s6 =	sor.u32 s5, s6;
	s5 =	ssub.s32 $0x2, s5  }
0xa: {  	vm12 =	vcmask $0x3F28;
	v13 =	vimm.s32 $0x1A;
	vm13 =	vcmask $0x3F2C;
	_ =	strace $0x80000047;
	s7 =	sshll.u32 s6, $0x4;
	s8 =	sshrl.u32 s5, $0x1  }
0xb: {  	v14 =	vimm.s32 $0x1B;
	vm14 =	vcmask $0x3F30;
	v17 =	vimm.s32 $0x1E;
	s31 =	sshll.u32 s6, $0xA;
	s7 =	sadd.s32 s7, s4;
	s8 =	ssub.s32 s5, s8  }
0xc: {  	v15 =	vimm.s32 $0x1C;
	vm8 =	vcmask $0x3F34;
	v2 =	vand.u32 $0x1, v0;
	s3 =	sadd.s32 s3, s31;
	s4 =	sadd.s32 $0x2600, s7;
	s5 =	sadd.s32 $0x2800, s7  }
0xd: {  	v16 =	vimm.s32 $0x1D;
	v18 =	vimm.s32 $0x1F;
	v2 =	vmul.u32 $0x40, v2;
	s6 =	sadd.s32 $0x2A00, s7;
	s7 =	sadd.s32 $0x2C00, s7;
	s8 =	smax.u32 s8, $0x1  }
.LBB2_1:
0xe: {  	[tilespmem:s2], [sflag:$0x1] =	stream.linear.gather [hbm4b:s3+s2], $0x2000, $0x38;
	[tilespmem:$0x2380] =	vst v63  }
0xf: {  	_ =	swait.ge [sflag:s9], $0x2000  }
0x10: {  	[sflag:s9] =	ssyncset.done $0x0  }
0x11: {  	[sflag:s9] =	ssyncadd.s32 $0xFFFFE000  }
0x12: {  	v22 =	vld [tilespmem:s2+$0x0];
	_ =	sdelay $0x3  }
0x13: {  	v20 =	vimm.f32 $-1.000000020e+30;
	v23 =	vimm.f32 $-1.000000020e+30  }
0x14: {  	s19 =	simm.s32 $0x1;
	s20 =	simm.s32 $0x80;
	s18 =	simm.s32 $0x0;
	v21 =	vimm.s32 $0x0;
	v19 =	vimm.s32 $0x0;
	vm0 =	vgt.f32 v22, v20  }
.LBB2_2:
0x15: {  	v24 =	vld [tilespmem:s20+$0x0];
	p0 =	sne.s32 s19, $0x3F;
	vm15 =	vgt.f32 v22, v20;
	v23 =	vsel vm0, v22, v23;
	v21 =	vsel vm0, s18, v21;
	s21 =	smov.u32 s19;
	s19 =	sadd.s32 $0x1, s19  }
.Ltmp0:
0x16: {  	v23 =	vsel vm15, v20, v23;
	v21 =	vsel vm15, v19, v21;
	v20 =	vsel vm15, v22, v20;
	(pc) =	sbr.rel @p0 .LBB2_2-.Ltmp0, $2  }
0x17: {  	v19 =	vsel vm15, s18, v19;
	s18 =	smov.u32 s21;
	_ =	sdelay $0x2  }
0x18: {  	s20 =	sadd.s32 $0x80, s20;
	vm0 =	vgt.f32 v24, v23;
	v22 =	vmov v24  }
0x19: {  	vm15 =	vgt.f32 v22, v20;
	v23 =	vsel vm0, v22, v23  }
0x1a: {  	v23 =	vsel vm15, v20, v23;
	v20 =	vsel vm15, v22, v20  }
0x1b: {  	v20 =	vsub.f32 v23, v20;
	_ =	sdelay $0x1  }
0x1c: {  	v20 =	vmul.f32 $1.442695020e+00, v20;
	_ =	sdelay $0x1  }
0x1d: {  	(erf) = vpow2.f32 v20;
	_ =	sdelay $0x8  }
0x1e: {  	v20 =	vpop (erf)  }
0x1f: {  	v20 =	vadd.f32 $1.000000000e+00, v20;
	_ =	sdelay $0x1  }
0x20: {  	(erf) = vrcp.f32 v20;
	_ =	sdelay $0x5  }
0x21: {  	v20 =	vsel vm0, s18, v21;
	_ =	sdelay $0x1  }
0x22: {  	v21 =	vsel vm15, s18, v19  }
0x23: {  	v19 =	vsel vm15, v19, v20;
	[tilespmem:$0x2000] =	vst v21;
	v20 =	vpop (erf)  }
0x24: {  	[tilespmem:$0x2040] =	vst v19;
	v21 =	vsub.f32 $1.000000000e+00, v20  }
0x25: {  	[tilespmem:$0x2080] =	vst v20  }
0x26: {  	s31 =	simm.s32 $0x10;
	[tilespmem:$0x20C0] =	vst v21  }
0x27: {  	v22 =	vld [tilespmem:s31+$0x0];
	_ =	sdelay $0x3  }
0x28: {  	v23 =	vimm.f32 $-1.000000020e+30;
	v21 =	vimm.f32 $-1.000000020e+30  }
0x29: {  	s19 =	simm.s32 $0x1;
	s20 =	simm.s32 $0x90;
	s18 =	simm.s32 $0x0;
	v19 =	vimm.s32 $0x0;
	v20 =	vimm.s32 $0x0;
	vm0 =	vgt.f32 v22, v21  }
.LBB2_4:
0x2a: {  	v24 =	vld [tilespmem:s20+$0x0];
	p0 =	sne.s32 s19, $0x3F;
	vm15 =	vgt.f32 v22, v21;
	v23 =	vsel vm0, v22, v23;
	v20 =	vsel vm0, s18, v20;
	s21 =	smov.u32 s19;
	s19 =	sadd.s32 $0x1, s19  }
.Ltmp1:
0x2b: {  	v23 =	vsel vm15, v21, v23;
	v20 =	vsel vm15, v19, v20;
	v21 =	vsel vm15, v22, v21;
	(pc) =	sbr.rel @p0 .LBB2_4-.Ltmp1, $2  }
0x2c: {  	v19 =	vsel vm15, s18, v19;
	s18 =	smov.u32 s21;
	_ =	sdelay $0x2  }
0x2d: {  	s20 =	sadd.s32 $0x80, s20;
	vm0 =	vgt.f32 v24, v23;
	v22 =	vmov v24  }
0x2e: {  	vm15 =	vgt.f32 v22, v21;
	v23 =	vsel vm0, v22, v23  }
0x2f: {  	v23 =	vsel vm15, v21, v23;
	v21 =	vsel vm15, v22, v21  }
0x30: {  	v21 =	vsub.f32 v23, v21;
	_ =	sdelay $0x1  }
0x31: {  	v21 =	vmul.f32 $1.442695020e+00, v21;
	_ =	sdelay $0x1  }
0x32: {  	(erf) = vpow2.f32 v21;
	_ =	sdelay $0x8  }
0x33: {  	v21 =	vpop (erf)  }
0x34: {  	v21 =	vadd.f32 $1.000000000e+00, v21;
	_ =	sdelay $0x1  }
0x35: {  	(erf) = vrcp.f32 v21;
	_ =	sdelay $0x5  }
0x36: {  	v20 =	vsel vm0, s18, v20;
	_ =	sdelay $0x1  }
0x37: {  	v21 =	vsel vm15, s18, v19  }
0x38: {  	v19 =	vsel vm15, v19, v20;
	[tilespmem:$0x2010] =	vst v21;
	v20 =	vpop (erf)  }
0x39: {  	[tilespmem:$0x2050] =	vst v19;
	v21 =	vsub.f32 $1.000000000e+00, v20  }
0x3a: {  	[tilespmem:$0x2090] =	vst v20  }
0x3b: {  	s31 =	simm.s32 $0x20;
	[tilespmem:$0x20D0] =	vst v21  }
0x3c: {  	v22 =	vld [tilespmem:s31+$0x0];
	_ =	sdelay $0x3  }
0x3d: {  	v23 =	vimm.f32 $-1.000000020e+30;
	v21 =	vimm.f32 $-1.000000020e+30  }
0x3e: {  	s19 =	simm.s32 $0x1;
	s20 =	simm.s32 $0xA0;
	s18 =	simm.s32 $0x0;
	v19 =	vimm.s32 $0x0;
	v20 =	vimm.s32 $0x0;
	vm0 =	vgt.f32 v22, v21  }
.LBB2_6:
0x3f: {  	v24 =	vld [tilespmem:s20+$0x0];
	p0 =	sne.s32 s19, $0x3F;
	vm15 =	vgt.f32 v22, v21;
	v23 =	vsel vm0, v22, v23;
	v20 =	vsel vm0, s18, v20;
	s21 =	smov.u32 s19;
	s19 =	sadd.s32 $0x1, s19  }
.Ltmp2:
0x40: {  	v23 =	vsel vm15, v21, v23;
	v20 =	vsel vm15, v19, v20;
	v21 =	vsel vm15, v22, v21;
	(pc) =	sbr.rel @p0 .LBB2_6-.Ltmp2, $2  }
0x41: {  	v19 =	vsel vm15, s18, v19;
	s18 =	smov.u32 s21;
	_ =	sdelay $0x2  }
0x42: {  	s20 =	sadd.s32 $0x80, s20;
	vm0 =	vgt.f32 v24, v23;
	v22 =	vmov v24  }
0x43: {  	vm15 =	vgt.f32 v22, v21;
	v23 =	vsel vm0, v22, v23  }
0x44: {  	v23 =	vsel vm15, v21, v23;
	v21 =	vsel vm15, v22, v21  }
0x45: {  	v21 =	vsub.f32 v23, v21;
	_ =	sdelay $0x1  }
0x46: {  	v21 =	vmul.f32 $1.442695020e+00, v21;
	_ =	sdelay $0x1  }
0x47: {  	(erf) = vpow2.f32 v21;
	_ =	sdelay $0x8  }
0x48: {  	v21 =	vpop (erf)  }
0x49: {  	v21 =	vadd.f32 $1.000000000e+00, v21;
	_ =	sdelay $0x1  }
0x4a: {  	(erf) = vrcp.f32 v21;
	_ =	sdelay $0x5  }
0x4b: {  	v20 =	vsel vm0, s18, v20;
	_ =	sdelay $0x1  }
0x4c: {  	v21 =	vsel vm15, s18, v19  }
0x4d: {  	v19 =	vsel vm15, v19, v20;
	[tilespmem:$0x2020] =	vst v21;
	v20 =	vpop (erf)  }
0x4e: {  	[tilespmem:$0x2060] =	vst v19;
	v21 =	vsub.f32 $1.000000000e+00, v20  }
0x4f: {  	[tilespmem:$0x20A0] =	vst v20  }
0x50: {  	s31 =	simm.s32 $0x30;
	[tilespmem:$0x20E0] =	vst v21  }
0x51: {  	v22 =	vld [tilespmem:s31+$0x0];
	_ =	sdelay $0x3  }
0x52: {  	v23 =	vimm.f32 $-1.000000020e+30;
	v21 =	vimm.f32 $-1.000000020e+30  }
0x53: {  	s19 =	simm.s32 $0x1;
	s20 =	simm.s32 $0xB0;
	s18 =	simm.s32 $0x0;
	v19 =	vimm.s32 $0x0;
	v20 =	vimm.s32 $0x0;
	vm0 =	vgt.f32 v22, v21  }
.LBB2_8:
0x54: {  	v24 =	vld [tilespmem:s20+$0x0];
	p0 =	sne.s32 s19, $0x3F;
	vm15 =	vgt.f32 v22, v21;
	v23 =	vsel vm0, v22, v23;
	v20 =	vsel vm0, s18, v20;
	s21 =	smov.u32 s19;
	s19 =	sadd.s32 $0x1, s19  }
.Ltmp3:
0x55: {  	v23 =	vsel vm15, v21, v23;
	v20 =	vsel vm15, v19, v20;
	v21 =	vsel vm15, v22, v21;
	(pc) =	sbr.rel @p0 .LBB2_8-.Ltmp3, $2  }
0x56: {  	v19 =	vsel vm15, s18, v19;
	s18 =	smov.u32 s21;
	_ =	sdelay $0x2  }
0x57: {  	s20 =	sadd.s32 $0x80, s20;
	vm0 =	vgt.f32 v24, v23;
	v22 =	vmov v24  }
0x58: {  	vm15 =	vgt.f32 v22, v21;
	v23 =	vsel vm0, v22, v23  }
0x59: {  	v23 =	vsel vm15, v21, v23;
	v21 =	vsel vm15, v22, v21  }
0x5a: {  	v21 =	vsub.f32 v23, v21;
	_ =	sdelay $0x1  }
0x5b: {  	v21 =	vmul.f32 $1.442695020e+00, v21;
	_ =	sdelay $0x1  }
0x5c: {  	(erf) = vpow2.f32 v21;
	_ =	sdelay $0x8  }
0x5d: {  	v21 =	vpop (erf)  }
0x5e: {  	v21 =	vadd.f32 $1.000000000e+00, v21;
	_ =	sdelay $0x1  }
0x5f: {  	(erf) = vrcp.f32 v21;
	_ =	sdelay $0x5  }
0x60: {  	v20 =	vsel vm0, s18, v20  }
0x61: {  	s31 =	simm.s32 $0x0;
	[tilespmem:$0x2100] =	vst v1;
	v21 =	vsel vm15, s18, v19;
	v19 =	vsel vm15, v19, v20  }
0x62: {  	[tilespmem:$0x2070] =	vst v19;
	v19 =	vor.u32 s31, v0  }
0x63: {  	[tilespmem:$0x2030] =	vst v21;
	v19 =	vshrl.u32 v19, $0x1;
	v20 =	vpop (erf)  }
0x64: {  	v21 =	vsub.f32 $1.000000000e+00, v20;
	[tilespmem:$0x20B0] =	vst v20;
	v20 =	vor.u32 v2, v19  }
0x65: {  	[tilespmem:$0x2110] =	vst v1  }
0x66: {  	[tilespmem:$0x2120] =	vst v1  }
0x67: {  	[tilespmem:$0x2130] =	vst v1  }
0x68: {  	[tilespmem:$0x20F0] =	vst v21  }
0x69: {  	v19 =	vld.idx.msk [tilespmem:v20+s10+$0x0], $0xffff;
	_ =	sdelay $0x6  }
0x6a: {  	v20 =	vld.idx.msk [tilespmem:v20+s11+$0x0], $0xffff  }
0x6b: {  	v22 =	vld.idx.msk [tilespmem:v19+s12+$0x0], $0xffff;
	[tilespmem:$0x2310] =	vst v19  }
0x6c: {  	v23 =	vld.idx.msk [tilespmem:v5+s13+$0x0], $0xffff  }
0x6d: {  	v25 =	vld.idx.msk [tilespmem:v3+s13+$0x0], $0xffff;
	_ =	sdelay $0x1  }
0x6e: {  	v21 =	vld.idx.msk [tilespmem:v6+s13+$0x0], $0xffff  }
0x6f: {  	v24 =	vld.idx.msk [tilespmem:v4+s13+$0x0], $0xffff  }
0x70: {  	vm15 =	veq.s32 v19, v23  }
0x71: {  	v26 =	vld.idx.msk [tilespmem:v7+s13+$0x0], $0xffff;
	vm1 =	vmand vm15, vm4;
	v23 =	vsel vm15, $0x1, v1;
	vm15 =	veq.s32 v19, v25  }
0x72: {  	v28 =	vimm.s32 $0x0;
	v29 =	vld.idx.msk [tilespmem:v8+s13+$0x0], $0xffff;
	v32 =	vsel vm1, $0x1, v1;
	vm1 =	vmand vm15, vm3  }
0x73: {  	vm0 =	veq.s32 v19, v21;
	v21 =	vld.idx.msk [tilespmem:v15+s13+$0x0], $0xffff;
	v28 =	vsel vm1, $0xFFFFFFFF, v28  }
0x74: {  	vm7 =	veq.s32 v19, v24;
	v27 =	vsel vm0, $0x1, v1;
	vm0 =	vmand vm0, vm2;
	[tilespmem:$0x1FFF0] =	vst v28  }
0x75: {  	v24 =	vsel vm7, $0x1, v1;
	v33 =	vsel vm0, $0x1, v1;
	v30 =	vld [tilespmem:$0x1FFF0]  }
0x76: {  	v25 =	vld.idx.msk [tilespmem:v9+s13+$0x0], $0xffff;
	vm0 =	veq.s32 v19, v26;
	vm1 =	vcmask $0x3F08;
	v28 =	vsel vm15, $0x1, v1  }
0x77: {  	vm1 =	vmand vm7, vm1;
	vm15 =	veq.s32 v19, v29;
	vm7 =	vcmask $0x3F3C  }
0x78: {  	v26 =	vadd.s32 v28, v22;
	v28 =	vsel vm0, $0x1, v1;
	vm2 =	veq.s32 v19, v21  }
0x79: {  	vm0 =	vmand vm0, vm5;
	v24 =	vadd.s32 v24, v26;
	v21 =	vsel vm2, $0x1, v1  }
0x7a: {  	v26 =	vld.idx.msk [tilespmem:v10+s13+$0x0], $0xffff;
	v24 =	vadd.s32 v23, v24;
	v23 =	vsel vm0, $0x1, v1;
	vm0 =	vnez.u8 v30  }
0x7b: {  	v24 =	vadd.s32 v27, v24;
	v27 =	vld.idx.msk [tilespmem:v11+s13+$0x0], $0xffff;
	v30 =	vsel vm0, $0x1, v1;
	vm0 =	veq.s32 v19, v25  }
0x7c: {  	v28 =	vadd.s32 v28, v24;
	v25 =	vsel vm1, $0x1, v1;
	v29 =	vsel vm0, $0x1, v1  }
0x7d: {  	v24 =	vadd.s32 v30, v22;
	v30 =	vsel vm15, $0x1, v1;
	vm0 =	vmand vm0, vm9  }
0x7e: {  	v34 =	vld.idx.msk [tilespmem:v13+s13+$0x0], $0xffff;
	vm15 =	vmand vm15, vm6;
	v22 =	vsel vm0, $0x1, v1;
	v35 =	vadd.s32 v25, v24  }
0x7f: {  	v24 =	vsel vm15, $0x1, v1;
	vm0 =	veq.s32 v19, v26;
	v26 =	vadd.s32 v30, v28;
	v30 =	vld.idx.msk [tilespmem:v12+s13+$0x0], $0xffff  }
0x80: {  	vm15 =	vmand vm2, vm8;
	vm1 =	veq.s32 v19, v27;
	v25 =	vsel vm0, $0x1, v1  }
0x81: {  	s21 =	simm.s32 $0x2180;
	v31 =	vld.idx.msk [tilespmem:v14+s13+$0x0], $0xffff;
	vm0 =	vmand vm0, vm10;
	vm2 =	vmand vm1, vm11;
	v29 =	vadd.s32 v29, v26  }
0x82: {  	s22 =	simm.s32 $0x2200;
	s23 =	simm.s32 $0x2280;
	s24 =	simm.s32 $0x10;
	v28 =	vsel vm1, $0x1, v1;
	v35 =	vadd.s32 v32, v35;
	v26 =	vsel vm0, $0x1, v1  }
0x83: {  	s20 =	simm.s32 $0x2180;
	s19 =	simm.s32 $0x2200;
	s18 =	simm.s32 $0x2280;
	v32 =	vld.idx.msk [tilespmem:v16+s13+$0x0], $0xffff;
	v27 =	vsel vm2, $0x1, v1;
	vm0 =	veq.s32 v19, v34;
	v33 =	vadd.s32 v33, v35  }
.LBB2_10:
0x84: {  	vm1 =	veq.s32 v19, v30;
	v30 =	vsel vm0, $0x1, v1;
	v23 =	vadd.s32 v23, v33;
	s21 =	sadd.s32 $0x10, s21;
	s22 =	sadd.s32 $0x10, s22;
	s23 =	sadd.s32 $0x10, s23  }
0x85: {  	p0 =	sne.s32 s24, $0x70;
	s25 =	smov.u32 s24;
	s24 =	sadd.s32 $0x10, s24;
	vm0 =	vmand vm0, vm13;
	vm2 =	vmand vm1, vm12;
	v33 =	vsel vm1, $0x1, v1  }
0x86: {  	v25 =	vadd.s32 v25, v29;
	vm1 =	veq.s32 v19, v31;
	v23 =	vadd.s32 v24, v23;
	v31 =	vld.idx.msk [tilespmem:v17+s13+$0x0], $0xffff  }
0x87: {  	v29 =	vsel vm0, $0x1, v1;
	v24 =	vsel vm2, $0x1, v1;
	v34 =	vsel vm1, $0x1, v1  }
0x88: {  	v25 =	vadd.s32 v28, v25;
	v22 =	vadd.s32 v22, v23;
	vm0 =	veq.s32 v19, v32  }
0x89: {  	vm1 =	vmand vm1, vm14;
	v22 =	vadd.s32 v26, v22;
	v23 =	vsel vm0, $0x1, v1;
	v32 =	vld.idx.msk [tilespmem:v18+s13+$0x0], $0xffff  }
0x8a: {  	v25 =	vadd.s32 v33, v25;
	vm2 =	vcmask $0x3F38;
	v22 =	vadd.s32 v27, v22  }
0x8b: {  	v26 =	vsel vm1, $0x1, v1;
	v25 =	vadd.s32 v30, v25;
	v22 =	vadd.s32 v24, v22  }
0x8c: {  	v25 =	vadd.s32 v34, v25;
	v24 =	vor.u32 s25, v0;
	vm1 =	veq.s32 v19, v31  }
0x8d: {  	vm0 =	vmand vm0, vm2;
	v21 =	vadd.s32 v21, v25;
	v24 =	vshrl.u32 v24, $0x1  }
0x8e: {  	v25 =	vsel vm0, $0x1, v1;
	v21 =	vadd.s32 v23, v21;
	v24 =	vor.u32 v2, v24  }
0x8f: {  	v23 =	vsel vm15, $0x1, v1;
	v27 =	vsel vm1, $0x1, v1;
	vm0 =	veq.s32 v19, v32  }
0x90: {  	v22 =	vadd.s32 v29, v22;
	v21 =	vadd.s32 v27, v21;
	v28 =	vsel vm0, $0x1, v1  }
0x91: {  	v22 =	vadd.s32 v26, v22;
	v21 =	vadd.s32 v28, v21  }
0x92: {  	vm0 =	vmand vm1, vm7;
	[tilespmem:v19+s12+$0x0] =	vst.idx.msk $0xffff, v21;
	v21 =	vadd.s32 v23, v22  }
0x93: {  	v22 =	vsel vm0, $0x1, v1;
	[tilespmem:s20+$0x0] =	vst v19;
	v19 =	vadd.s32 v25, v21;
	s20 =	smov.u32 s21  }
0x94: {  	[tilespmem:s19+$0x0] =	vst v20;
	v19 =	vadd.s32 v22, v19;
	s19 =	smov.u32 s22  }
0x95: {  	[tilespmem:s18+$0x0] =	vst v19;
	s18 =	smov.u32 s23  }
0x96: {  	v19 =	vld.idx.msk [tilespmem:v24+s10+$0x0], $0xffff;
	_ =	sdelay $0x3  }
0x97: {  	v20 =	vld.idx.msk [tilespmem:v24+s11+$0x0], $0xffff;
	_ =	sdelay $0x3  }
0x98: {  	v22 =	vld.idx.msk [tilespmem:v19+s12+$0x0], $0xffff  }
0x99: {  	[tilespmem:$0x2310] =	vst v19  }
0x9a: {  	v21 =	vld.idx.msk [tilespmem:v6+s13+$0x0], $0xffff  }
0x9b: {  	v23 =	vld.idx.msk [tilespmem:v5+s13+$0x0], $0xffff  }
0x9c: {  	v24 =	vld.idx.msk [tilespmem:v4+s13+$0x0], $0xffff  }
0x9d: {  	vm5 =	vmmov vm8;
	vm8 =	vmmov vm14;
	vm14 =	vmmov vm13;
	v25 =	vld.idx.msk [tilespmem:v3+s13+$0x0], $0xffff  }
0x9e: {  	vm13 =	vmmov vm12;
	vm12 =	vmmov vm11;
	vm11 =	vmmov vm10;
	v26 =	vld.idx.msk [tilespmem:v7+s13+$0x0], $0xffff  }
0x9f: {  	vm10 =	vmmov vm9;
	vm9 =	vmmov vm6;
	v27 =	vld.idx.msk [tilespmem:v15+s13+$0x0], $0xffff;
	vm0 =	veq.s32 v19, v21  }
0xa0: {  	vm6 =	vmmov vm4;
	vm1 =	veq.s32 v19, v23;
	v28 =	vsel vm0, $0x1, v1  }
0xa1: {  	vm2 =	veq.s32 v19, v24;
	vm15 =	vmand vm1, vm4;
	v23 =	vsel vm1, $0x1, v1  }
0xa2: {  	vm1 =	veq.s32 v19, v25;
	v21 =	vsel vm2, $0x1, v1;
	v33 =	vsel vm15, $0x1, v1  }
0xa3: {  	vm4 =	vmand vm1, vm3;
	v25 =	vsel vm1, $0x1, v1;
	vm1 =	vcmask $0x3F10  }
0xa4: {  	v29 =	vld.idx.msk [tilespmem:v8+s13+$0x0], $0xffff;
	vm0 =	vmand vm0, vm1;
	v25 =	vadd.s32 v25, v22;
	vm15 =	veq.s32 v19, v27  }
0xa5: {  	vm1 =	vcmask $0x3F14;
	v34 =	vsel vm0, $0x1, v1;
	vm0 =	veq.s32 v19, v26  }
0xa6: {  	v24 =	vld.idx.msk [tilespmem:v9+s13+$0x0], $0xffff;
	v25 =	vadd.s32 v21, v25;
	v21 =	vsel vm15, $0x1, v1;
	v31 =	vsel vm0, $0x1, v1  }
0xa7: {  	vm0 =	vmand vm0, vm1;
	v25 =	vadd.s32 v23, v25;
	vm1 =	vcmask $0x3F08  }
0xa8: {  	v26 =	vld.idx.msk [tilespmem:v10+s13+$0x0], $0xffff;
	vm1 =	vmand vm2, vm1;
	v23 =	vsel vm0, $0x1, v1;
	v25 =	vadd.s32 v28, v25  }
0xa9: {  	v28 =	vsel vm4, $0x1, v1;
	vm4 =	vmmov vm6;
	vm6 =	vmmov vm9  }
0xaa: {  	v27 =	vld.idx.msk [tilespmem:v11+s13+$0x0], $0xffff;
	vm9 =	vmmov vm10;
	vm10 =	vmmov vm11;
	vm11 =	vmmov vm12  }
0xab: {  	vm12 =	vmmov vm13;
	vm13 =	vmmov vm14;
	vm14 =	vmmov vm8  }
0xac: {  	vm8 =	vmmov vm5;
	vm0 =	veq.s32 v19, v24;
	v32 =	vadd.s32 v31, v25;
	v30 =	vld.idx.msk [tilespmem:v12+s13+$0x0], $0xffff  }
0xad: {  	vm2 =	veq.s32 v19, v29;
	v24 =	vadd.s32 v28, v22;
	v29 =	vsel vm0, $0x1, v1  }
0xae: {  	v25 =	vsel vm1, $0x1, v1;
	v28 =	vsel vm2, $0x1, v1;
	vm0 =	vmand vm0, vm9;
	v35 =	vld.idx.msk [tilespmem:v13+s13+$0x0], $0xffff  }
0xaf: {  	vm1 =	vmand vm2, vm6;
	v36 =	vadd.s32 v25, v24;
	v22 =	vsel vm0, $0x1, v1  }
.Ltmp4:
0xb0: {  	vm15 =	vmand vm15, vm5;
	v24 =	vsel vm1, $0x1, v1;
	vm0 =	veq.s32 v19, v26;
	v31 =	vld.idx.msk [tilespmem:v14+s13+$0x0], $0xffff;
	(pc) =	sbr.rel @p0 .LBB2_10-.Ltmp4, $4  }
0xb1: {  	v26 =	vadd.s32 v28, v32;
	v25 =	vsel vm0, $0x1, v1;
	vm1 =	veq.s32 v19, v27  }
0xb2: {  	vm0 =	vmand vm0, vm10;
	v29 =	vadd.s32 v29, v26;
	vm2 =	vmand vm1, vm11  }
0xb3: {  	v33 =	vadd.s32 v33, v36;
	v26 =	vsel vm0, $0x1, v1;
	v28 =	vsel vm1, $0x1, v1;
	v32 =	vld.idx.msk [tilespmem:v16+s13+$0x0], $0xffff  }
0xb4: {  	v33 =	vadd.s32 v34, v33;
	v27 =	vsel vm2, $0x1, v1;
	vm0 =	veq.s32 v19, v35  }
0xb5: {  	vm1 =	veq.s32 v19, v30  }
0xb6: {  	v50 =	vsel vm0, $0x1, v1;
	v23 =	vadd.s32 v23, v33;
	vm0 =	vmand vm0, vm13  }
0xb7: {  	v25 =	vadd.s32 v25, v29;
	vm2 =	vmand vm1, vm12;
	v51 =	vsel vm1, $0x1, v1  }
0xb8: {  	vm1 =	veq.s32 v19, v31;
	v23 =	vadd.s32 v24, v23;
	v54 =	vsel vm0, $0x1, v1  }
0xb9: {  	v53 =	vld.idx.msk [tilespmem:v17+s13+$0x0], $0xffff;
	v25 =	vadd.s32 v28, v25;
	v52 =	vsel vm2, $0x1, v1;
	v34 =	vsel vm1, $0x1, v1  }
0xba: {  	v55 =	vld.idx.msk [tilespmem:v18+s13+$0x0], $0xffff;
	v22 =	vadd.s32 v22, v23;
	v25 =	vadd.s32 v51, v25;
	vm1 =	vmand vm1, vm14  }
0xbb: {  	vm2 =	vcmask $0x3F38;
	vm0 =	veq.s32 v19, v32;
	v22 =	vadd.s32 v26, v22  }
0xbc: {  	v25 =	vadd.s32 v50, v25;
	v57 =	vsel vm1, $0x1, v1;
	v56 =	vsel vm0, $0x1, v1  }
0xbd: {  	v22 =	vadd.s32 v27, v22;
	v58 =	vadd.s32 v34, v25;
	vm0 =	vmand vm0, vm2  }
0xbe: {  	v22 =	vadd.s32 v52, v22;
	vm1 =	veq.s32 v19, v53;
	v21 =	vadd.s32 v21, v58  }
0xbf: {  	vm2 =	veq.s32 v19, v55;
	v21 =	vadd.s32 v56, v21;
	v59 =	vsel vm1, $0x1, v1  }
0xc0: {  	v23 =	vsel vm2, $0x1, v1;
	v22 =	vadd.s32 v54, v22;
	v21 =	vadd.s32 v59, v21  }
0xc1: {  	v60 =	vsel vm15, $0x1, v1;
	v22 =	vadd.s32 v57, v22;
	v21 =	vadd.s32 v23, v21  }
0xc2: {  	v61 =	vsel vm0, $0x1, v1;
	vm0 =	vmand vm1, vm7;
	v62 =	vadd.s32 v60, v22;
	[tilespmem:v19+s12+$0x0] =	vst.idx.msk $0xffff, v21  }
0xc3: {  	v63 =	vsel vm0, $0x1, v1;
	[tilespmem:s20+$0x0] =	vst v19;
	v19 =	vadd.s32 v61, v62  }
0xc4: {  	[tilespmem:s19+$0x0] =	vst v20;
	v19 =	vadd.s32 v63, v19  }
0xc5: {  	[tilespmem:s18+$0x0] =	vst v19  }
0xc6: {  	[hbm4b:s4+s2] =	stream.linear.scatter [tilespmem:s14], [sflag:$0x1], $0x80, $0x38;
	[tilespmem:$0x2380] =	vst v63  }
0xc7: {  	_ =	swait.ge [sflag:s9], $0x80  }
0xc8: {  	[sflag:s9] =	ssyncset.done $0x0  }
0xc9: {  	[sflag:s9] =	ssyncadd.s32 $0xFFFFFF80  }
0xca: {  	[hbm4b:s5+s2] =	stream.linear.scatter [tilespmem:s15], [sflag:$0x1], $0x80, $0x38;
	[tilespmem:$0x2380] =	vst v63  }
0xcb: {  	_ =	swait.ge [sflag:s9], $0x80  }
0xcc: {  	[sflag:s9] =	ssyncset.done $0x0  }
0xcd: {  	[sflag:s9] =	ssyncadd.s32 $0xFFFFFF80  }
0xce: {  	[hbm4b:s6+s2] =	stream.linear.scatter [tilespmem:s16], [sflag:$0x1], $0x80, $0x38;
	[tilespmem:$0x2380] =	vst v63  }
0xcf: {  	s17 =	sadd.s32 $0x1, s17;
	_ =	swait.ge [sflag:s9], $0x80  }
0xd0: {  	p0 =	sne.s32 s17, s8;
	[sflag:s9] =	ssyncset.done $0x0  }
.Ltmp5:
0xd1: {  	[sflag:s9] =	ssyncadd.s32 $0xFFFFFF80;
	(pc) =	sbr.rel @p0 .LBB2_1-.Ltmp5, $4  }
0xd2: {  	[hbm4b:s7+s2] =	stream.linear.scatter [tilespmem:s12], [sflag:$0x1], $0x80, $0x38;
	[tilespmem:$0x2380] =	vst v63  }
0xd3: {  	_ =	swait.ge [sflag:s9], $0x80  }
0xd4: {  	[sflag:s9] =	ssyncset.done $0x0  }
0xd5: {  	vm5 =	vcmask $0x3F14;
	vm2 =	vcmask $0x3F10;
	[sflag:s9] =	ssyncadd.s32 $0xFFFFFF80  }
0xd6: {  	_ =	sfence.sel $0x180000  }
0xd7: {  	[bflag:$0x0] =	sbarrier.arrive $0xFFFF  }
0xd8: {  	p0 =	sne.s32 s1, $0x0;
	_ =	strace $0x90000047  }
0xd9: {  	s0 =	sadd.s32 @!p0 $0x100000, s0;
	[bflag:$0x2] =	sbarrier.arrive $0xFFFF  }
0xda: {  	[sflag:s0] =	ssyncadd.tile.s32 @!p0 $0x1;
	_ =	shalt  }
.Lfunc_end2:
_tile_overlayer_lowered:
.L_overlay_start_2:
0xdb: {  	(tag) =	ssettag $0x2  }
0xdc: {  	s0 =	rddreg [dreg:$0x0];
	s2 =	stileid.u32  }
0xdd: {  	s1 =	rddreg [dreg:$0x1];
	p0 =	sne.s32 s2, $0x0  }
0xde: {  	s3 =	rddreg [dreg:$0x2];
	[bflag:$0x3] =	sbarrier.arrive $0xFFFF;
	s2 =	simm.s32 @!p0 $0x1C01  }
0xdf: {  	[timem:s3], [sflag:s2] =	dma.local @!p0 [hbm:s0], s1  }
0xe0: {  	s0 =	simm.s32 @!p0 $0x1  }
0xe1: {  	_ =	swait.ge @!p0 [sflag:s0], s1  }
0xe2: {  	s1 =	ssub.s32 @!p0 $0x0, s1;
	[sflag:s0] =	ssyncset.done @!p0 $0x0  }
0xe3: {  	[sflag:s0] =	ssyncadd.s32 @!p0 s1  }
0xe4: {  	[bflag:$0x3] =	sbarrier.arrive $0xFFFF  }
0xe5: {  	_ =	shalt  }

</sc_bundles>
